<compile_context>
chip_gen: v7x
topology: tpu7x:2x2x1
jax: 0.10.2.dev20260603
libtpu: 0.0.44.dev20260713+nightly
codegen_flags: <defaults>
</compile_context>

<pallas_src>
import functools

import jax
import jax.numpy as jnp
from jax import lax
from jax.experimental import pallas as pl
from jax.experimental.pallas import tpu as pltpu
from jax.experimental.pallas import tpu_sc as plsc

_N = 8192
_L = 128
_U = 64

_TC_N = 5120
_TC_R = _TC_N // _L

_SC_N = _N - _TC_N
_NW = 32
_PT = _SC_N // _NW
_NV = _PT // 16
_SC_U = 16


def _vq_tc_kernel(w_ref, x_ref, val_ref, idx_ref):
    xv = x_ref[...]

    def body(t, carry):
        bd, bj, bv = carry
        for u in range(_U):
            j = t * _U + u
            c = w_ref[j]
            d = xv - c
            d = d * d
            m = d < bd
            bd = jnp.where(m, d, bd)
            bj = jnp.where(m, j, bj)
            bv = jnp.where(m, c, bv)
        return bd, bj, bv

    bd0 = jnp.full((_TC_R, _L), jnp.inf, jnp.float32)
    bj0 = jnp.zeros((_TC_R, _L), jnp.int32)
    bv0 = jnp.zeros((_TC_R, _L), jnp.float32)
    _, bj, bv = jax.lax.fori_loop(0, _N // _U, body, (bd0, bj0, bv0))

    idx_ref[...] = bj
    val_ref[...] = bv


def _vq_sc_body(w_hbm, x_hbm, val_hbm, idx_hbm, codes_v, xv_v, valv_v, idxv_v):
    wid = lax.axis_index("s") * 2 + lax.axis_index("c")
    base = wid * _PT
    pltpu.sync_copy(x_hbm.at[pl.ds(base, _PT)], xv_v)
    pltpu.sync_copy(w_hbm, codes_v)
    xs = [xv_v[pl.ds(16 * i, 16)] for i in range(_NV)]

    def body(t, carry):
        bds, bjs, bvs = carry
        cvec = codes_v[pl.ds(t * _SC_U, _SC_U)]
        for u in range(_SC_U):
            j = t * _SC_U + u
            jv = jnp.full((16,), j, jnp.int32)
            c = lax.gather(
                cvec,
                jnp.full((16, 1), u, jnp.int32),
                lax.GatherDimensionNumbers(
                    offset_dims=(),
                    collapsed_slice_dims=(0,),
                    start_index_map=(0,),
                ),
                slice_sizes=(1,),
                mode=lax.GatherScatterMode.PROMISE_IN_BOUNDS,
            )
            bds2, bjs2, bvs2 = [], [], []
            for i in range(_NV):
                d = xs[i] - c
                d = d * d
                m = d < bds[i]
                bds2.append(jnp.where(m, d, bds[i]))
                bjs2.append(jnp.where(m, jv, bjs[i]))
                bvs2.append(jnp.where(m, c, bvs[i]))
            bds, bjs, bvs = bds2, bjs2, bvs2
        return bds, bjs, bvs

    bd0 = [jnp.full((16,), jnp.inf, jnp.float32) for _ in range(_NV)]
    bj0 = [jnp.zeros((16,), jnp.int32) for _ in range(_NV)]
    bv0 = [jnp.zeros((16,), jnp.float32) for _ in range(_NV)]
    _, bj, bv = lax.fori_loop(0, _N // _SC_U, body, (bd0, bj0, bv0))

    for i in range(_NV):
        valv_v[pl.ds(16 * i, 16)] = bv[i]
        idxv_v[pl.ds(16 * i, 16)] = bj[i]
    pltpu.sync_copy(valv_v, val_hbm.at[pl.ds(base, _PT)])
    pltpu.sync_copy(idxv_v, idx_hbm.at[pl.ds(base, _PT)])


_vq_sc = functools.partial(
    pl.kernel,
    out_type=[
        jax.ShapeDtypeStruct((_SC_N,), jnp.float32),
        jax.ShapeDtypeStruct((_SC_N,), jnp.int32),
    ],
    mesh=plsc.VectorSubcoreMesh(core_axis_name="c", subcore_axis_name="s"),
    scratch_types=[
        pltpu.VMEM((_N,), jnp.float32),
        pltpu.VMEM((_PT,), jnp.float32),
        pltpu.VMEM((_PT,), jnp.float32),
        pltpu.VMEM((_PT,), jnp.int32),
    ],
)(_vq_sc_body)


def kernel(x, weight):
    shape = x.shape
    xf = x.reshape(_N)
    wf = weight.reshape(_N)

    val_tc, idx_tc = pl.pallas_call(
        _vq_tc_kernel,
        in_specs=[
            pl.BlockSpec(memory_space=pltpu.MemorySpace.SMEM),
            pl.BlockSpec(memory_space=pltpu.MemorySpace.VMEM),
        ],
        out_specs=[
            pl.BlockSpec(memory_space=pltpu.MemorySpace.VMEM),
            pl.BlockSpec(memory_space=pltpu.MemorySpace.VMEM),
        ],
        out_shape=[
            jax.ShapeDtypeStruct((_TC_R, _L), jnp.float32),
            jax.ShapeDtypeStruct((_TC_R, _L), jnp.int32),
        ],
    )(wf, xf[:_TC_N].reshape(_TC_R, _L))

    val_sc, idx_sc = _vq_sc(wf, xf[_TC_N:])

    val = jnp.concatenate([val_tc.reshape(_TC_N), val_sc])
    idx = jnp.concatenate([idx_tc.reshape(_TC_N), idx_sc])
    return val.reshape(shape), idx.reshape(shape)

# --- scband reference (transcript-rebuilt; emitter-appended) ---
"""Pipeline reference for scband-nearest-embed-ema-45999099740650 (READ-ONLY COPY).

The authoritative reference and input builder live on the scoring server;
editing this copy changes nothing except your own understanding.
"""

import jax, jax.numpy as jnp
import numpy as np

N_EMB = 8192
EMB_DIM = 1

def setup_inputs(seed: int = 0) -> dict:
    key = jax.random.key(seed)
    kx, kw = jax.random.split(key)
    x = jax.random.normal(kx, (8, EMB_DIM, 32, 32), dtype=jnp.float32)
    # rd_init=True -> torch.rand(emb_dim, n_emb), uniform [0,1)
    weight = jax.random.uniform(kw, (EMB_DIM, N_EMB), dtype=jnp.float32)
    return {"x": x, "weight": weight}

def reference(x, weight):
    # x: (B, emb_dim, *spatial); weight: (emb_dim, n_emb)
    B = x.shape[0]
    spatial = x.shape[2:]
    ndim = x.ndim
    # x_expanded: (B, emb_dim, *spatial, 1)
    x_expanded = x[..., None]
    # emb_expanded: (emb_dim, *ones, n_emb) -> broadcast against x_expanded
    emb_expanded = weight.reshape((EMB_DIM,) + (1,) * len(spatial) + (N_EMB,))
    # per-scalar squared distance to every code: (B, emb_dim, *spatial, n_emb)
    dist = (x_expanded - emb_expanded) ** 2
    argmin = jnp.argmin(dist, axis=-1)  # (B, emb_dim, *spatial)
    # gather codes: weight.T is (n_emb, emb_dim)
    shifted_shape = (B,) + tuple(spatial) + (x.shape[1],)
    flat_idx = argmin.reshape(-1)
    result = jnp.take(weight.T, flat_idx, axis=0).reshape(shifted_shape)
    # permute(0, dims[-1], *dims[1:-1])
    perm = (0, ndim - 1) + tuple(range(1, ndim - 1))
    result = jnp.transpose(result, perm)  # (B, emb_dim, *spatial)
    return result, argmin

if __name__ == "__main__":
    import jax
    _d = setup_inputs()
    print(jax.jit(kernel)(*tuple(_d.values())))

</pallas_src>

<mosaic_0001>
#map = affine_map<(d0, d1) -> (0)>
module attributes {stable_mosaic.version = 14 : i64} {
  func.func @_vq_sc_body(%arg0: i32, %arg1: i32, %arg2: memref<8192xf32, #tpu.memory_space<hbm>>, %arg3: memref<3072xf32, #tpu.memory_space<hbm>>, %arg4: memref<3072xf32, #tpu.memory_space<hbm>>, %arg5: memref<3072xi32, #tpu.memory_space<hbm>>, %arg6: memref<8192xf32, #tpu.memory_space<vmem>>, %arg7: memref<96xf32, #tpu.memory_space<vmem>>, %arg8: memref<96xf32, #tpu.memory_space<vmem>>, %arg9: memref<96xi32, #tpu.memory_space<vmem>>) attributes {dimension_semantics = [#tpu.dimension_semantics<core_parallel>, #tpu.dimension_semantics<subcore_parallel>], iteration_bounds = array<i64: 2, 16>, scalar_prefetch = 0 : i64, scratch_operands = 4 : i64, tpu.core_type = #tpu.core_type<sc_vector_subcore>, window_params = [{transform_indices = #map}, {transform_indices = #map}, {transform_indices = #map}, {transform_indices = #map}]} {
    %mul3A = arith.constant 2 : i32
    %mul3A_0 = arith.muli %arg1, %mul3A : i32
    %add3A = arith.addi %mul3A_0, %arg0 : i32
    %mul3A_1 = arith.constant 96 : i32
    %mul3A_2 = arith.muli %add3A, %mul3A_1 : i32
    "tpu.region"() ({
      %run_scoped3A = tpu.sem_alloc : memref<!tpu.dma_semaphore, #tpu.memory_space<semaphore_mem>>
      %dma_start3A = tpu.memref_slice %arg3[%mul3A_2] : memref<3072xf32, #tpu.memory_space<hbm>> -> memref<96xf32, #tpu.memory_space<hbm>>
      %dma_start3A_107 = tpu.memref_slice %arg3[%mul3A_2] : memref<3072xf32, #tpu.memory_space<hbm>> -> memref<96xf32, #tpu.memory_space<hbm>>
      tpu.enqueue_dma source(%dma_start3A_107 : memref<96xf32, #tpu.memory_space<hbm>>) target(%arg7 : memref<96xf32, #tpu.memory_space<vmem>>) target_semaphore(%run_scoped3A : memref<!tpu.dma_semaphore, #tpu.memory_space<semaphore_mem>>)
      %dma_wait3A = tpu.memref_slice %arg3[%mul3A_2] : memref<3072xf32, #tpu.memory_space<hbm>> -> memref<96xf32, #tpu.memory_space<hbm>>
      %dma_wait3A_108 = tpu.memref_slice %arg3[%mul3A_2] : memref<3072xf32, #tpu.memory_space<hbm>> -> memref<96xf32, #tpu.memory_space<hbm>>
      tpu.wait_dma2 semaphore(%run_scoped3A : memref<!tpu.dma_semaphore, #tpu.memory_space<semaphore_mem>>) src(%dma_wait3A_108 : memref<96xf32, #tpu.memory_space<hbm>>) dst(%arg7 : memref<96xf32, #tpu.memory_space<vmem>>)
      tpu.yield
    }) : () -> ()
    "tpu.region"() ({
      %run_scoped3A = tpu.sem_alloc : memref<!tpu.dma_semaphore, #tpu.memory_space<semaphore_mem>>
      tpu.enqueue_dma source(%arg2 : memref<8192xf32, #tpu.memory_space<hbm>>) target(%arg6 : memref<8192xf32, #tpu.memory_space<vmem>>) target_semaphore(%run_scoped3A : memref<!tpu.dma_semaphore, #tpu.memory_space<semaphore_mem>>)
      tpu.wait_dma2 semaphore(%run_scoped3A : memref<!tpu.dma_semaphore, #tpu.memory_space<semaphore_mem>>) src(%arg2 : memref<8192xf32, #tpu.memory_space<hbm>>) dst(%arg6 : memref<8192xf32, #tpu.memory_space<vmem>>)
      tpu.yield
    }) : () -> ()
    %get3A = arith.constant 0 : index
    %get3A_3 = tpu.vector_load %arg7[%get3A] {strides = array<i32>} : memref<96xf32, #tpu.memory_space<vmem>>, vector<16xf32>,
    %get3A_4 = vector.shape_cast %get3A_3 : vector<16xf32> to vector<16xf32>
    %get3A_5 = arith.constant 16 : index
    %get3A_6 = tpu.vector_load %arg7[%get3A_5] {strides = array<i32>} : memref<96xf32, #tpu.memory_space<vmem>>, vector<16xf32>,
    %get3A_7 = vector.shape_cast %get3A_6 : vector<16xf32> to vector<16xf32>
    %get3A_8 = arith.constant 32 : index
    %get3A_9 = tpu.vector_load %arg7[%get3A_8] {strides = array<i32>} : memref<96xf32, #tpu.memory_space<vmem>>, vector<16xf32>,
    %get3A_10 = vector.shape_cast %get3A_9 : vector<16xf32> to vector<16xf32>
    %get3A_11 = arith.constant 48 : index
    %get3A_12 = tpu.vector_load %arg7[%get3A_11] {strides = array<i32>} : memref<96xf32, #tpu.memory_space<vmem>>, vector<16xf32>,
    %get3A_13 = vector.shape_cast %get3A_12 : vector<16xf32> to vector<16xf32>
    %get3A_14 = arith.constant 64 : index
    %get3A_15 = tpu.vector_load %arg7[%get3A_14] {strides = array<i32>} : memref<96xf32, #tpu.memory_space<vmem>>, vector<16xf32>,
    %get3A_16 = vector.shape_cast %get3A_15 : vector<16xf32> to vector<16xf32>
    %get3A_17 = arith.constant 80 : index
    %get3A_18 = tpu.vector_load %arg7[%get3A_17] {strides = array<i32>} : memref<96xf32, #tpu.memory_space<vmem>>, vector<16xf32>,
    %get3A_19 = vector.shape_cast %get3A_18 : vector<16xf32> to vector<16xf32>
    %broadcast_in_dim3A = arith.constant 0x7F800000 : f32
    %broadcast_in_dim3A_20 = vector.broadcast %broadcast_in_dim3A : f32 to vector<16xf32>
    %broadcast_in_dim3A_21 = arith.constant 0x7F800000 : f32
    %broadcast_in_dim3A_22 = vector.broadcast %broadcast_in_dim3A_21 : f32 to vector<16xf32>
    %broadcast_in_dim3A_23 = arith.constant 0x7F800000 : f32
    %broadcast_in_dim3A_24 = vector.broadcast %broadcast_in_dim3A_23 : f32 to vector<16xf32>
    %broadcast_in_dim3A_25 = arith.constant 0x7F800000 : f32
    %broadcast_in_dim3A_26 = vector.broadcast %broadcast_in_dim3A_25 : f32 to vector<16xf32>
    %broadcast_in_dim3A_27 = arith.constant 0x7F800000 : f32
    %broadcast_in_dim3A_28 = vector.broadcast %broadcast_in_dim3A_27 : f32 to vector<16xf32>
    %broadcast_in_dim3A_29 = arith.constant 0x7F800000 : f32
    %broadcast_in_dim3A_30 = vector.broadcast %broadcast_in_dim3A_29 : f32 to vector<16xf32>
    %broadcast_in_dim3A_31 = arith.constant 0 : i32
    %broadcast_in_dim3A_32 = vector.broadcast %broadcast_in_dim3A_31 : i32 to vector<16xi32>
    %broadcast_in_dim3A_33 = arith.constant 0 : i32
    %broadcast_in_dim3A_34 = vector.broadcast %broadcast_in_dim3A_33 : i32 to vector<16xi32>
    %broadcast_in_dim3A_35 = arith.constant 0 : i32
    %broadcast_in_dim3A_36 = vector.broadcast %broadcast_in_dim3A_35 : i32 to vector<16xi32>
    %broadcast_in_dim3A_37 = arith.constant 0 : i32
    %broadcast_in_dim3A_38 = vector.broadcast %broadcast_in_dim3A_37 : i32 to vector<16xi32>
    %broadcast_in_dim3A_39 = arith.constant 0 : i32
    %broadcast_in_dim3A_40 = vector.broadcast %broadcast_in_dim3A_39 : i32 to vector<16xi32>
    %broadcast_in_dim3A_41 = arith.constant 0 : i32
    %broadcast_in_dim3A_42 = vector.broadcast %broadcast_in_dim3A_41 : i32 to vector<16xi32>
    %broadcast_in_dim3A_43 = arith.constant 0.000000e+00 : f32
    %broadcast_in_dim3A_44 = vector.broadcast %broadcast_in_dim3A_43 : f32 to vector<16xf32>
    %broadcast_in_dim3A_45 = arith.constant 0.000000e+00 : f32
    %broadcast_in_dim3A_46 = vector.broadcast %broadcast_in_dim3A_45 : f32 to vector<16xf32>
    %broadcast_in_dim3A_47 = arith.constant 0.000000e+00 : f32
    %broadcast_in_dim3A_48 = vector.broadcast %broadcast_in_dim3A_47 : f32 to vector<16xf32>
    %broadcast_in_dim3A_49 = arith.constant 0.000000e+00 : f32
    %broadcast_in_dim3A_50 = vector.broadcast %broadcast_in_dim3A_49 : f32 to vector<16xf32>
    %broadcast_in_dim3A_51 = arith.constant 0.000000e+00 : f32
    %broadcast_in_dim3A_52 = vector.broadcast %broadcast_in_dim3A_51 : f32 to vector<16xf32>
    %broadcast_in_dim3A_53 = arith.constant 0.000000e+00 : f32
    %broadcast_in_dim3A_54 = vector.broadcast %broadcast_in_dim3A_53 : f32 to vector<16xf32>
    %scan3A = arith.constant 0 : i32
    %scan3A_55 = arith.constant 512 : i32
    %scan3A_56 = arith.addi %scan3A, %scan3A_55 : i32
    %scan3A_57 = arith.constant 1 : i32
    %scan3A_58:18 = scf.for %scan3A_107 = %scan3A to %scan3A_56 step %scan3A_57 iter_args(%scan3A_108 = %broadcast_in_dim3A_20, %scan3A_109 = %broadcast_in_dim3A_22, %scan3A_110 = %broadcast_in_dim3A_24, %scan3A_111 = %broadcast_in_dim3A_26, %scan3A_112 = %broadcast_in_dim3A_28, %scan3A_113 = %broadcast_in_dim3A_30, %scan3A_114 = %broadcast_in_dim3A_32, %scan3A_115 = %broadcast_in_dim3A_34, %scan3A_116 = %broadcast_in_dim3A_36, %scan3A_117 = %broadcast_in_dim3A_38, %scan3A_118 = %broadcast_in_dim3A_40, %scan3A_119 = %broadcast_in_dim3A_42, %scan3A_120 = %broadcast_in_dim3A_44, %scan3A_121 = %broadcast_in_dim3A_46, %scan3A_122 = %broadcast_in_dim3A_48, %scan3A_123 = %broadcast_in_dim3A_50, %scan3A_124 = %broadcast_in_dim3A_52, %scan3A_125 = %broadcast_in_dim3A_54) -> (vector<16xf32>, vector<16xf32>, vector<16xf32>, vector<16xf32>, vector<16xf32>, vector<16xf32>, vector<16xi32>, vector<16xi32>, vector<16xi32>, vector<16xi32>, vector<16xi32>, vector<16xi32>, vector<16xf32>, vector<16xf32>, vector<16xf32>, vector<16xf32>, vector<16xf32>, vector<16xf32>)  : i32 {
      %mul3A_126 = arith.constant 16 : i32
      %mul3A_127 = arith.muli %scan3A_107, %mul3A_126 : i32
      %get3A_128 = arith.index_cast %mul3A_127 : i32 to index
      %get3A_129 = tpu.vector_load %arg6[%get3A_128] {strides = array<i32>} : memref<8192xf32, #tpu.memory_space<vmem>>, vector<16xf32>,
      %get3A_130 = vector.shape_cast %get3A_129 : vector<16xf32> to vector<16xf32>
      %mul3A_131 = arith.constant 16 : i32
      %mul3A_132 = arith.muli %scan3A_107, %mul3A_131 : i32
      %add3A_133 = arith.constant 0 : i32
      %add3A_134 = arith.addi %mul3A_132, %add3A_133 : i32
      %broadcast_in_dim3A_135 = vector.broadcast %add3A_134 : i32 to vector<16xi32>
      %broadcast_in_dim3A_136 = arith.constant 0 : i32
      %broadcast_in_dim3A_137 = vector.broadcast %broadcast_in_dim3A_136 : i32 to vector<16x1xi32>
      %gather3A = vector.shape_cast %broadcast_in_dim3A_137 : vector<16x1xi32> to vector<16xi32>
      %gather3A_138 = tpu.dynamic_gather %get3A_130[%gather3A] in [0] : vector<16xf32>, vector<16xi32> -> vector<16xf32>
      %sub3A = arith.subf %get3A_4, %gather3A_138 : vector<16xf32>
      %mul3A_139 = arith.mulf %sub3A, %sub3A : vector<16xf32>
      %lt3A = arith.cmpf olt, %mul3A_139, %scan3A_108 : vector<16xf32>
      %select_n3A = arith.select %lt3A, %mul3A_139, %scan3A_108 : vector<16xi1>, vector<16xf32>
      %select_n3A_140 = arith.select %lt3A, %broadcast_in_dim3A_135, %scan3A_114 : vector<16xi1>, vector<16xi32>
      %select_n3A_141 = arith.select %lt3A, %gather3A_138, %scan3A_120 : vector<16xi1>, vector<16xf32>
      %sub3A_142 = arith.subf %get3A_7, %gather3A_138 : vector<16xf32>
      %mul3A_143 = arith.mulf %sub3A_142, %sub3A_142 : vector<16xf32>
      %lt3A_144 = arith.cmpf olt, %mul3A_143, %scan3A_109 : vector<16xf32>
      %select_n3A_145 = arith.select %lt3A_144, %mul3A_143, %scan3A_109 : vector<16xi1>, vector<16xf32>
      %select_n3A_146 = arith.select %lt3A_144, %broadcast_in_dim3A_135, %scan3A_115 : vector<16xi1>, vector<16xi32>
      %select_n3A_147 = arith.select %lt3A_144, %gather3A_138, %scan3A_121 : vector<16xi1>, vector<16xf32>
      %sub3A_148 = arith.subf %get3A_10, %gather3A_138 : vector<16xf32>
      %mul3A_149 = arith.mulf %sub3A_148, %sub3A_148 : vector<16xf32>
      %lt3A_150 = arith.cmpf olt, %mul3A_149, %scan3A_110 : vector<16xf32>
      %select_n3A_151 = arith.select %lt3A_150, %mul3A_149, %scan3A_110 : vector<16xi1>, vector<16xf32>
      %select_n3A_152 = arith.select %lt3A_150, %broadcast_in_dim3A_135, %scan3A_116 : vector<16xi1>, vector<16xi32>
      %select_n3A_153 = arith.select %lt3A_150, %gather3A_138, %scan3A_122 : vector<16xi1>, vector<16xf32>
      %sub3A_154 = arith.subf %get3A_13, %gather3A_138 : vector<16xf32>
      %mul3A_155 = arith.mulf %sub3A_154, %sub3A_154 : vector<16xf32>
      %lt3A_156 = arith.cmpf olt, %mul3A_155, %scan3A_111 : vector<16xf32>
      %select_n3A_157 = arith.select %lt3A_156, %mul3A_155, %scan3A_111 : vector<16xi1>, vector<16xf32>
      %select_n3A_158 = arith.select %lt3A_156, %broadcast_in_dim3A_135, %scan3A_117 : vector<16xi1>, vector<16xi32>
      %select_n3A_159 = arith.select %lt3A_156, %gather3A_138, %scan3A_123 : vector<16xi1>, vector<16xf32>
      %sub3A_160 = arith.subf %get3A_16, %gather3A_138 : vector<16xf32>
      %mul3A_161 = arith.mulf %sub3A_160, %sub3A_160 : vector<16xf32>
      %lt3A_162 = arith.cmpf olt, %mul3A_161, %scan3A_112 : vector<16xf32>
      %select_n3A_163 = arith.select %lt3A_162, %mul3A_161, %scan3A_112 : vector<16xi1>, vector<16xf32>
      %select_n3A_164 = arith.select %lt3A_162, %broadcast_in_dim3A_135, %scan3A_118 : vector<16xi1>, vector<16xi32>
      %select_n3A_165 = arith.select %lt3A_162, %gather3A_138, %scan3A_124 : vector<16xi1>, vector<16xf32>
      %sub3A_166 = arith.subf %get3A_19, %gather3A_138 : vector<16xf32>
      %mul3A_167 = arith.mulf %sub3A_166, %sub3A_166 : vector<16xf32>
      %lt3A_168 = arith.cmpf olt, %mul3A_167, %scan3A_113 : vector<16xf32>
      %select_n3A_169 = arith.select %lt3A_168, %mul3A_167, %scan3A_113 : vector<16xi1>, vector<16xf32>
      %select_n3A_170 = arith.select %lt3A_168, %broadcast_in_dim3A_135, %scan3A_119 : vector<16xi1>, vector<16xi32>
      %select_n3A_171 = arith.select %lt3A_168, %gather3A_138, %scan3A_125 : vector<16xi1>, vector<16xf32>
      %mul3A_172 = arith.constant 16 : i32
      %mul3A_173 = arith.muli %scan3A_107, %mul3A_172 : i32
      %add3A_174 = arith.constant 1 : i32
      %add3A_175 = arith.addi %mul3A_173, %add3A_174 : i32
      %broadcast_in_dim3A_176 = vector.broadcast %add3A_175 : i32 to vector<16xi32>
      %broadcast_in_dim3A_177 = arith.constant 1 : i32
      %broadcast_in_dim3A_178 = vector.broadcast %broadcast_in_dim3A_177 : i32 to vector<16x1xi32>
      %gather3A_179 = vector.shape_cast %broadcast_in_dim3A_178 : vector<16x1xi32> to vector<16xi32>
      %gather3A_180 = tpu.dynamic_gather %get3A_130[%gather3A_179] in [0] : vector<16xf32>, vector<16xi32> -> vector<16xf32>
      %sub3A_181 = arith.subf %get3A_4, %gather3A_180 : vector<16xf32>
      %mul3A_182 = arith.mulf %sub3A_181, %sub3A_181 : vector<16xf32>
      %lt3A_183 = arith.cmpf olt, %mul3A_182, %select_n3A : vector<16xf32>
      %select_n3A_184 = arith.select %lt3A_183, %mul3A_182, %select_n3A : vector<16xi1>, vector<16xf32>
      %select_n3A_185 = arith.select %lt3A_183, %broadcast_in_dim3A_176, %select_n3A_140 : vector<16xi1>, vector<16xi32>
      %select_n3A_186 = arith.select %lt3A_183, %gather3A_180, %select_n3A_141 : vector<16xi1>, vector<16xf32>
      %sub3A_187 = arith.subf %get3A_7, %gather3A_180 : vector<16xf32>
      %mul3A_188 = arith.mulf %sub3A_187, %sub3A_187 : vector<16xf32>
      %lt3A_189 = arith.cmpf olt, %mul3A_188, %select_n3A_145 : vector<16xf32>
      %select_n3A_190 = arith.select %lt3A_189, %mul3A_188, %select_n3A_145 : vector<16xi1>, vector<16xf32>
      %select_n3A_191 = arith.select %lt3A_189, %broadcast_in_dim3A_176, %select_n3A_146 : vector<16xi1>, vector<16xi32>
      %select_n3A_192 = arith.select %lt3A_189, %gather3A_180, %select_n3A_147 : vector<16xi1>, vector<16xf32>
      %sub3A_193 = arith.subf %get3A_10, %gather3A_180 : vector<16xf32>
      %mul3A_194 = arith.mulf %sub3A_193, %sub3A_193 : vector<16xf32>
      %lt3A_195 = arith.cmpf olt, %mul3A_194, %select_n3A_151 : vector<16xf32>
      %select_n3A_196 = arith.select %lt3A_195, %mul3A_194, %select_n3A_151 : vector<16xi1>, vector<16xf32>
      %select_n3A_197 = arith.select %lt3A_195, %broadcast_in_dim3A_176, %select_n3A_152 : vector<16xi1>, vector<16xi32>
      %select_n3A_198 = arith.select %lt3A_195, %gather3A_180, %select_n3A_153 : vector<16xi1>, vector<16xf32>
      %sub3A_199 = arith.subf %get3A_13, %gather3A_180 : vector<16xf32>
      %mul3A_200 = arith.mulf %sub3A_199, %sub3A_199 : vector<16xf32>
      %lt3A_201 = arith.cmpf olt, %mul3A_200, %select_n3A_157 : vector<16xf32>
      %select_n3A_202 = arith.select %lt3A_201, %mul3A_200, %select_n3A_157 : vector<16xi1>, vector<16xf32>
      %select_n3A_203 = arith.select %lt3A_201, %broadcast_in_dim3A_176, %select_n3A_158 : vector<16xi1>, vector<16xi32>
      %select_n3A_204 = arith.select %lt3A_201, %gather3A_180, %select_n3A_159 : vector<16xi1>, vector<16xf32>
      %sub3A_205 = arith.subf %get3A_16, %gather3A_180 : vector<16xf32>
      %mul3A_206 = arith.mulf %sub3A_205, %sub3A_205 : vector<16xf32>
      %lt3A_207 = arith.cmpf olt, %mul3A_206, %select_n3A_163 : vector<16xf32>
      %select_n3A_208 = arith.select %lt3A_207, %mul3A_206, %select_n3A_163 : vector<16xi1>, vector<16xf32>
      %select_n3A_209 = arith.select %lt3A_207, %broadcast_in_dim3A_176, %select_n3A_164 : vector<16xi1>, vector<16xi32>
      %select_n3A_210 = arith.select %lt3A_207, %gather3A_180, %select_n3A_165 : vector<16xi1>, vector<16xf32>
      %sub3A_211 = arith.subf %get3A_19, %gather3A_180 : vector<16xf32>
      %mul3A_212 = arith.mulf %sub3A_211, %sub3A_211 : vector<16xf32>
      %lt3A_213 = arith.cmpf olt, %mul3A_212, %select_n3A_169 : vector<16xf32>
      %select_n3A_214 = arith.select %lt3A_213, %mul3A_212, %select_n3A_169 : vector<16xi1>, vector<16xf32>
      %select_n3A_215 = arith.select %lt3A_213, %broadcast_in_dim3A_176, %select_n3A_170 : vector<16xi1>, vector<16xi32>
      %select_n3A_216 = arith.select %lt3A_213, %gather3A_180, %select_n3A_171 : vector<16xi1>, vector<16xf32>
      %mul3A_217 = arith.constant 16 : i32
      %mul3A_218 = arith.muli %scan3A_107, %mul3A_217 : i32
      %add3A_219 = arith.constant 2 : i32
      %add3A_220 = arith.addi %mul3A_218, %add3A_219 : i32
      %broadcast_in_dim3A_221 = vector.broadcast %add3A_220 : i32 to vector<16xi32>
      %broadcast_in_dim3A_222 = arith.constant 2 : i32
      %broadcast_in_dim3A_223 = vector.broadcast %broadcast_in_dim3A_222 : i32 to vector<16x1xi32>
      %gather3A_224 = vector.shape_cast %broadcast_in_dim3A_223 : vector<16x1xi32> to vector<16xi32>
      %gather3A_225 = tpu.dynamic_gather %get3A_130[%gather3A_224] in [0] : vector<16xf32>, vector<16xi32> -> vector<16xf32>
      %sub3A_226 = arith.subf %get3A_4, %gather3A_225 : vector<16xf32>
      %mul3A_227 = arith.mulf %sub3A_226, %sub3A_226 : vector<16xf32>
      %lt3A_228 = arith.cmpf olt, %mul3A_227, %select_n3A_184 : vector<16xf32>
      %select_n3A_229 = arith.select %lt3A_228, %mul3A_227, %select_n3A_184 : vector<16xi1>, vector<16xf32>
      %select_n3A_230 = arith.select %lt3A_228, %broadcast_in_dim3A_221, %select_n3A_185 : vector<16xi1>, vector<16xi32>
      %select_n3A_231 = arith.select %lt3A_228, %gather3A_225, %select_n3A_186 : vector<16xi1>, vector<16xf32>
      %sub3A_232 = arith.subf %get3A_7, %gather3A_225 : vector<16xf32>
      %mul3A_233 = arith.mulf %sub3A_232, %sub3A_232 : vector<16xf32>
      %lt3A_234 = arith.cmpf olt, %mul3A_233, %select_n3A_190 : vector<16xf32>
      %select_n3A_235 = arith.select %lt3A_234, %mul3A_233, %select_n3A_190 : vector<16xi1>, vector<16xf32>
      %select_n3A_236 = arith.select %lt3A_234, %broadcast_in_dim3A_221, %select_n3A_191 : vector<16xi1>, vector<16xi32>
      %select_n3A_237 = arith.select %lt3A_234, %gather3A_225, %select_n3A_192 : vector<16xi1>, vector<16xf32>
      %sub3A_238 = arith.subf %get3A_10, %gather3A_225 : vector<16xf32>
      %mul3A_239 = arith.mulf %sub3A_238, %sub3A_238 : vector<16xf32>
      %lt3A_240 = arith.cmpf olt, %mul3A_239, %select_n3A_196 : vector<16xf32>
      %select_n3A_241 = arith.select %lt3A_240, %mul3A_239, %select_n3A_196 : vector<16xi1>, vector<16xf32>
      %select_n3A_242 = arith.select %lt3A_240, %broadcast_in_dim3A_221, %select_n3A_197 : vector<16xi1>, vector<16xi32>
      %select_n3A_243 = arith.select %lt3A_240, %gather3A_225, %select_n3A_198 : vector<16xi1>, vector<16xf32>
      %sub3A_244 = arith.subf %get3A_13, %gather3A_225 : vector<16xf32>
      %mul3A_245 = arith.mulf %sub3A_244, %sub3A_244 : vector<16xf32>
      %lt3A_246 = arith.cmpf olt, %mul3A_245, %select_n3A_202 : vector<16xf32>
      %select_n3A_247 = arith.select %lt3A_246, %mul3A_245, %select_n3A_202 : vector<16xi1>, vector<16xf32>
      %select_n3A_248 = arith.select %lt3A_246, %broadcast_in_dim3A_221, %select_n3A_203 : vector<16xi1>, vector<16xi32>
      %select_n3A_249 = arith.select %lt3A_246, %gather3A_225, %select_n3A_204 : vector<16xi1>, vector<16xf32>
      %sub3A_250 = arith.subf %get3A_16, %gather3A_225 : vector<16xf32>
      %mul3A_251 = arith.mulf %sub3A_250, %sub3A_250 : vector<16xf32>
      %lt3A_252 = arith.cmpf olt, %mul3A_251, %select_n3A_208 : vector<16xf32>
      %select_n3A_253 = arith.select %lt3A_252, %mul3A_251, %select_n3A_208 : vector<16xi1>, vector<16xf32>
      %select_n3A_254 = arith.select %lt3A_252, %broadcast_in_dim3A_221, %select_n3A_209 : vector<16xi1>, vector<16xi32>
      %select_n3A_255 = arith.select %lt3A_252, %gather3A_225, %select_n3A_210 : vector<16xi1>, vector<16xf32>
      %sub3A_256 = arith.subf %get3A_19, %gather3A_225 : vector<16xf32>
      %mul3A_257 = arith.mulf %sub3A_256, %sub3A_256 : vector<16xf32>
      %lt3A_258 = arith.cmpf olt, %mul3A_257, %select_n3A_214 : vector<16xf32>
      %select_n3A_259 = arith.select %lt3A_258, %mul3A_257, %select_n3A_214 : vector<16xi1>, vector<16xf32>
      %select_n3A_260 = arith.select %lt3A_258, %broadcast_in_dim3A_221, %select_n3A_215 : vector<16xi1>, vector<16xi32>
      %select_n3A_261 = arith.select %lt3A_258, %gather3A_225, %select_n3A_216 : vector<16xi1>, vector<16xf32>
      %mul3A_262 = arith.constant 16 : i32
      %mul3A_263 = arith.muli %scan3A_107, %mul3A_262 : i32
      %add3A_264 = arith.constant 3 : i32
      %add3A_265 = arith.addi %mul3A_263, %add3A_264 : i32
      %broadcast_in_dim3A_266 = vector.broadcast %add3A_265 : i32 to vector<16xi32>
      %broadcast_in_dim3A_267 = arith.constant 3 : i32
      %broadcast_in_dim3A_268 = vector.broadcast %broadcast_in_dim3A_267 : i32 to vector<16x1xi32>
      %gather3A_269 = vector.shape_cast %broadcast_in_dim3A_268 : vector<16x1xi32> to vector<16xi32>
      %gather3A_270 = tpu.dynamic_gather %get3A_130[%gather3A_269] in [0] : vector<16xf32>, vector<16xi32> -> vector<16xf32>
      %sub3A_271 = arith.subf %get3A_4, %gather3A_270 : vector<16xf32>
      %mul3A_272 = arith.mulf %sub3A_271, %sub3A_271 : vector<16xf32>
      %lt3A_273 = arith.cmpf olt, %mul3A_272, %select_n3A_229 : vector<16xf32>
      %select_n3A_274 = arith.select %lt3A_273, %mul3A_272, %select_n3A_229 : vector<16xi1>, vector<16xf32>
      %select_n3A_275 = arith.select %lt3A_273, %broadcast_in_dim3A_266, %select_n3A_230 : vector<16xi1>, vector<16xi32>
      %select_n3A_276 = arith.select %lt3A_273, %gather3A_270, %select_n3A_231 : vector<16xi1>, vector<16xf32>
      %sub3A_277 = arith.subf %get3A_7, %gather3A_270 : vector<16xf32>
      %mul3A_278 = arith.mulf %sub3A_277, %sub3A_277 : vector<16xf32>
      %lt3A_279 = arith.cmpf olt, %mul3A_278, %select_n3A_235 : vector<16xf32>
      %select_n3A_280 = arith.select %lt3A_279, %mul3A_278, %select_n3A_235 : vector<16xi1>, vector<16xf32>
      %select_n3A_281 = arith.select %lt3A_279, %broadcast_in_dim3A_266, %select_n3A_236 : vector<16xi1>, vector<16xi32>
      %select_n3A_282 = arith.select %lt3A_279, %gather3A_270, %select_n3A_237 : vector<16xi1>, vector<16xf32>
      %sub3A_283 = arith.subf %get3A_10, %gather3A_270 : vector<16xf32>
      %mul3A_284 = arith.mulf %sub3A_283, %sub3A_283 : vector<16xf32>
      %lt3A_285 = arith.cmpf olt, %mul3A_284, %select_n3A_241 : vector<16xf32>
      %select_n3A_286 = arith.select %lt3A_285, %mul3A_284, %select_n3A_241 : vector<16xi1>, vector<16xf32>
      %select_n3A_287 = arith.select %lt3A_285, %broadcast_in_dim3A_266, %select_n3A_242 : vector<16xi1>, vector<16xi32>
      %select_n3A_288 = arith.select %lt3A_285, %gather3A_270, %select_n3A_243 : vector<16xi1>, vector<16xf32>
      %sub3A_289 = arith.subf %get3A_13, %gather3A_270 : vector<16xf32>
      %mul3A_290 = arith.mulf %sub3A_289, %sub3A_289 : vector<16xf32>
      %lt3A_291 = arith.cmpf olt, %mul3A_290, %select_n3A_247 : vector<16xf32>
      %select_n3A_292 = arith.select %lt3A_291, %mul3A_290, %select_n3A_247 : vector<16xi1>, vector<16xf32>
      %select_n3A_293 = arith.select %lt3A_291, %broadcast_in_dim3A_266, %select_n3A_248 : vector<16xi1>, vector<16xi32>
      %select_n3A_294 = arith.select %lt3A_291, %gather3A_270, %select_n3A_249 : vector<16xi1>, vector<16xf32>
      %sub3A_295 = arith.subf %get3A_16, %gather3A_270 : vector<16xf32>
      %mul3A_296 = arith.mulf %sub3A_295, %sub3A_295 : vector<16xf32>
      %lt3A_297 = arith.cmpf olt, %mul3A_296, %select_n3A_253 : vector<16xf32>
      %select_n3A_298 = arith.select %lt3A_297, %mul3A_296, %select_n3A_253 : vector<16xi1>, vector<16xf32>
      %select_n3A_299 = arith.select %lt3A_297, %broadcast_in_dim3A_266, %select_n3A_254 : vector<16xi1>, vector<16xi32>
      %select_n3A_300 = arith.select %lt3A_297, %gather3A_270, %select_n3A_255 : vector<16xi1>, vector<16xf32>
      %sub3A_301 = arith.subf %get3A_19, %gather3A_270 : vector<16xf32>
      %mul3A_302 = arith.mulf %sub3A_301, %sub3A_301 : vector<16xf32>
      %lt3A_303 = arith.cmpf olt, %mul3A_302, %select_n3A_259 : vector<16xf32>
      %select_n3A_304 = arith.select %lt3A_303, %mul3A_302, %select_n3A_259 : vector<16xi1>, vector<16xf32>
      %select_n3A_305 = arith.select %lt3A_303, %broadcast_in_dim3A_266, %select_n3A_260 : vector<16xi1>, vector<16xi32>
      %select_n3A_306 = arith.select %lt3A_303, %gather3A_270, %select_n3A_261 : vector<16xi1>, vector<16xf32>
      %mul3A_307 = arith.constant 16 : i32
      %mul3A_308 = arith.muli %scan3A_107, %mul3A_307 : i32
      %add3A_309 = arith.constant 4 : i32
      %add3A_310 = arith.addi %mul3A_308, %add3A_309 : i32
      %broadcast_in_dim3A_311 = vector.broadcast %add3A_310 : i32 to vector<16xi32>
      %broadcast_in_dim3A_312 = arith.constant 4 : i32
      %broadcast_in_dim3A_313 = vector.broadcast %broadcast_in_dim3A_312 : i32 to vector<16x1xi32>
      %gather3A_314 = vector.shape_cast %broadcast_in_dim3A_313 : vector<16x1xi32> to vector<16xi32>
      %gather3A_315 = tpu.dynamic_gather %get3A_130[%gather3A_314] in [0] : vector<16xf32>, vector<16xi32> -> vector<16xf32>
      %sub3A_316 = arith.subf %get3A_4, %gather3A_315 : vector<16xf32>
      %mul3A_317 = arith.mulf %sub3A_316, %sub3A_316 : vector<16xf32>
      %lt3A_318 = arith.cmpf olt, %mul3A_317, %select_n3A_274 : vector<16xf32>
      %select_n3A_319 = arith.select %lt3A_318, %mul3A_317, %select_n3A_274 : vector<16xi1>, vector<16xf32>
      %select_n3A_320 = arith.select %lt3A_318, %broadcast_in_dim3A_311, %select_n3A_275 : vector<16xi1>, vector<16xi32>
      %select_n3A_321 = arith.select %lt3A_318, %gather3A_315, %select_n3A_276 : vector<16xi1>, vector<16xf32>
      %sub3A_322 = arith.subf %get3A_7, %gather3A_315 : vector<16xf32>
      %mul3A_323 = arith.mulf %sub3A_322, %sub3A_322 : vector<16xf32>
      %lt3A_324 = arith.cmpf olt, %mul3A_323, %select_n3A_280 : vector<16xf32>
      %select_n3A_325 = arith.select %lt3A_324, %mul3A_323, %select_n3A_280 : vector<16xi1>, vector<16xf32>
      %select_n3A_326 = arith.select %lt3A_324, %broadcast_in_dim3A_311, %select_n3A_281 : vector<16xi1>, vector<16xi32>
      %select_n3A_327 = arith.select %lt3A_324, %gather3A_315, %select_n3A_282 : vector<16xi1>, vector<16xf32>
      %sub3A_328 = arith.subf %get3A_10, %gather3A_315 : vector<16xf32>
      %mul3A_329 = arith.mulf %sub3A_328, %sub3A_328 : vector<16xf32>
      %lt3A_330 = arith.cmpf olt, %mul3A_329, %select_n3A_286 : vector<16xf32>
      %select_n3A_331 = arith.select %lt3A_330, %mul3A_329, %select_n3A_286 : vector<16xi1>, vector<16xf32>
      %select_n3A_332 = arith.select %lt3A_330, %broadcast_in_dim3A_311, %select_n3A_287 : vector<16xi1>, vector<16xi32>
      %select_n3A_333 = arith.select %lt3A_330, %gather3A_315, %select_n3A_288 : vector<16xi1>, vector<16xf32>
      %sub3A_334 = arith.subf %get3A_13, %gather3A_315 : vector<16xf32>
      %mul3A_335 = arith.mulf %sub3A_334, %sub3A_334 : vector<16xf32>
      %lt3A_336 = arith.cmpf olt, %mul3A_335, %select_n3A_292 : vector<16xf32>
      %select_n3A_337 = arith.select %lt3A_336, %mul3A_335, %select_n3A_292 : vector<16xi1>, vector<16xf32>
      %select_n3A_338 = arith.select %lt3A_336, %broadcast_in_dim3A_311, %select_n3A_293 : vector<16xi1>, vector<16xi32>
      %select_n3A_339 = arith.select %lt3A_336, %gather3A_315, %select_n3A_294 : vector<16xi1>, vector<16xf32>
      %sub3A_340 = arith.subf %get3A_16, %gather3A_315 : vector<16xf32>
      %mul3A_341 = arith.mulf %sub3A_340, %sub3A_340 : vector<16xf32>
      %lt3A_342 = arith.cmpf olt, %mul3A_341, %select_n3A_298 : vector<16xf32>
      %select_n3A_343 = arith.select %lt3A_342, %mul3A_341, %select_n3A_298 : vector<16xi1>, vector<16xf32>
      %select_n3A_344 = arith.select %lt3A_342, %broadcast_in_dim3A_311, %select_n3A_299 : vector<16xi1>, vector<16xi32>
      %select_n3A_345 = arith.select %lt3A_342, %gather3A_315, %select_n3A_300 : vector<16xi1>, vector<16xf32>
      %sub3A_346 = arith.subf %get3A_19, %gather3A_315 : vector<16xf32>
      %mul3A_347 = arith.mulf %sub3A_346, %sub3A_346 : vector<16xf32>
      %lt3A_348 = arith.cmpf olt, %mul3A_347, %select_n3A_304 : vector<16xf32>
      %select_n3A_349 = arith.select %lt3A_348, %mul3A_347, %select_n3A_304 : vector<16xi1>, vector<16xf32>
      %select_n3A_350 = arith.select %lt3A_348, %broadcast_in_dim3A_311, %select_n3A_305 : vector<16xi1>, vector<16xi32>
      %select_n3A_351 = arith.select %lt3A_348, %gather3A_315, %select_n3A_306 : vector<16xi1>, vector<16xf32>
      %mul3A_352 = arith.constant 16 : i32
      %mul3A_353 = arith.muli %scan3A_107, %mul3A_352 : i32
      %add3A_354 = arith.constant 5 : i32
      %add3A_355 = arith.addi %mul3A_353, %add3A_354 : i32
      %broadcast_in_dim3A_356 = vector.broadcast %add3A_355 : i32 to vector<16xi32>
      %broadcast_in_dim3A_357 = arith.constant 5 : i32
      %broadcast_in_dim3A_358 = vector.broadcast %broadcast_in_dim3A_357 : i32 to vector<16x1xi32>
      %gather3A_359 = vector.shape_cast %broadcast_in_dim3A_358 : vector<16x1xi32> to vector<16xi32>
      %gather3A_360 = tpu.dynamic_gather %get3A_130[%gather3A_359] in [0] : vector<16xf32>, vector<16xi32> -> vector<16xf32>
      %sub3A_361 = arith.subf %get3A_4, %gather3A_360 : vector<16xf32>
      %mul3A_362 = arith.mulf %sub3A_361, %sub3A_361 : vector<16xf32>
      %lt3A_363 = arith.cmpf olt, %mul3A_362, %select_n3A_319 : vector<16xf32>
      %select_n3A_364 = arith.select %lt3A_363, %mul3A_362, %select_n3A_319 : vector<16xi1>, vector<16xf32>
      %select_n3A_365 = arith.select %lt3A_363, %broadcast_in_dim3A_356, %select_n3A_320 : vector<16xi1>, vector<16xi32>
      %select_n3A_366 = arith.select %lt3A_363, %gather3A_360, %select_n3A_321 : vector<16xi1>, vector<16xf32>
      %sub3A_367 = arith.subf %get3A_7, %gather3A_360 : vector<16xf32>
      %mul3A_368 = arith.mulf %sub3A_367, %sub3A_367 : vector<16xf32>
      %lt3A_369 = arith.cmpf olt, %mul3A_368, %select_n3A_325 : vector<16xf32>
      %select_n3A_370 = arith.select %lt3A_369, %mul3A_368, %select_n3A_325 : vector<16xi1>, vector<16xf32>
      %select_n3A_371 = arith.select %lt3A_369, %broadcast_in_dim3A_356, %select_n3A_326 : vector<16xi1>, vector<16xi32>
      %select_n3A_372 = arith.select %lt3A_369, %gather3A_360, %select_n3A_327 : vector<16xi1>, vector<16xf32>
      %sub3A_373 = arith.subf %get3A_10, %gather3A_360 : vector<16xf32>
      %mul3A_374 = arith.mulf %sub3A_373, %sub3A_373 : vector<16xf32>
      %lt3A_375 = arith.cmpf olt, %mul3A_374, %select_n3A_331 : vector<16xf32>
      %select_n3A_376 = arith.select %lt3A_375, %mul3A_374, %select_n3A_331 : vector<16xi1>, vector<16xf32>
      %select_n3A_377 = arith.select %lt3A_375, %broadcast_in_dim3A_356, %select_n3A_332 : vector<16xi1>, vector<16xi32>
      %select_n3A_378 = arith.select %lt3A_375, %gather3A_360, %select_n3A_333 : vector<16xi1>, vector<16xf32>
      %sub3A_379 = arith.subf %get3A_13, %gather3A_360 : vector<16xf32>
      %mul3A_380 = arith.mulf %sub3A_379, %sub3A_379 : vector<16xf32>
      %lt3A_381 = arith.cmpf olt, %mul3A_380, %select_n3A_337 : vector<16xf32>
      %select_n3A_382 = arith.select %lt3A_381, %mul3A_380, %select_n3A_337 : vector<16xi1>, vector<16xf32>
      %select_n3A_383 = arith.select %lt3A_381, %broadcast_in_dim3A_356, %select_n3A_338 : vector<16xi1>, vector<16xi32>
      %select_n3A_384 = arith.select %lt3A_381, %gather3A_360, %select_n3A_339 : vector<16xi1>, vector<16xf32>
      %sub3A_385 = arith.subf %get3A_16, %gather3A_360 : vector<16xf32>
      %mul3A_386 = arith.mulf %sub3A_385, %sub3A_385 : vector<16xf32>
      %lt3A_387 = arith.cmpf olt, %mul3A_386, %select_n3A_343 : vector<16xf32>
      %select_n3A_388 = arith.select %lt3A_387, %mul3A_386, %select_n3A_343 : vector<16xi1>, vector<16xf32>
      %select_n3A_389 = arith.select %lt3A_387, %broadcast_in_dim3A_356, %select_n3A_344 : vector<16xi1>, vector<16xi32>
      %select_n3A_390 = arith.select %lt3A_387, %gather3A_360, %select_n3A_345 : vector<16xi1>, vector<16xf32>
      %sub3A_391 = arith.subf %get3A_19, %gather3A_360 : vector<16xf32>
      %mul3A_392 = arith.mulf %sub3A_391, %sub3A_391 : vector<16xf32>
      %lt3A_393 = arith.cmpf olt, %mul3A_392, %select_n3A_349 : vector<16xf32>
      %select_n3A_394 = arith.select %lt3A_393, %mul3A_392, %select_n3A_349 : vector<16xi1>, vector<16xf32>
      %select_n3A_395 = arith.select %lt3A_393, %broadcast_in_dim3A_356, %select_n3A_350 : vector<16xi1>, vector<16xi32>
      %select_n3A_396 = arith.select %lt3A_393, %gather3A_360, %select_n3A_351 : vector<16xi1>, vector<16xf32>
      %mul3A_397 = arith.constant 16 : i32
      %mul3A_398 = arith.muli %scan3A_107, %mul3A_397 : i32
      %add3A_399 = arith.constant 6 : i32
      %add3A_400 = arith.addi %mul3A_398, %add3A_399 : i32
      %broadcast_in_dim3A_401 = vector.broadcast %add3A_400 : i32 to vector<16xi32>
      %broadcast_in_dim3A_402 = arith.constant 6 : i32
      %broadcast_in_dim3A_403 = vector.broadcast %broadcast_in_dim3A_402 : i32 to vector<16x1xi32>
      %gather3A_404 = vector.shape_cast %broadcast_in_dim3A_403 : vector<16x1xi32> to vector<16xi32>
      %gather3A_405 = tpu.dynamic_gather %get3A_130[%gather3A_404] in [0] : vector<16xf32>, vector<16xi32> -> vector<16xf32>
      %sub3A_406 = arith.subf %get3A_4, %gather3A_405 : vector<16xf32>
      %mul3A_407 = arith.mulf %sub3A_406, %sub3A_406 : vector<16xf32>
      %lt3A_408 = arith.cmpf olt, %mul3A_407, %select_n3A_364 : vector<16xf32>
      %select_n3A_409 = arith.select %lt3A_408, %mul3A_407, %select_n3A_364 : vector<16xi1>, vector<16xf32>
      %select_n3A_410 = arith.select %lt3A_408, %broadcast_in_dim3A_401, %select_n3A_365 : vector<16xi1>, vector<16xi32>
      %select_n3A_411 = arith.select %lt3A_408, %gather3A_405, %select_n3A_366 : vector<16xi1>, vector<16xf32>
      %sub3A_412 = arith.subf %get3A_7, %gather3A_405 : vector<16xf32>
      %mul3A_413 = arith.mulf %sub3A_412, %sub3A_412 : vector<16xf32>
      %lt3A_414 = arith.cmpf olt, %mul3A_413, %select_n3A_370 : vector<16xf32>
      %select_n3A_415 = arith.select %lt3A_414, %mul3A_413, %select_n3A_370 : vector<16xi1>, vector<16xf32>
      %select_n3A_416 = arith.select %lt3A_414, %broadcast_in_dim3A_401, %select_n3A_371 : vector<16xi1>, vector<16xi32>
      %select_n3A_417 = arith.select %lt3A_414, %gather3A_405, %select_n3A_372 : vector<16xi1>, vector<16xf32>
      %sub3A_418 = arith.subf %get3A_10, %gather3A_405 : vector<16xf32>
      %mul3A_419 = arith.mulf %sub3A_418, %sub3A_418 : vector<16xf32>
      %lt3A_420 = arith.cmpf olt, %mul3A_419, %select_n3A_376 : vector<16xf32>
      %select_n3A_421 = arith.select %lt3A_420, %mul3A_419, %select_n3A_376 : vector<16xi1>, vector<16xf32>
      %select_n3A_422 = arith.select %lt3A_420, %broadcast_in_dim3A_401, %select_n3A_377 : vector<16xi1>, vector<16xi32>
      %select_n3A_423 = arith.select %lt3A_420, %gather3A_405, %select_n3A_378 : vector<16xi1>, vector<16xf32>
      %sub3A_424 = arith.subf %get3A_13, %gather3A_405 : vector<16xf32>
      %mul3A_425 = arith.mulf %sub3A_424, %sub3A_424 : vector<16xf32>
      %lt3A_426 = arith.cmpf olt, %mul3A_425, %select_n3A_382 : vector<16xf32>
      %select_n3A_427 = arith.select %lt3A_426, %mul3A_425, %select_n3A_382 : vector<16xi1>, vector<16xf32>
      %select_n3A_428 = arith.select %lt3A_426, %broadcast_in_dim3A_401, %select_n3A_383 : vector<16xi1>, vector<16xi32>
      %select_n3A_429 = arith.select %lt3A_426, %gather3A_405, %select_n3A_384 : vector<16xi1>, vector<16xf32>
      %sub3A_430 = arith.subf %get3A_16, %gather3A_405 : vector<16xf32>
      %mul3A_431 = arith.mulf %sub3A_430, %sub3A_430 : vector<16xf32>
      %lt3A_432 = arith.cmpf olt, %mul3A_431, %select_n3A_388 : vector<16xf32>
      %select_n3A_433 = arith.select %lt3A_432, %mul3A_431, %select_n3A_388 : vector<16xi1>, vector<16xf32>
      %select_n3A_434 = arith.select %lt3A_432, %broadcast_in_dim3A_401, %select_n3A_389 : vector<16xi1>, vector<16xi32>
      %select_n3A_435 = arith.select %lt3A_432, %gather3A_405, %select_n3A_390 : vector<16xi1>, vector<16xf32>
      %sub3A_436 = arith.subf %get3A_19, %gather3A_405 : vector<16xf32>
      %mul3A_437 = arith.mulf %sub3A_436, %sub3A_436 : vector<16xf32>
      %lt3A_438 = arith.cmpf olt, %mul3A_437, %select_n3A_394 : vector<16xf32>
      %select_n3A_439 = arith.select %lt3A_438, %mul3A_437, %select_n3A_394 : vector<16xi1>, vector<16xf32>
      %select_n3A_440 = arith.select %lt3A_438, %broadcast_in_dim3A_401, %select_n3A_395 : vector<16xi1>, vector<16xi32>
      %select_n3A_441 = arith.select %lt3A_438, %gather3A_405, %select_n3A_396 : vector<16xi1>, vector<16xf32>
      %mul3A_442 = arith.constant 16 : i32
      %mul3A_443 = arith.muli %scan3A_107, %mul3A_442 : i32
      %add3A_444 = arith.constant 7 : i32
      %add3A_445 = arith.addi %mul3A_443, %add3A_444 : i32
      %broadcast_in_dim3A_446 = vector.broadcast %add3A_445 : i32 to vector<16xi32>
      %broadcast_in_dim3A_447 = arith.constant 7 : i32
      %broadcast_in_dim3A_448 = vector.broadcast %broadcast_in_dim3A_447 : i32 to vector<16x1xi32>
      %gather3A_449 = vector.shape_cast %broadcast_in_dim3A_448 : vector<16x1xi32> to vector<16xi32>
      %gather3A_450 = tpu.dynamic_gather %get3A_130[%gather3A_449] in [0] : vector<16xf32>, vector<16xi32> -> vector<16xf32>
      %sub3A_451 = arith.subf %get3A_4, %gather3A_450 : vector<16xf32>
      %mul3A_452 = arith.mulf %sub3A_451, %sub3A_451 : vector<16xf32>
      %lt3A_453 = arith.cmpf olt, %mul3A_452, %select_n3A_409 : vector<16xf32>
      %select_n3A_454 = arith.select %lt3A_453, %mul3A_452, %select_n3A_409 : vector<16xi1>, vector<16xf32>
      %select_n3A_455 = arith.select %lt3A_453, %broadcast_in_dim3A_446, %select_n3A_410 : vector<16xi1>, vector<16xi32>
      %select_n3A_456 = arith.select %lt3A_453, %gather3A_450, %select_n3A_411 : vector<16xi1>, vector<16xf32>
      %sub3A_457 = arith.subf %get3A_7, %gather3A_450 : vector<16xf32>
      %mul3A_458 = arith.mulf %sub3A_457, %sub3A_457 : vector<16xf32>
      %lt3A_459 = arith.cmpf olt, %mul3A_458, %select_n3A_415 : vector<16xf32>
      %select_n3A_460 = arith.select %lt3A_459, %mul3A_458, %select_n3A_415 : vector<16xi1>, vector<16xf32>
      %select_n3A_461 = arith.select %lt3A_459, %broadcast_in_dim3A_446, %select_n3A_416 : vector<16xi1>, vector<16xi32>
      %select_n3A_462 = arith.select %lt3A_459, %gather3A_450, %select_n3A_417 : vector<16xi1>, vector<16xf32>
      %sub3A_463 = arith.subf %get3A_10, %gather3A_450 : vector<16xf32>
      %mul3A_464 = arith.mulf %sub3A_463, %sub3A_463 : vector<16xf32>
      %lt3A_465 = arith.cmpf olt, %mul3A_464, %select_n3A_421 : vector<16xf32>
      %select_n3A_466 = arith.select %lt3A_465, %mul3A_464, %select_n3A_421 : vector<16xi1>, vector<16xf32>
      %select_n3A_467 = arith.select %lt3A_465, %broadcast_in_dim3A_446, %select_n3A_422 : vector<16xi1>, vector<16xi32>
      %select_n3A_468 = arith.select %lt3A_465, %gather3A_450, %select_n3A_423 : vector<16xi1>, vector<16xf32>
      %sub3A_469 = arith.subf %get3A_13, %gather3A_450 : vector<16xf32>
      %mul3A_470 = arith.mulf %sub3A_469, %sub3A_469 : vector<16xf32>
      %lt3A_471 = arith.cmpf olt, %mul3A_470, %select_n3A_427 : vector<16xf32>
      %select_n3A_472 = arith.select %lt3A_471, %mul3A_470, %select_n3A_427 : vector<16xi1>, vector<16xf32>
      %select_n3A_473 = arith.select %lt3A_471, %broadcast_in_dim3A_446, %select_n3A_428 : vector<16xi1>, vector<16xi32>
      %select_n3A_474 = arith.select %lt3A_471, %gather3A_450, %select_n3A_429 : vector<16xi1>, vector<16xf32>
      %sub3A_475 = arith.subf %get3A_16, %gather3A_450 : vector<16xf32>
      %mul3A_476 = arith.mulf %sub3A_475, %sub3A_475 : vector<16xf32>
      %lt3A_477 = arith.cmpf olt, %mul3A_476, %select_n3A_433 : vector<16xf32>
      %select_n3A_478 = arith.select %lt3A_477, %mul3A_476, %select_n3A_433 : vector<16xi1>, vector<16xf32>
      %select_n3A_479 = arith.select %lt3A_477, %broadcast_in_dim3A_446, %select_n3A_434 : vector<16xi1>, vector<16xi32>
      %select_n3A_480 = arith.select %lt3A_477, %gather3A_450, %select_n3A_435 : vector<16xi1>, vector<16xf32>
      %sub3A_481 = arith.subf %get3A_19, %gather3A_450 : vector<16xf32>
      %mul3A_482 = arith.mulf %sub3A_481, %sub3A_481 : vector<16xf32>
      %lt3A_483 = arith.cmpf olt, %mul3A_482, %select_n3A_439 : vector<16xf32>
      %select_n3A_484 = arith.select %lt3A_483, %mul3A_482, %select_n3A_439 : vector<16xi1>, vector<16xf32>
      %select_n3A_485 = arith.select %lt3A_483, %broadcast_in_dim3A_446, %select_n3A_440 : vector<16xi1>, vector<16xi32>
      %select_n3A_486 = arith.select %lt3A_483, %gather3A_450, %select_n3A_441 : vector<16xi1>, vector<16xf32>
      %mul3A_487 = arith.constant 16 : i32
      %mul3A_488 = arith.muli %scan3A_107, %mul3A_487 : i32
      %add3A_489 = arith.constant 8 : i32
      %add3A_490 = arith.addi %mul3A_488, %add3A_489 : i32
      %broadcast_in_dim3A_491 = vector.broadcast %add3A_490 : i32 to vector<16xi32>
      %broadcast_in_dim3A_492 = arith.constant 8 : i32
      %broadcast_in_dim3A_493 = vector.broadcast %broadcast_in_dim3A_492 : i32 to vector<16x1xi32>
      %gather3A_494 = vector.shape_cast %broadcast_in_dim3A_493 : vector<16x1xi32> to vector<16xi32>
      %gather3A_495 = tpu.dynamic_gather %get3A_130[%gather3A_494] in [0] : vector<16xf32>, vector<16xi32> -> vector<16xf32>
      %sub3A_496 = arith.subf %get3A_4, %gather3A_495 : vector<16xf32>
      %mul3A_497 = arith.mulf %sub3A_496, %sub3A_496 : vector<16xf32>
      %lt3A_498 = arith.cmpf olt, %mul3A_497, %select_n3A_454 : vector<16xf32>
      %select_n3A_499 = arith.select %lt3A_498, %mul3A_497, %select_n3A_454 : vector<16xi1>, vector<16xf32>
      %select_n3A_500 = arith.select %lt3A_498, %broadcast_in_dim3A_491, %select_n3A_455 : vector<16xi1>, vector<16xi32>
      %select_n3A_501 = arith.select %lt3A_498, %gather3A_495, %select_n3A_456 : vector<16xi1>, vector<16xf32>
      %sub3A_502 = arith.subf %get3A_7, %gather3A_495 : vector<16xf32>
      %mul3A_503 = arith.mulf %sub3A_502, %sub3A_502 : vector<16xf32>
      %lt3A_504 = arith.cmpf olt, %mul3A_503, %select_n3A_460 : vector<16xf32>
      %select_n3A_505 = arith.select %lt3A_504, %mul3A_503, %select_n3A_460 : vector<16xi1>, vector<16xf32>
      %select_n3A_506 = arith.select %lt3A_504, %broadcast_in_dim3A_491, %select_n3A_461 : vector<16xi1>, vector<16xi32>
      %select_n3A_507 = arith.select %lt3A_504, %gather3A_495, %select_n3A_462 : vector<16xi1>, vector<16xf32>
      %sub3A_508 = arith.subf %get3A_10, %gather3A_495 : vector<16xf32>
      %mul3A_509 = arith.mulf %sub3A_508, %sub3A_508 : vector<16xf32>
      %lt3A_510 = arith.cmpf olt, %mul3A_509, %select_n3A_466 : vector<16xf32>
      %select_n3A_511 = arith.select %lt3A_510, %mul3A_509, %select_n3A_466 : vector<16xi1>, vector<16xf32>
      %select_n3A_512 = arith.select %lt3A_510, %broadcast_in_dim3A_491, %select_n3A_467 : vector<16xi1>, vector<16xi32>
      %select_n3A_513 = arith.select %lt3A_510, %gather3A_495, %select_n3A_468 : vector<16xi1>, vector<16xf32>
      %sub3A_514 = arith.subf %get3A_13, %gather3A_495 : vector<16xf32>
      %mul3A_515 = arith.mulf %sub3A_514, %sub3A_514 : vector<16xf32>
      %lt3A_516 = arith.cmpf olt, %mul3A_515, %select_n3A_472 : vector<16xf32>
      %select_n3A_517 = arith.select %lt3A_516, %mul3A_515, %select_n3A_472 : vector<16xi1>, vector<16xf32>
      %select_n3A_518 = arith.select %lt3A_516, %broadcast_in_dim3A_491, %select_n3A_473 : vector<16xi1>, vector<16xi32>
      %select_n3A_519 = arith.select %lt3A_516, %gather3A_495, %select_n3A_474 : vector<16xi1>, vector<16xf32>
      %sub3A_520 = arith.subf %get3A_16, %gather3A_495 : vector<16xf32>
      %mul3A_521 = arith.mulf %sub3A_520, %sub3A_520 : vector<16xf32>
      %lt3A_522 = arith.cmpf olt, %mul3A_521, %select_n3A_478 : vector<16xf32>
      %select_n3A_523 = arith.select %lt3A_522, %mul3A_521, %select_n3A_478 : vector<16xi1>, vector<16xf32>
      %select_n3A_524 = arith.select %lt3A_522, %broadcast_in_dim3A_491, %select_n3A_479 : vector<16xi1>, vector<16xi32>
      %select_n3A_525 = arith.select %lt3A_522, %gather3A_495, %select_n3A_480 : vector<16xi1>, vector<16xf32>
      %sub3A_526 = arith.subf %get3A_19, %gather3A_495 : vector<16xf32>
      %mul3A_527 = arith.mulf %sub3A_526, %sub3A_526 : vector<16xf32>
      %lt3A_528 = arith.cmpf olt, %mul3A_527, %select_n3A_484 : vector<16xf32>
      %select_n3A_529 = arith.select %lt3A_528, %mul3A_527, %select_n3A_484 : vector<16xi1>, vector<16xf32>
      %select_n3A_530 = arith.select %lt3A_528, %broadcast_in_dim3A_491, %select_n3A_485 : vector<16xi1>, vector<16xi32>
      %select_n3A_531 = arith.select %lt3A_528, %gather3A_495, %select_n3A_486 : vector<16xi1>, vector<16xf32>
      %mul3A_532 = arith.constant 16 : i32
      %mul3A_533 = arith.muli %scan3A_107, %mul3A_532 : i32
      %add3A_534 = arith.constant 9 : i32
      %add3A_535 = arith.addi %mul3A_533, %add3A_534 : i32
      %broadcast_in_dim3A_536 = vector.broadcast %add3A_535 : i32 to vector<16xi32>
      %broadcast_in_dim3A_537 = arith.constant 9 : i32
      %broadcast_in_dim3A_538 = vector.broadcast %broadcast_in_dim3A_537 : i32 to vector<16x1xi32>
      %gather3A_539 = vector.shape_cast %broadcast_in_dim3A_538 : vector<16x1xi32> to vector<16xi32>
      %gather3A_540 = tpu.dynamic_gather %get3A_130[%gather3A_539] in [0] : vector<16xf32>, vector<16xi32> -> vector<16xf32>
      %sub3A_541 = arith.subf %get3A_4, %gather3A_540 : vector<16xf32>
      %mul3A_542 = arith.mulf %sub3A_541, %sub3A_541 : vector<16xf32>
      %lt3A_543 = arith.cmpf olt, %mul3A_542, %select_n3A_499 : vector<16xf32>
      %select_n3A_544 = arith.select %lt3A_543, %mul3A_542, %select_n3A_499 : vector<16xi1>, vector<16xf32>
      %select_n3A_545 = arith.select %lt3A_543, %broadcast_in_dim3A_536, %select_n3A_500 : vector<16xi1>, vector<16xi32>
      %select_n3A_546 = arith.select %lt3A_543, %gather3A_540, %select_n3A_501 : vector<16xi1>, vector<16xf32>
      %sub3A_547 = arith.subf %get3A_7, %gather3A_540 : vector<16xf32>
      %mul3A_548 = arith.mulf %sub3A_547, %sub3A_547 : vector<16xf32>
      %lt3A_549 = arith.cmpf olt, %mul3A_548, %select_n3A_505 : vector<16xf32>
      %select_n3A_550 = arith.select %lt3A_549, %mul3A_548, %select_n3A_505 : vector<16xi1>, vector<16xf32>
      %select_n3A_551 = arith.select %lt3A_549, %broadcast_in_dim3A_536, %select_n3A_506 : vector<16xi1>, vector<16xi32>
      %select_n3A_552 = arith.select %lt3A_549, %gather3A_540, %select_n3A_507 : vector<16xi1>, vector<16xf32>
      %sub3A_553 = arith.subf %get3A_10, %gather3A_540 : vector<16xf32>
      %mul3A_554 = arith.mulf %sub3A_553, %sub3A_553 : vector<16xf32>
      %lt3A_555 = arith.cmpf olt, %mul3A_554, %select_n3A_511 : vector<16xf32>
      %select_n3A_556 = arith.select %lt3A_555, %mul3A_554, %select_n3A_511 : vector<16xi1>, vector<16xf32>
      %select_n3A_557 = arith.select %lt3A_555, %broadcast_in_dim3A_536, %select_n3A_512 : vector<16xi1>, vector<16xi32>
      %select_n3A_558 = arith.select %lt3A_555, %gather3A_540, %select_n3A_513 : vector<16xi1>, vector<16xf32>
      %sub3A_559 = arith.subf %get3A_13, %gather3A_540 : vector<16xf32>
      %mul3A_560 = arith.mulf %sub3A_559, %sub3A_559 : vector<16xf32>
      %lt3A_561 = arith.cmpf olt, %mul3A_560, %select_n3A_517 : vector<16xf32>
      %select_n3A_562 = arith.select %lt3A_561, %mul3A_560, %select_n3A_517 : vector<16xi1>, vector<16xf32>
      %select_n3A_563 = arith.select %lt3A_561, %broadcast_in_dim3A_536, %select_n3A_518 : vector<16xi1>, vector<16xi32>
      %select_n3A_564 = arith.select %lt3A_561, %gather3A_540, %select_n3A_519 : vector<16xi1>, vector<16xf32>
      %sub3A_565 = arith.subf %get3A_16, %gather3A_540 : vector<16xf32>
      %mul3A_566 = arith.mulf %sub3A_565, %sub3A_565 : vector<16xf32>
      %lt3A_567 = arith.cmpf olt, %mul3A_566, %select_n3A_523 : vector<16xf32>
      %select_n3A_568 = arith.select %lt3A_567, %mul3A_566, %select_n3A_523 : vector<16xi1>, vector<16xf32>
      %select_n3A_569 = arith.select %lt3A_567, %broadcast_in_dim3A_536, %select_n3A_524 : vector<16xi1>, vector<16xi32>
      %select_n3A_570 = arith.select %lt3A_567, %gather3A_540, %select_n3A_525 : vector<16xi1>, vector<16xf32>
      %sub3A_571 = arith.subf %get3A_19, %gather3A_540 : vector<16xf32>
      %mul3A_572 = arith.mulf %sub3A_571, %sub3A_571 : vector<16xf32>
      %lt3A_573 = arith.cmpf olt, %mul3A_572, %select_n3A_529 : vector<16xf32>
      %select_n3A_574 = arith.select %lt3A_573, %mul3A_572, %select_n3A_529 : vector<16xi1>, vector<16xf32>
      %select_n3A_575 = arith.select %lt3A_573, %broadcast_in_dim3A_536, %select_n3A_530 : vector<16xi1>, vector<16xi32>
      %select_n3A_576 = arith.select %lt3A_573, %gather3A_540, %select_n3A_531 : vector<16xi1>, vector<16xf32>
      %mul3A_577 = arith.constant 16 : i32
      %mul3A_578 = arith.muli %scan3A_107, %mul3A_577 : i32
      %add3A_579 = arith.constant 10 : i32
      %add3A_580 = arith.addi %mul3A_578, %add3A_579 : i32
      %broadcast_in_dim3A_581 = vector.broadcast %add3A_580 : i32 to vector<16xi32>
      %broadcast_in_dim3A_582 = arith.constant 10 : i32
      %broadcast_in_dim3A_583 = vector.broadcast %broadcast_in_dim3A_582 : i32 to vector<16x1xi32>
      %gather3A_584 = vector.shape_cast %broadcast_in_dim3A_583 : vector<16x1xi32> to vector<16xi32>
      %gather3A_585 = tpu.dynamic_gather %get3A_130[%gather3A_584] in [0] : vector<16xf32>, vector<16xi32> -> vector<16xf32>
      %sub3A_586 = arith.subf %get3A_4, %gather3A_585 : vector<16xf32>
      %mul3A_587 = arith.mulf %sub3A_586, %sub3A_586 : vector<16xf32>
      %lt3A_588 = arith.cmpf olt, %mul3A_587, %select_n3A_544 : vector<16xf32>
      %select_n3A_589 = arith.select %lt3A_588, %mul3A_587, %select_n3A_544 : vector<16xi1>, vector<16xf32>
      %select_n3A_590 = arith.select %lt3A_588, %broadcast_in_dim3A_581, %select_n3A_545 : vector<16xi1>, vector<16xi32>
      %select_n3A_591 = arith.select %lt3A_588, %gather3A_585, %select_n3A_546 : vector<16xi1>, vector<16xf32>
      %sub3A_592 = arith.subf %get3A_7, %gather3A_585 : vector<16xf32>
      %mul3A_593 = arith.mulf %sub3A_592, %sub3A_592 : vector<16xf32>
      %lt3A_594 = arith.cmpf olt, %mul3A_593, %select_n3A_550 : vector<16xf32>
      %select_n3A_595 = arith.select %lt3A_594, %mul3A_593, %select_n3A_550 : vector<16xi1>, vector<16xf32>
      %select_n3A_596 = arith.select %lt3A_594, %broadcast_in_dim3A_581, %select_n3A_551 : vector<16xi1>, vector<16xi32>
      %select_n3A_597 = arith.select %lt3A_594, %gather3A_585, %select_n3A_552 : vector<16xi1>, vector<16xf32>
      %sub3A_598 = arith.subf %get3A_10, %gather3A_585 : vector<16xf32>
      %mul3A_599 = arith.mulf %sub3A_598, %sub3A_598 : vector<16xf32>
      %lt3A_600 = arith.cmpf olt, %mul3A_599, %select_n3A_556 : vector<16xf32>
      %select_n3A_601 = arith.select %lt3A_600, %mul3A_599, %select_n3A_556 : vector<16xi1>, vector<16xf32>
      %select_n3A_602 = arith.select %lt3A_600, %broadcast_in_dim3A_581, %select_n3A_557 : vector<16xi1>, vector<16xi32>
      %select_n3A_603 = arith.select %lt3A_600, %gather3A_585, %select_n3A_558 : vector<16xi1>, vector<16xf32>
      %sub3A_604 = arith.subf %get3A_13, %gather3A_585 : vector<16xf32>
      %mul3A_605 = arith.mulf %sub3A_604, %sub3A_604 : vector<16xf32>
      %lt3A_606 = arith.cmpf olt, %mul3A_605, %select_n3A_562 : vector<16xf32>
      %select_n3A_607 = arith.select %lt3A_606, %mul3A_605, %select_n3A_562 : vector<16xi1>, vector<16xf32>
      %select_n3A_608 = arith.select %lt3A_606, %broadcast_in_dim3A_581, %select_n3A_563 : vector<16xi1>, vector<16xi32>
      %select_n3A_609 = arith.select %lt3A_606, %gather3A_585, %select_n3A_564 : vector<16xi1>, vector<16xf32>
      %sub3A_610 = arith.subf %get3A_16, %gather3A_585 : vector<16xf32>
      %mul3A_611 = arith.mulf %sub3A_610, %sub3A_610 : vector<16xf32>
      %lt3A_612 = arith.cmpf olt, %mul3A_611, %select_n3A_568 : vector<16xf32>
      %select_n3A_613 = arith.select %lt3A_612, %mul3A_611, %select_n3A_568 : vector<16xi1>, vector<16xf32>
      %select_n3A_614 = arith.select %lt3A_612, %broadcast_in_dim3A_581, %select_n3A_569 : vector<16xi1>, vector<16xi32>
      %select_n3A_615 = arith.select %lt3A_612, %gather3A_585, %select_n3A_570 : vector<16xi1>, vector<16xf32>
      %sub3A_616 = arith.subf %get3A_19, %gather3A_585 : vector<16xf32>
      %mul3A_617 = arith.mulf %sub3A_616, %sub3A_616 : vector<16xf32>
      %lt3A_618 = arith.cmpf olt, %mul3A_617, %select_n3A_574 : vector<16xf32>
      %select_n3A_619 = arith.select %lt3A_618, %mul3A_617, %select_n3A_574 : vector<16xi1>, vector<16xf32>
      %select_n3A_620 = arith.select %lt3A_618, %broadcast_in_dim3A_581, %select_n3A_575 : vector<16xi1>, vector<16xi32>
      %select_n3A_621 = arith.select %lt3A_618, %gather3A_585, %select_n3A_576 : vector<16xi1>, vector<16xf32>
      %mul3A_622 = arith.constant 16 : i32
      %mul3A_623 = arith.muli %scan3A_107, %mul3A_622 : i32
      %add3A_624 = arith.constant 11 : i32
      %add3A_625 = arith.addi %mul3A_623, %add3A_624 : i32
      %broadcast_in_dim3A_626 = vector.broadcast %add3A_625 : i32 to vector<16xi32>
      %broadcast_in_dim3A_627 = arith.constant 11 : i32
      %broadcast_in_dim3A_628 = vector.broadcast %broadcast_in_dim3A_627 : i32 to vector<16x1xi32>
      %gather3A_629 = vector.shape_cast %broadcast_in_dim3A_628 : vector<16x1xi32> to vector<16xi32>
      %gather3A_630 = tpu.dynamic_gather %get3A_130[%gather3A_629] in [0] : vector<16xf32>, vector<16xi32> -> vector<16xf32>
      %sub3A_631 = arith.subf %get3A_4, %gather3A_630 : vector<16xf32>
      %mul3A_632 = arith.mulf %sub3A_631, %sub3A_631 : vector<16xf32>
      %lt3A_633 = arith.cmpf olt, %mul3A_632, %select_n3A_589 : vector<16xf32>
      %select_n3A_634 = arith.select %lt3A_633, %mul3A_632, %select_n3A_589 : vector<16xi1>, vector<16xf32>
      %select_n3A_635 = arith.select %lt3A_633, %broadcast_in_dim3A_626, %select_n3A_590 : vector<16xi1>, vector<16xi32>
      %select_n3A_636 = arith.select %lt3A_633, %gather3A_630, %select_n3A_591 : vector<16xi1>, vector<16xf32>
      %sub3A_637 = arith.subf %get3A_7, %gather3A_630 : vector<16xf32>
      %mul3A_638 = arith.mulf %sub3A_637, %sub3A_637 : vector<16xf32>
      %lt3A_639 = arith.cmpf olt, %mul3A_638, %select_n3A_595 : vector<16xf32>
      %select_n3A_640 = arith.select %lt3A_639, %mul3A_638, %select_n3A_595 : vector<16xi1>, vector<16xf32>
      %select_n3A_641 = arith.select %lt3A_639, %broadcast_in_dim3A_626, %select_n3A_596 : vector<16xi1>, vector<16xi32>
      %select_n3A_642 = arith.select %lt3A_639, %gather3A_630, %select_n3A_597 : vector<16xi1>, vector<16xf32>
      %sub3A_643 = arith.subf %get3A_10, %gather3A_630 : vector<16xf32>
      %mul3A_644 = arith.mulf %sub3A_643, %sub3A_643 : vector<16xf32>
      %lt3A_645 = arith.cmpf olt, %mul3A_644, %select_n3A_601 : vector<16xf32>
      %select_n3A_646 = arith.select %lt3A_645, %mul3A_644, %select_n3A_601 : vector<16xi1>, vector<16xf32>
      %select_n3A_647 = arith.select %lt3A_645, %broadcast_in_dim3A_626, %select_n3A_602 : vector<16xi1>, vector<16xi32>
      %select_n3A_648 = arith.select %lt3A_645, %gather3A_630, %select_n3A_603 : vector<16xi1>, vector<16xf32>
      %sub3A_649 = arith.subf %get3A_13, %gather3A_630 : vector<16xf32>
      %mul3A_650 = arith.mulf %sub3A_649, %sub3A_649 : vector<16xf32>
      %lt3A_651 = arith.cmpf olt, %mul3A_650, %select_n3A_607 : vector<16xf32>
      %select_n3A_652 = arith.select %lt3A_651, %mul3A_650, %select_n3A_607 : vector<16xi1>, vector<16xf32>
      %select_n3A_653 = arith.select %lt3A_651, %broadcast_in_dim3A_626, %select_n3A_608 : vector<16xi1>, vector<16xi32>
      %select_n3A_654 = arith.select %lt3A_651, %gather3A_630, %select_n3A_609 : vector<16xi1>, vector<16xf32>
      %sub3A_655 = arith.subf %get3A_16, %gather3A_630 : vector<16xf32>
      %mul3A_656 = arith.mulf %sub3A_655, %sub3A_655 : vector<16xf32>
      %lt3A_657 = arith.cmpf olt, %mul3A_656, %select_n3A_613 : vector<16xf32>
      %select_n3A_658 = arith.select %lt3A_657, %mul3A_656, %select_n3A_613 : vector<16xi1>, vector<16xf32>
      %select_n3A_659 = arith.select %lt3A_657, %broadcast_in_dim3A_626, %select_n3A_614 : vector<16xi1>, vector<16xi32>
      %select_n3A_660 = arith.select %lt3A_657, %gather3A_630, %select_n3A_615 : vector<16xi1>, vector<16xf32>
      %sub3A_661 = arith.subf %get3A_19, %gather3A_630 : vector<16xf32>
      %mul3A_662 = arith.mulf %sub3A_661, %sub3A_661 : vector<16xf32>
      %lt3A_663 = arith.cmpf olt, %mul3A_662, %select_n3A_619 : vector<16xf32>
      %select_n3A_664 = arith.select %lt3A_663, %mul3A_662, %select_n3A_619 : vector<16xi1>, vector<16xf32>
      %select_n3A_665 = arith.select %lt3A_663, %broadcast_in_dim3A_626, %select_n3A_620 : vector<16xi1>, vector<16xi32>
      %select_n3A_666 = arith.select %lt3A_663, %gather3A_630, %select_n3A_621 : vector<16xi1>, vector<16xf32>
      %mul3A_667 = arith.constant 16 : i32
      %mul3A_668 = arith.muli %scan3A_107, %mul3A_667 : i32
      %add3A_669 = arith.constant 12 : i32
      %add3A_670 = arith.addi %mul3A_668, %add3A_669 : i32
      %broadcast_in_dim3A_671 = vector.broadcast %add3A_670 : i32 to vector<16xi32>
      %broadcast_in_dim3A_672 = arith.constant 12 : i32
      %broadcast_in_dim3A_673 = vector.broadcast %broadcast_in_dim3A_672 : i32 to vector<16x1xi32>
      %gather3A_674 = vector.shape_cast %broadcast_in_dim3A_673 : vector<16x1xi32> to vector<16xi32>
      %gather3A_675 = tpu.dynamic_gather %get3A_130[%gather3A_674] in [0] : vector<16xf32>, vector<16xi32> -> vector<16xf32>
      %sub3A_676 = arith.subf %get3A_4, %gather3A_675 : vector<16xf32>
      %mul3A_677 = arith.mulf %sub3A_676, %sub3A_676 : vector<16xf32>
      %lt3A_678 = arith.cmpf olt, %mul3A_677, %select_n3A_634 : vector<16xf32>
      %select_n3A_679 = arith.select %lt3A_678, %mul3A_677, %select_n3A_634 : vector<16xi1>, vector<16xf32>
      %select_n3A_680 = arith.select %lt3A_678, %broadcast_in_dim3A_671, %select_n3A_635 : vector<16xi1>, vector<16xi32>
      %select_n3A_681 = arith.select %lt3A_678, %gather3A_675, %select_n3A_636 : vector<16xi1>, vector<16xf32>
      %sub3A_682 = arith.subf %get3A_7, %gather3A_675 : vector<16xf32>
      %mul3A_683 = arith.mulf %sub3A_682, %sub3A_682 : vector<16xf32>
      %lt3A_684 = arith.cmpf olt, %mul3A_683, %select_n3A_640 : vector<16xf32>
      %select_n3A_685 = arith.select %lt3A_684, %mul3A_683, %select_n3A_640 : vector<16xi1>, vector<16xf32>
      %select_n3A_686 = arith.select %lt3A_684, %broadcast_in_dim3A_671, %select_n3A_641 : vector<16xi1>, vector<16xi32>
      %select_n3A_687 = arith.select %lt3A_684, %gather3A_675, %select_n3A_642 : vector<16xi1>, vector<16xf32>
      %sub3A_688 = arith.subf %get3A_10, %gather3A_675 : vector<16xf32>
      %mul3A_689 = arith.mulf %sub3A_688, %sub3A_688 : vector<16xf32>
      %lt3A_690 = arith.cmpf olt, %mul3A_689, %select_n3A_646 : vector<16xf32>
      %select_n3A_691 = arith.select %lt3A_690, %mul3A_689, %select_n3A_646 : vector<16xi1>, vector<16xf32>
      %select_n3A_692 = arith.select %lt3A_690, %broadcast_in_dim3A_671, %select_n3A_647 : vector<16xi1>, vector<16xi32>
      %select_n3A_693 = arith.select %lt3A_690, %gather3A_675, %select_n3A_648 : vector<16xi1>, vector<16xf32>
      %sub3A_694 = arith.subf %get3A_13, %gather3A_675 : vector<16xf32>
      %mul3A_695 = arith.mulf %sub3A_694, %sub3A_694 : vector<16xf32>
      %lt3A_696 = arith.cmpf olt, %mul3A_695, %select_n3A_652 : vector<16xf32>
      %select_n3A_697 = arith.select %lt3A_696, %mul3A_695, %select_n3A_652 : vector<16xi1>, vector<16xf32>
      %select_n3A_698 = arith.select %lt3A_696, %broadcast_in_dim3A_671, %select_n3A_653 : vector<16xi1>, vector<16xi32>
      %select_n3A_699 = arith.select %lt3A_696, %gather3A_675, %select_n3A_654 : vector<16xi1>, vector<16xf32>
      %sub3A_700 = arith.subf %get3A_16, %gather3A_675 : vector<16xf32>
      %mul3A_701 = arith.mulf %sub3A_700, %sub3A_700 : vector<16xf32>
      %lt3A_702 = arith.cmpf olt, %mul3A_701, %select_n3A_658 : vector<16xf32>
      %select_n3A_703 = arith.select %lt3A_702, %mul3A_701, %select_n3A_658 : vector<16xi1>, vector<16xf32>
      %select_n3A_704 = arith.select %lt3A_702, %broadcast_in_dim3A_671, %select_n3A_659 : vector<16xi1>, vector<16xi32>
      %select_n3A_705 = arith.select %lt3A_702, %gather3A_675, %select_n3A_660 : vector<16xi1>, vector<16xf32>
      %sub3A_706 = arith.subf %get3A_19, %gather3A_675 : vector<16xf32>
      %mul3A_707 = arith.mulf %sub3A_706, %sub3A_706 : vector<16xf32>
      %lt3A_708 = arith.cmpf olt, %mul3A_707, %select_n3A_664 : vector<16xf32>
      %select_n3A_709 = arith.select %lt3A_708, %mul3A_707, %select_n3A_664 : vector<16xi1>, vector<16xf32>
      %select_n3A_710 = arith.select %lt3A_708, %broadcast_in_dim3A_671, %select_n3A_665 : vector<16xi1>, vector<16xi32>
      %select_n3A_711 = arith.select %lt3A_708, %gather3A_675, %select_n3A_666 : vector<16xi1>, vector<16xf32>
      %mul3A_712 = arith.constant 16 : i32
      %mul3A_713 = arith.muli %scan3A_107, %mul3A_712 : i32
      %add3A_714 = arith.constant 13 : i32
      %add3A_715 = arith.addi %mul3A_713, %add3A_714 : i32
      %broadcast_in_dim3A_716 = vector.broadcast %add3A_715 : i32 to vector<16xi32>
      %broadcast_in_dim3A_717 = arith.constant 13 : i32
      %broadcast_in_dim3A_718 = vector.broadcast %broadcast_in_dim3A_717 : i32 to vector<16x1xi32>
      %gather3A_719 = vector.shape_cast %broadcast_in_dim3A_718 : vector<16x1xi32> to vector<16xi32>
      %gather3A_720 = tpu.dynamic_gather %get3A_130[%gather3A_719] in [0] : vector<16xf32>, vector<16xi32> -> vector<16xf32>
      %sub3A_721 = arith.subf %get3A_4, %gather3A_720 : vector<16xf32>
      %mul3A_722 = arith.mulf %sub3A_721, %sub3A_721 : vector<16xf32>
      %lt3A_723 = arith.cmpf olt, %mul3A_722, %select_n3A_679 : vector<16xf32>
      %select_n3A_724 = arith.select %lt3A_723, %mul3A_722, %select_n3A_679 : vector<16xi1>, vector<16xf32>
      %select_n3A_725 = arith.select %lt3A_723, %broadcast_in_dim3A_716, %select_n3A_680 : vector<16xi1>, vector<16xi32>
      %select_n3A_726 = arith.select %lt3A_723, %gather3A_720, %select_n3A_681 : vector<16xi1>, vector<16xf32>
      %sub3A_727 = arith.subf %get3A_7, %gather3A_720 : vector<16xf32>
      %mul3A_728 = arith.mulf %sub3A_727, %sub3A_727 : vector<16xf32>
      %lt3A_729 = arith.cmpf olt, %mul3A_728, %select_n3A_685 : vector<16xf32>
      %select_n3A_730 = arith.select %lt3A_729, %mul3A_728, %select_n3A_685 : vector<16xi1>, vector<16xf32>
      %select_n3A_731 = arith.select %lt3A_729, %broadcast_in_dim3A_716, %select_n3A_686 : vector<16xi1>, vector<16xi32>
      %select_n3A_732 = arith.select %lt3A_729, %gather3A_720, %select_n3A_687 : vector<16xi1>, vector<16xf32>
      %sub3A_733 = arith.subf %get3A_10, %gather3A_720 : vector<16xf32>
      %mul3A_734 = arith.mulf %sub3A_733, %sub3A_733 : vector<16xf32>
      %lt3A_735 = arith.cmpf olt, %mul3A_734, %select_n3A_691 : vector<16xf32>
      %select_n3A_736 = arith.select %lt3A_735, %mul3A_734, %select_n3A_691 : vector<16xi1>, vector<16xf32>
      %select_n3A_737 = arith.select %lt3A_735, %broadcast_in_dim3A_716, %select_n3A_692 : vector<16xi1>, vector<16xi32>
      %select_n3A_738 = arith.select %lt3A_735, %gather3A_720, %select_n3A_693 : vector<16xi1>, vector<16xf32>
      %sub3A_739 = arith.subf %get3A_13, %gather3A_720 : vector<16xf32>
      %mul3A_740 = arith.mulf %sub3A_739, %sub3A_739 : vector<16xf32>
      %lt3A_741 = arith.cmpf olt, %mul3A_740, %select_n3A_697 : vector<16xf32>
      %select_n3A_742 = arith.select %lt3A_741, %mul3A_740, %select_n3A_697 : vector<16xi1>, vector<16xf32>
      %select_n3A_743 = arith.select %lt3A_741, %broadcast_in_dim3A_716, %select_n3A_698 : vector<16xi1>, vector<16xi32>
      %select_n3A_744 = arith.select %lt3A_741, %gather3A_720, %select_n3A_699 : vector<16xi1>, vector<16xf32>
      %sub3A_745 = arith.subf %get3A_16, %gather3A_720 : vector<16xf32>
      %mul3A_746 = arith.mulf %sub3A_745, %sub3A_745 : vector<16xf32>
      %lt3A_747 = arith.cmpf olt, %mul3A_746, %select_n3A_703 : vector<16xf32>
      %select_n3A_748 = arith.select %lt3A_747, %mul3A_746, %select_n3A_703 : vector<16xi1>, vector<16xf32>
      %select_n3A_749 = arith.select %lt3A_747, %broadcast_in_dim3A_716, %select_n3A_704 : vector<16xi1>, vector<16xi32>
      %select_n3A_750 = arith.select %lt3A_747, %gather3A_720, %select_n3A_705 : vector<16xi1>, vector<16xf32>
      %sub3A_751 = arith.subf %get3A_19, %gather3A_720 : vector<16xf32>
      %mul3A_752 = arith.mulf %sub3A_751, %sub3A_751 : vector<16xf32>
      %lt3A_753 = arith.cmpf olt, %mul3A_752, %select_n3A_709 : vector<16xf32>
      %select_n3A_754 = arith.select %lt3A_753, %mul3A_752, %select_n3A_709 : vector<16xi1>, vector<16xf32>
      %select_n3A_755 = arith.select %lt3A_753, %broadcast_in_dim3A_716, %select_n3A_710 : vector<16xi1>, vector<16xi32>
      %select_n3A_756 = arith.select %lt3A_753, %gather3A_720, %select_n3A_711 : vector<16xi1>, vector<16xf32>
      %mul3A_757 = arith.constant 16 : i32
      %mul3A_758 = arith.muli %scan3A_107, %mul3A_757 : i32
      %add3A_759 = arith.constant 14 : i32
      %add3A_760 = arith.addi %mul3A_758, %add3A_759 : i32
      %broadcast_in_dim3A_761 = vector.broadcast %add3A_760 : i32 to vector<16xi32>
      %broadcast_in_dim3A_762 = arith.constant 14 : i32
      %broadcast_in_dim3A_763 = vector.broadcast %broadcast_in_dim3A_762 : i32 to vector<16x1xi32>
      %gather3A_764 = vector.shape_cast %broadcast_in_dim3A_763 : vector<16x1xi32> to vector<16xi32>
      %gather3A_765 = tpu.dynamic_gather %get3A_130[%gather3A_764] in [0] : vector<16xf32>, vector<16xi32> -> vector<16xf32>
      %sub3A_766 = arith.subf %get3A_4, %gather3A_765 : vector<16xf32>
      %mul3A_767 = arith.mulf %sub3A_766, %sub3A_766 : vector<16xf32>
      %lt3A_768 = arith.cmpf olt, %mul3A_767, %select_n3A_724 : vector<16xf32>
      %select_n3A_769 = arith.select %lt3A_768, %mul3A_767, %select_n3A_724 : vector<16xi1>, vector<16xf32>
      %select_n3A_770 = arith.select %lt3A_768, %broadcast_in_dim3A_761, %select_n3A_725 : vector<16xi1>, vector<16xi32>
      %select_n3A_771 = arith.select %lt3A_768, %gather3A_765, %select_n3A_726 : vector<16xi1>, vector<16xf32>
      %sub3A_772 = arith.subf %get3A_7, %gather3A_765 : vector<16xf32>
      %mul3A_773 = arith.mulf %sub3A_772, %sub3A_772 : vector<16xf32>
      %lt3A_774 = arith.cmpf olt, %mul3A_773, %select_n3A_730 : vector<16xf32>
      %select_n3A_775 = arith.select %lt3A_774, %mul3A_773, %select_n3A_730 : vector<16xi1>, vector<16xf32>
      %select_n3A_776 = arith.select %lt3A_774, %broadcast_in_dim3A_761, %select_n3A_731 : vector<16xi1>, vector<16xi32>
      %select_n3A_777 = arith.select %lt3A_774, %gather3A_765, %select_n3A_732 : vector<16xi1>, vector<16xf32>
      %sub3A_778 = arith.subf %get3A_10, %gather3A_765 : vector<16xf32>
      %mul3A_779 = arith.mulf %sub3A_778, %sub3A_778 : vector<16xf32>
      %lt3A_780 = arith.cmpf olt, %mul3A_779, %select_n3A_736 : vector<16xf32>
      %select_n3A_781 = arith.select %lt3A_780, %mul3A_779, %select_n3A_736 : vector<16xi1>, vector<16xf32>
      %select_n3A_782 = arith.select %lt3A_780, %broadcast_in_dim3A_761, %select_n3A_737 : vector<16xi1>, vector<16xi32>
      %select_n3A_783 = arith.select %lt3A_780, %gather3A_765, %select_n3A_738 : vector<16xi1>, vector<16xf32>
      %sub3A_784 = arith.subf %get3A_13, %gather3A_765 : vector<16xf32>
      %mul3A_785 = arith.mulf %sub3A_784, %sub3A_784 : vector<16xf32>
      %lt3A_786 = arith.cmpf olt, %mul3A_785, %select_n3A_742 : vector<16xf32>
      %select_n3A_787 = arith.select %lt3A_786, %mul3A_785, %select_n3A_742 : vector<16xi1>, vector<16xf32>
      %select_n3A_788 = arith.select %lt3A_786, %broadcast_in_dim3A_761, %select_n3A_743 : vector<16xi1>, vector<16xi32>
      %select_n3A_789 = arith.select %lt3A_786, %gather3A_765, %select_n3A_744 : vector<16xi1>, vector<16xf32>
      %sub3A_790 = arith.subf %get3A_16, %gather3A_765 : vector<16xf32>
      %mul3A_791 = arith.mulf %sub3A_790, %sub3A_790 : vector<16xf32>
      %lt3A_792 = arith.cmpf olt, %mul3A_791, %select_n3A_748 : vector<16xf32>
      %select_n3A_793 = arith.select %lt3A_792, %mul3A_791, %select_n3A_748 : vector<16xi1>, vector<16xf32>
      %select_n3A_794 = arith.select %lt3A_792, %broadcast_in_dim3A_761, %select_n3A_749 : vector<16xi1>, vector<16xi32>
      %select_n3A_795 = arith.select %lt3A_792, %gather3A_765, %select_n3A_750 : vector<16xi1>, vector<16xf32>
      %sub3A_796 = arith.subf %get3A_19, %gather3A_765 : vector<16xf32>
      %mul3A_797 = arith.mulf %sub3A_796, %sub3A_796 : vector<16xf32>
      %lt3A_798 = arith.cmpf olt, %mul3A_797, %select_n3A_754 : vector<16xf32>
      %select_n3A_799 = arith.select %lt3A_798, %mul3A_797, %select_n3A_754 : vector<16xi1>, vector<16xf32>
      %select_n3A_800 = arith.select %lt3A_798, %broadcast_in_dim3A_761, %select_n3A_755 : vector<16xi1>, vector<16xi32>
      %select_n3A_801 = arith.select %lt3A_798, %gather3A_765, %select_n3A_756 : vector<16xi1>, vector<16xf32>
      %mul3A_802 = arith.constant 16 : i32
      %mul3A_803 = arith.muli %scan3A_107, %mul3A_802 : i32
      %add3A_804 = arith.constant 15 : i32
      %add3A_805 = arith.addi %mul3A_803, %add3A_804 : i32
      %broadcast_in_dim3A_806 = vector.broadcast %add3A_805 : i32 to vector<16xi32>
      %broadcast_in_dim3A_807 = arith.constant 15 : i32
      %broadcast_in_dim3A_808 = vector.broadcast %broadcast_in_dim3A_807 : i32 to vector<16x1xi32>
      %gather3A_809 = vector.shape_cast %broadcast_in_dim3A_808 : vector<16x1xi32> to vector<16xi32>
      %gather3A_810 = tpu.dynamic_gather %get3A_130[%gather3A_809] in [0] : vector<16xf32>, vector<16xi32> -> vector<16xf32>
      %sub3A_811 = arith.subf %get3A_4, %gather3A_810 : vector<16xf32>
      %mul3A_812 = arith.mulf %sub3A_811, %sub3A_811 : vector<16xf32>
      %lt3A_813 = arith.cmpf olt, %mul3A_812, %select_n3A_769 : vector<16xf32>
      %select_n3A_814 = arith.select %lt3A_813, %mul3A_812, %select_n3A_769 : vector<16xi1>, vector<16xf32>
      %select_n3A_815 = arith.select %lt3A_813, %broadcast_in_dim3A_806, %select_n3A_770 : vector<16xi1>, vector<16xi32>
      %select_n3A_816 = arith.select %lt3A_813, %gather3A_810, %select_n3A_771 : vector<16xi1>, vector<16xf32>
      %sub3A_817 = arith.subf %get3A_7, %gather3A_810 : vector<16xf32>
      %mul3A_818 = arith.mulf %sub3A_817, %sub3A_817 : vector<16xf32>
      %lt3A_819 = arith.cmpf olt, %mul3A_818, %select_n3A_775 : vector<16xf32>
      %select_n3A_820 = arith.select %lt3A_819, %mul3A_818, %select_n3A_775 : vector<16xi1>, vector<16xf32>
      %select_n3A_821 = arith.select %lt3A_819, %broadcast_in_dim3A_806, %select_n3A_776 : vector<16xi1>, vector<16xi32>
      %select_n3A_822 = arith.select %lt3A_819, %gather3A_810, %select_n3A_777 : vector<16xi1>, vector<16xf32>
      %sub3A_823 = arith.subf %get3A_10, %gather3A_810 : vector<16xf32>
      %mul3A_824 = arith.mulf %sub3A_823, %sub3A_823 : vector<16xf32>
      %lt3A_825 = arith.cmpf olt, %mul3A_824, %select_n3A_781 : vector<16xf32>
      %select_n3A_826 = arith.select %lt3A_825, %mul3A_824, %select_n3A_781 : vector<16xi1>, vector<16xf32>
      %select_n3A_827 = arith.select %lt3A_825, %broadcast_in_dim3A_806, %select_n3A_782 : vector<16xi1>, vector<16xi32>
      %select_n3A_828 = arith.select %lt3A_825, %gather3A_810, %select_n3A_783 : vector<16xi1>, vector<16xf32>
      %sub3A_829 = arith.subf %get3A_13, %gather3A_810 : vector<16xf32>
      %mul3A_830 = arith.mulf %sub3A_829, %sub3A_829 : vector<16xf32>
      %lt3A_831 = arith.cmpf olt, %mul3A_830, %select_n3A_787 : vector<16xf32>
      %select_n3A_832 = arith.select %lt3A_831, %mul3A_830, %select_n3A_787 : vector<16xi1>, vector<16xf32>
      %select_n3A_833 = arith.select %lt3A_831, %broadcast_in_dim3A_806, %select_n3A_788 : vector<16xi1>, vector<16xi32>
      %select_n3A_834 = arith.select %lt3A_831, %gather3A_810, %select_n3A_789 : vector<16xi1>, vector<16xf32>
      %sub3A_835 = arith.subf %get3A_16, %gather3A_810 : vector<16xf32>
      %mul3A_836 = arith.mulf %sub3A_835, %sub3A_835 : vector<16xf32>
      %lt3A_837 = arith.cmpf olt, %mul3A_836, %select_n3A_793 : vector<16xf32>
      %select_n3A_838 = arith.select %lt3A_837, %mul3A_836, %select_n3A_793 : vector<16xi1>, vector<16xf32>
      %select_n3A_839 = arith.select %lt3A_837, %broadcast_in_dim3A_806, %select_n3A_794 : vector<16xi1>, vector<16xi32>
      %select_n3A_840 = arith.select %lt3A_837, %gather3A_810, %select_n3A_795 : vector<16xi1>, vector<16xf32>
      %sub3A_841 = arith.subf %get3A_19, %gather3A_810 : vector<16xf32>
      %mul3A_842 = arith.mulf %sub3A_841, %sub3A_841 : vector<16xf32>
      %lt3A_843 = arith.cmpf olt, %mul3A_842, %select_n3A_799 : vector<16xf32>
      %select_n3A_844 = arith.select %lt3A_843, %mul3A_842, %select_n3A_799 : vector<16xi1>, vector<16xf32>
      %select_n3A_845 = arith.select %lt3A_843, %broadcast_in_dim3A_806, %select_n3A_800 : vector<16xi1>, vector<16xi32>
      %select_n3A_846 = arith.select %lt3A_843, %gather3A_810, %select_n3A_801 : vector<16xi1>, vector<16xf32>
      scf.yield %select_n3A_814, %select_n3A_820, %select_n3A_826, %select_n3A_832, %select_n3A_838, %select_n3A_844, %select_n3A_815, %select_n3A_821, %select_n3A_827, %select_n3A_833, %select_n3A_839, %select_n3A_845, %select_n3A_816, %select_n3A_822, %select_n3A_828, %select_n3A_834, %select_n3A_840, %select_n3A_846 : vector<16xf32>, vector<16xf32>, vector<16xf32>, vector<16xf32>, vector<16xf32>, vector<16xf32>, vector<16xi32>, vector<16xi32>, vector<16xi32>, vector<16xi32>, vector<16xi32>, vector<16xi32>, vector<16xf32>, vector<16xf32>, vector<16xf32>, vector<16xf32>, vector<16xf32>, vector<16xf32>
    }
    %scan3A_59 = arith.constant 512 : i32
    %swap3A = arith.constant 0 : index
    %swap3A_60 = tpu.vector_load %arg8[%swap3A] {strides = array<i32>} : memref<96xf32, #tpu.memory_space<vmem>>, vector<16xf32>,
    %swap3A_61 = vector.shape_cast %swap3A_60 : vector<16xf32> to vector<16xf32>
    %swap3A_62 = vector.shape_cast %scan3A_58#12 : vector<16xf32> to vector<16xf32>
    tpu.vector_store %arg8[%swap3A], %swap3A_62 {strides = array<i32>} : memref<96xf32, #tpu.memory_space<vmem>>, vector<16xf32>,
    %swap3A_63 = arith.constant 0 : index
    %swap3A_64 = tpu.vector_load %arg9[%swap3A_63] {strides = array<i32>} : memref<96xi32, #tpu.memory_space<vmem>>, vector<16xi32>,
    %swap3A_65 = vector.shape_cast %swap3A_64 : vector<16xi32> to vector<16xi32>
    %swap3A_66 = vector.shape_cast %scan3A_58#6 : vector<16xi32> to vector<16xi32>
    tpu.vector_store %arg9[%swap3A_63], %swap3A_66 {strides = array<i32>} : memref<96xi32, #tpu.memory_space<vmem>>, vector<16xi32>,
    %swap3A_67 = arith.constant 16 : index
    %swap3A_68 = tpu.vector_load %arg8[%swap3A_67] {strides = array<i32>} : memref<96xf32, #tpu.memory_space<vmem>>, vector<16xf32>,
    %swap3A_69 = vector.shape_cast %swap3A_68 : vector<16xf32> to vector<16xf32>
    %swap3A_70 = vector.shape_cast %scan3A_58#13 : vector<16xf32> to vector<16xf32>
    tpu.vector_store %arg8[%swap3A_67], %swap3A_70 {strides = array<i32>} : memref<96xf32, #tpu.memory_space<vmem>>, vector<16xf32>,
    %swap3A_71 = arith.constant 16 : index
    %swap3A_72 = tpu.vector_load %arg9[%swap3A_71] {strides = array<i32>} : memref<96xi32, #tpu.memory_space<vmem>>, vector<16xi32>,
    %swap3A_73 = vector.shape_cast %swap3A_72 : vector<16xi32> to vector<16xi32>
    %swap3A_74 = vector.shape_cast %scan3A_58#7 : vector<16xi32> to vector<16xi32>
    tpu.vector_store %arg9[%swap3A_71], %swap3A_74 {strides = array<i32>} : memref<96xi32, #tpu.memory_space<vmem>>, vector<16xi32>,
    %swap3A_75 = arith.constant 32 : index
    %swap3A_76 = tpu.vector_load %arg8[%swap3A_75] {strides = array<i32>} : memref<96xf32, #tpu.memory_space<vmem>>, vector<16xf32>,
    %swap3A_77 = vector.shape_cast %swap3A_76 : vector<16xf32> to vector<16xf32>
    %swap3A_78 = vector.shape_cast %scan3A_58#14 : vector<16xf32> to vector<16xf32>
    tpu.vector_store %arg8[%swap3A_75], %swap3A_78 {strides = array<i32>} : memref<96xf32, #tpu.memory_space<vmem>>, vector<16xf32>,
    %swap3A_79 = arith.constant 32 : index
    %swap3A_80 = tpu.vector_load %arg9[%swap3A_79] {strides = array<i32>} : memref<96xi32, #tpu.memory_space<vmem>>, vector<16xi32>,
    %swap3A_81 = vector.shape_cast %swap3A_80 : vector<16xi32> to vector<16xi32>
    %swap3A_82 = vector.shape_cast %scan3A_58#8 : vector<16xi32> to vector<16xi32>
    tpu.vector_store %arg9[%swap3A_79], %swap3A_82 {strides = array<i32>} : memref<96xi32, #tpu.memory_space<vmem>>, vector<16xi32>,
    %swap3A_83 = arith.constant 48 : index
    %swap3A_84 = tpu.vector_load %arg8[%swap3A_83] {strides = array<i32>} : memref<96xf32, #tpu.memory_space<vmem>>, vector<16xf32>,
    %swap3A_85 = vector.shape_cast %swap3A_84 : vector<16xf32> to vector<16xf32>
    %swap3A_86 = vector.shape_cast %scan3A_58#15 : vector<16xf32> to vector<16xf32>
    tpu.vector_store %arg8[%swap3A_83], %swap3A_86 {strides = array<i32>} : memref<96xf32, #tpu.memory_space<vmem>>, vector<16xf32>,
    %swap3A_87 = arith.constant 48 : index
    %swap3A_88 = tpu.vector_load %arg9[%swap3A_87] {strides = array<i32>} : memref<96xi32, #tpu.memory_space<vmem>>, vector<16xi32>,
    %swap3A_89 = vector.shape_cast %swap3A_88 : vector<16xi32> to vector<16xi32>
    %swap3A_90 = vector.shape_cast %scan3A_58#9 : vector<16xi32> to vector<16xi32>
    tpu.vector_store %arg9[%swap3A_87], %swap3A_90 {strides = array<i32>} : memref<96xi32, #tpu.memory_space<vmem>>, vector<16xi32>,
    %swap3A_91 = arith.constant 64 : index
    %swap3A_92 = tpu.vector_load %arg8[%swap3A_91] {strides = array<i32>} : memref<96xf32, #tpu.memory_space<vmem>>, vector<16xf32>,
    %swap3A_93 = vector.shape_cast %swap3A_92 : vector<16xf32> to vector<16xf32>
    %swap3A_94 = vector.shape_cast %scan3A_58#16 : vector<16xf32> to vector<16xf32>
    tpu.vector_store %arg8[%swap3A_91], %swap3A_94 {strides = array<i32>} : memref<96xf32, #tpu.memory_space<vmem>>, vector<16xf32>,
    %swap3A_95 = arith.constant 64 : index
    %swap3A_96 = tpu.vector_load %arg9[%swap3A_95] {strides = array<i32>} : memref<96xi32, #tpu.memory_space<vmem>>, vector<16xi32>,
    %swap3A_97 = vector.shape_cast %swap3A_96 : vector<16xi32> to vector<16xi32>
    %swap3A_98 = vector.shape_cast %scan3A_58#10 : vector<16xi32> to vector<16xi32>
    tpu.vector_store %arg9[%swap3A_95], %swap3A_98 {strides = array<i32>} : memref<96xi32, #tpu.memory_space<vmem>>, vector<16xi32>,
    %swap3A_99 = arith.constant 80 : index
    %swap3A_100 = tpu.vector_load %arg8[%swap3A_99] {strides = array<i32>} : memref<96xf32, #tpu.memory_space<vmem>>, vector<16xf32>,
    %swap3A_101 = vector.shape_cast %swap3A_100 : vector<16xf32> to vector<16xf32>
    %swap3A_102 = vector.shape_cast %scan3A_58#17 : vector<16xf32> to vector<16xf32>
    tpu.vector_store %arg8[%swap3A_99], %swap3A_102 {strides = array<i32>} : memref<96xf32, #tpu.memory_space<vmem>>, vector<16xf32>,
    %swap3A_103 = arith.constant 80 : index
    %swap3A_104 = tpu.vector_load %arg9[%swap3A_103] {strides = array<i32>} : memref<96xi32, #tpu.memory_space<vmem>>, vector<16xi32>,
    %swap3A_105 = vector.shape_cast %swap3A_104 : vector<16xi32> to vector<16xi32>
    %swap3A_106 = vector.shape_cast %scan3A_58#11 : vector<16xi32> to vector<16xi32>
    tpu.vector_store %arg9[%swap3A_103], %swap3A_106 {strides = array<i32>} : memref<96xi32, #tpu.memory_space<vmem>>, vector<16xi32>,
    "tpu.region"() ({
      %run_scoped3A = tpu.sem_alloc : memref<!tpu.dma_semaphore, #tpu.memory_space<semaphore_mem>>
      %dma_start3A = tpu.memref_slice %arg4[%mul3A_2] : memref<3072xf32, #tpu.memory_space<hbm>> -> memref<96xf32, #tpu.memory_space<hbm>>
      %dma_start3A_107 = tpu.memref_slice %arg4[%mul3A_2] : memref<3072xf32, #tpu.memory_space<hbm>> -> memref<96xf32, #tpu.memory_space<hbm>>
      tpu.enqueue_dma source(%arg8 : memref<96xf32, #tpu.memory_space<vmem>>) target(%dma_start3A_107 : memref<96xf32, #tpu.memory_space<hbm>>) target_semaphore(%run_scoped3A : memref<!tpu.dma_semaphore, #tpu.memory_space<semaphore_mem>>)
      %dma_wait3A = tpu.memref_slice %arg4[%mul3A_2] : memref<3072xf32, #tpu.memory_space<hbm>> -> memref<96xf32, #tpu.memory_space<hbm>>
      %dma_wait3A_108 = tpu.memref_slice %arg4[%mul3A_2] : memref<3072xf32, #tpu.memory_space<hbm>> -> memref<96xf32, #tpu.memory_space<hbm>>
      tpu.wait_dma2 semaphore(%run_scoped3A : memref<!tpu.dma_semaphore, #tpu.memory_space<semaphore_mem>>) src(%arg8 : memref<96xf32, #tpu.memory_space<vmem>>) dst(%dma_wait3A_108 : memref<96xf32, #tpu.memory_space<hbm>>)
      tpu.yield
    }) : () -> ()
    "tpu.region"() ({
      %run_scoped3A = tpu.sem_alloc : memref<!tpu.dma_semaphore, #tpu.memory_space<semaphore_mem>>
      %dma_start3A = tpu.memref_slice %arg5[%mul3A_2] : memref<3072xi32, #tpu.memory_space<hbm>> -> memref<96xi32, #tpu.memory_space<hbm>>
      %dma_start3A_107 = tpu.memref_slice %arg5[%mul3A_2] : memref<3072xi32, #tpu.memory_space<hbm>> -> memref<96xi32, #tpu.memory_space<hbm>>
      tpu.enqueue_dma source(%arg9 : memref<96xi32, #tpu.memory_space<vmem>>) target(%dma_start3A_107 : memref<96xi32, #tpu.memory_space<hbm>>) target_semaphore(%run_scoped3A : memref<!tpu.dma_semaphore, #tpu.memory_space<semaphore_mem>>)
      %dma_wait3A = tpu.memref_slice %arg5[%mul3A_2] : memref<3072xi32, #tpu.memory_space<hbm>> -> memref<96xi32, #tpu.memory_space<hbm>>
      %dma_wait3A_108 = tpu.memref_slice %arg5[%mul3A_2] : memref<3072xi32, #tpu.memory_space<hbm>> -> memref<96xi32, #tpu.memory_space<hbm>>
      tpu.wait_dma2 semaphore(%run_scoped3A : memref<!tpu.dma_semaphore, #tpu.memory_space<semaphore_mem>>) src(%arg9 : memref<96xi32, #tpu.memory_space<vmem>>) dst(%dma_wait3A_108 : memref<96xi32, #tpu.memory_space<hbm>>)
      tpu.yield
    }) : () -> ()
    return
  }
}

module attributes {stable_mosaic.version = 14 : i64} {
  func.func @_vq_tc_kernel(%arg0: memref<8192xf32, #tpu.memory_space<smem>>, %arg1: memref<40x128xf32, #tpu.memory_space<vmem>>, %arg2: memref<40x128xf32, #tpu.memory_space<vmem>>, %arg3: memref<40x128xi32, #tpu.memory_space<vmem>>) attributes {dimension_semantics = [], scalar_prefetch = 0 : i64, scratch_operands = 0 : i64, tpu.core_type = #tpu.core_type<tc>} {
    %get3A = arith.constant 0 : index
    %get3A_0 = arith.constant 0 : index
    %get3A_1 = vector.load %arg1[%get3A, %get3A_0] : memref<40x128xf32, #tpu.memory_space<vmem>>, vector<40x128xf32>
    %broadcast_in_dim3A = arith.constant 0x7F800000 : f32
    %broadcast_in_dim3A_2 = vector.broadcast %broadcast_in_dim3A : f32 to vector<40x128xf32>
    %broadcast_in_dim3A_3 = arith.constant 0 : i32
    %broadcast_in_dim3A_4 = vector.broadcast %broadcast_in_dim3A_3 : i32 to vector<40x128xi32>
    %broadcast_in_dim3A_5 = arith.constant 0.000000e+00 : f32
    %broadcast_in_dim3A_6 = vector.broadcast %broadcast_in_dim3A_5 : f32 to vector<40x128xf32>
    %scan3A = arith.constant 0 : i32
    %scan3A_7 = arith.constant 128 : i32
    %scan3A_8 = arith.addi %scan3A, %scan3A_7 : i32
    %scan3A_9 = arith.constant 1 : i32
    %scan3A_10:3 = scf.for %scan3A_17 = %scan3A to %scan3A_8 step %scan3A_9 iter_args(%scan3A_18 = %broadcast_in_dim3A_2, %scan3A_19 = %broadcast_in_dim3A_4, %scan3A_20 = %broadcast_in_dim3A_6) -> (vector<40x128xf32>, vector<40x128xi32>, vector<40x128xf32>)  : i32 {
      %mul3A = arith.constant 64 : i32
      %mul3A_21 = arith.muli %scan3A_17, %mul3A : i32
      %add3A = arith.constant 0 : i32
      %add3A_22 = arith.addi %mul3A_21, %add3A : i32
      %get3A_23 = arith.index_cast %add3A_22 : i32 to index
      %get3A_24 = memref.load %arg0[%get3A_23] : memref<8192xf32, #tpu.memory_space<smem>>
      %sub3A = vector.broadcast %get3A_24 : f32 to vector<40x128xf32>
      %sub3A_25 = arith.subf %get3A_1, %sub3A : vector<40x128xf32>
      %mul3A_26 = arith.mulf %sub3A_25, %sub3A_25 : vector<40x128xf32>
      %lt3A = arith.cmpf olt, %mul3A_26, %scan3A_18 : vector<40x128xf32>
      %select_n3A = arith.select %lt3A, %mul3A_26, %scan3A_18 : vector<40x128xi1>, vector<40x128xf32>
      %broadcast_in_dim3A_27 = vector.broadcast %add3A_22 : i32 to vector<40x128xi32>
      %select_n3A_28 = arith.select %lt3A, %broadcast_in_dim3A_27, %scan3A_19 : vector<40x128xi1>, vector<40x128xi32>
      %broadcast_in_dim3A_29 = vector.broadcast %get3A_24 : f32 to vector<40x128xf32>
      %select_n3A_30 = arith.select %lt3A, %broadcast_in_dim3A_29, %scan3A_20 : vector<40x128xi1>, vector<40x128xf32>
      %mul3A_31 = arith.constant 64 : i32
      %mul3A_32 = arith.muli %scan3A_17, %mul3A_31 : i32
      %add3A_33 = arith.constant 1 : i32
      %add3A_34 = arith.addi %mul3A_32, %add3A_33 : i32
      %get3A_35 = arith.index_cast %add3A_34 : i32 to index
      %get3A_36 = memref.load %arg0[%get3A_35] : memref<8192xf32, #tpu.memory_space<smem>>
      %sub3A_37 = vector.broadcast %get3A_36 : f32 to vector<40x128xf32>
      %sub3A_38 = arith.subf %get3A_1, %sub3A_37 : vector<40x128xf32>
      %mul3A_39 = arith.mulf %sub3A_38, %sub3A_38 : vector<40x128xf32>
      %lt3A_40 = arith.cmpf olt, %mul3A_39, %select_n3A : vector<40x128xf32>
      %select_n3A_41 = arith.select %lt3A_40, %mul3A_39, %select_n3A : vector<40x128xi1>, vector<40x128xf32>
      %broadcast_in_dim3A_42 = vector.broadcast %add3A_34 : i32 to vector<40x128xi32>
      %select_n3A_43 = arith.select %lt3A_40, %broadcast_in_dim3A_42, %select_n3A_28 : vector<40x128xi1>, vector<40x128xi32>
      %broadcast_in_dim3A_44 = vector.broadcast %get3A_36 : f32 to vector<40x128xf32>
      %select_n3A_45 = arith.select %lt3A_40, %broadcast_in_dim3A_44, %select_n3A_30 : vector<40x128xi1>, vector<40x128xf32>
      %mul3A_46 = arith.constant 64 : i32
      %mul3A_47 = arith.muli %scan3A_17, %mul3A_46 : i32
      %add3A_48 = arith.constant 2 : i32
      %add3A_49 = arith.addi %mul3A_47, %add3A_48 : i32
      %get3A_50 = arith.index_cast %add3A_49 : i32 to index
      %get3A_51 = memref.load %arg0[%get3A_50] : memref<8192xf32, #tpu.memory_space<smem>>
      %sub3A_52 = vector.broadcast %get3A_51 : f32 to vector<40x128xf32>
      %sub3A_53 = arith.subf %get3A_1, %sub3A_52 : vector<40x128xf32>
      %mul3A_54 = arith.mulf %sub3A_53, %sub3A_53 : vector<40x128xf32>
      %lt3A_55 = arith.cmpf olt, %mul3A_54, %select_n3A_41 : vector<40x128xf32>
      %select_n3A_56 = arith.select %lt3A_55, %mul3A_54, %select_n3A_41 : vector<40x128xi1>, vector<40x128xf32>
      %broadcast_in_dim3A_57 = vector.broadcast %add3A_49 : i32 to vector<40x128xi32>
      %select_n3A_58 = arith.select %lt3A_55, %broadcast_in_dim3A_57, %select_n3A_43 : vector<40x128xi1>, vector<40x128xi32>
      %broadcast_in_dim3A_59 = vector.broadcast %get3A_51 : f32 to vector<40x128xf32>
      %select_n3A_60 = arith.select %lt3A_55, %broadcast_in_dim3A_59, %select_n3A_45 : vector<40x128xi1>, vector<40x128xf32>
      %mul3A_61 = arith.constant 64 : i32
      %mul3A_62 = arith.muli %scan3A_17, %mul3A_61 : i32
      %add3A_63 = arith.constant 3 : i32
      %add3A_64 = arith.addi %mul3A_62, %add3A_63 : i32
      %get3A_65 = arith.index_cast %add3A_64 : i32 to index
      %get3A_66 = memref.load %arg0[%get3A_65] : memref<8192xf32, #tpu.memory_space<smem>>
      %sub3A_67 = vector.broadcast %get3A_66 : f32 to vector<40x128xf32>
      %sub3A_68 = arith.subf %get3A_1, %sub3A_67 : vector<40x128xf32>
      %mul3A_69 = arith.mulf %sub3A_68, %sub3A_68 : vector<40x128xf32>
      %lt3A_70 = arith.cmpf olt, %mul3A_69, %select_n3A_56 : vector<40x128xf32>
      %select_n3A_71 = arith.select %lt3A_70, %mul3A_69, %select_n3A_56 : vector<40x128xi1>, vector<40x128xf32>
      %broadcast_in_dim3A_72 = vector.broadcast %add3A_64 : i32 to vector<40x128xi32>
      %select_n3A_73 = arith.select %lt3A_70, %broadcast_in_dim3A_72, %select_n3A_58 : vector<40x128xi1>, vector<40x128xi32>
      %broadcast_in_dim3A_74 = vector.broadcast %get3A_66 : f32 to vector<40x128xf32>
      %select_n3A_75 = arith.select %lt3A_70, %broadcast_in_dim3A_74, %select_n3A_60 : vector<40x128xi1>, vector<40x128xf32>
      %mul3A_76 = arith.constant 64 : i32
      %mul3A_77 = arith.muli %scan3A_17, %mul3A_76 : i32
      %add3A_78 = arith.constant 4 : i32
      %add3A_79 = arith.addi %mul3A_77, %add3A_78 : i32
      %get3A_80 = arith.index_cast %add3A_79 : i32 to index
      %get3A_81 = memref.load %arg0[%get3A_80] : memref<8192xf32, #tpu.memory_space<smem>>
      %sub3A_82 = vector.broadcast %get3A_81 : f32 to vector<40x128xf32>
      %sub3A_83 = arith.subf %get3A_1, %sub3A_82 : vector<40x128xf32>
      %mul3A_84 = arith.mulf %sub3A_83, %sub3A_83 : vector<40x128xf32>
      %lt3A_85 = arith.cmpf olt, %mul3A_84, %select_n3A_71 : vector<40x128xf32>
      %select_n3A_86 = arith.select %lt3A_85, %mul3A_84, %select_n3A_71 : vector<40x128xi1>, vector<40x128xf32>
      %broadcast_in_dim3A_87 = vector.broadcast %add3A_79 : i32 to vector<40x128xi32>
      %select_n3A_88 = arith.select %lt3A_85, %broadcast_in_dim3A_87, %select_n3A_73 : vector<40x128xi1>, vector<40x128xi32>
      %broadcast_in_dim3A_89 = vector.broadcast %get3A_81 : f32 to vector<40x128xf32>
      %select_n3A_90 = arith.select %lt3A_85, %broadcast_in_dim3A_89, %select_n3A_75 : vector<40x128xi1>, vector<40x128xf32>
      %mul3A_91 = arith.constant 64 : i32
      %mul3A_92 = arith.muli %scan3A_17, %mul3A_91 : i32
      %add3A_93 = arith.constant 5 : i32
      %add3A_94 = arith.addi %mul3A_92, %add3A_93 : i32
      %get3A_95 = arith.index_cast %add3A_94 : i32 to index
      %get3A_96 = memref.load %arg0[%get3A_95] : memref<8192xf32, #tpu.memory_space<smem>>
      %sub3A_97 = vector.broadcast %get3A_96 : f32 to vector<40x128xf32>
      %sub3A_98 = arith.subf %get3A_1, %sub3A_97 : vector<40x128xf32>
      %mul3A_99 = arith.mulf %sub3A_98, %sub3A_98 : vector<40x128xf32>
      %lt3A_100 = arith.cmpf olt, %mul3A_99, %select_n3A_86 : vector<40x128xf32>
      %select_n3A_101 = arith.select %lt3A_100, %mul3A_99, %select_n3A_86 : vector<40x128xi1>, vector<40x128xf32>
      %broadcast_in_dim3A_102 = vector.broadcast %add3A_94 : i32 to vector<40x128xi32>
      %select_n3A_103 = arith.select %lt3A_100, %broadcast_in_dim3A_102, %select_n3A_88 : vector<40x128xi1>, vector<40x128xi32>
      %broadcast_in_dim3A_104 = vector.broadcast %get3A_96 : f32 to vector<40x128xf32>
      %select_n3A_105 = arith.select %lt3A_100, %broadcast_in_dim3A_104, %select_n3A_90 : vector<40x128xi1>, vector<40x128xf32>
      %mul3A_106 = arith.constant 64 : i32
      %mul3A_107 = arith.muli %scan3A_17, %mul3A_106 : i32
      %add3A_108 = arith.constant 6 : i32
      %add3A_109 = arith.addi %mul3A_107, %add3A_108 : i32
      %get3A_110 = arith.index_cast %add3A_109 : i32 to index
      %get3A_111 = memref.load %arg0[%get3A_110] : memref<8192xf32, #tpu.memory_space<smem>>
      %sub3A_112 = vector.broadcast %get3A_111 : f32 to vector<40x128xf32>
      %sub3A_113 = arith.subf %get3A_1, %sub3A_112 : vector<40x128xf32>
      %mul3A_114 = arith.mulf %sub3A_113, %sub3A_113 : vector<40x128xf32>
      %lt3A_115 = arith.cmpf olt, %mul3A_114, %select_n3A_101 : vector<40x128xf32>
      %select_n3A_116 = arith.select %lt3A_115, %mul3A_114, %select_n3A_101 : vector<40x128xi1>, vector<40x128xf32>
      %broadcast_in_dim3A_117 = vector.broadcast %add3A_109 : i32 to vector<40x128xi32>
      %select_n3A_118 = arith.select %lt3A_115, %broadcast_in_dim3A_117, %select_n3A_103 : vector<40x128xi1>, vector<40x128xi32>
      %broadcast_in_dim3A_119 = vector.broadcast %get3A_111 : f32 to vector<40x128xf32>
      %select_n3A_120 = arith.select %lt3A_115, %broadcast_in_dim3A_119, %select_n3A_105 : vector<40x128xi1>, vector<40x128xf32>
      %mul3A_121 = arith.constant 64 : i32
      %mul3A_122 = arith.muli %scan3A_17, %mul3A_121 : i32
      %add3A_123 = arith.constant 7 : i32
      %add3A_124 = arith.addi %mul3A_122, %add3A_123 : i32
      %get3A_125 = arith.index_cast %add3A_124 : i32 to index
      %get3A_126 = memref.load %arg0[%get3A_125] : memref<8192xf32, #tpu.memory_space<smem>>
      %sub3A_127 = vector.broadcast %get3A_126 : f32 to vector<40x128xf32>
      %sub3A_128 = arith.subf %get3A_1, %sub3A_127 : vector<40x128xf32>
      %mul3A_129 = arith.mulf %sub3A_128, %sub3A_128 : vector<40x128xf32>
      %lt3A_130 = arith.cmpf olt, %mul3A_129, %select_n3A_116 : vector<40x128xf32>
      %select_n3A_131 = arith.select %lt3A_130, %mul3A_129, %select_n3A_116 : vector<40x128xi1>, vector<40x128xf32>
      %broadcast_in_dim3A_132 = vector.broadcast %add3A_124 : i32 to vector<40x128xi32>
      %select_n3A_133 = arith.select %lt3A_130, %broadcast_in_dim3A_132, %select_n3A_118 : vector<40x128xi1>, vector<40x128xi32>
      %broadcast_in_dim3A_134 = vector.broadcast %get3A_126 : f32 to vector<40x128xf32>
      %select_n3A_135 = arith.select %lt3A_130, %broadcast_in_dim3A_134, %select_n3A_120 : vector<40x128xi1>, vector<40x128xf32>
      %mul3A_136 = arith.constant 64 : i32
      %mul3A_137 = arith.muli %scan3A_17, %mul3A_136 : i32
      %add3A_138 = arith.constant 8 : i32
      %add3A_139 = arith.addi %mul3A_137, %add3A_138 : i32
      %get3A_140 = arith.index_cast %add3A_139 : i32 to index
      %get3A_141 = memref.load %arg0[%get3A_140] : memref<8192xf32, #tpu.memory_space<smem>>
      %sub3A_142 = vector.broadcast %get3A_141 : f32 to vector<40x128xf32>
      %sub3A_143 = arith.subf %get3A_1, %sub3A_142 : vector<40x128xf32>
      %mul3A_144 = arith.mulf %sub3A_143, %sub3A_143 : vector<40x128xf32>
      %lt3A_145 = arith.cmpf olt, %mul3A_144, %select_n3A_131 : vector<40x128xf32>
      %select_n3A_146 = arith.select %lt3A_145, %mul3A_144, %select_n3A_131 : vector<40x128xi1>, vector<40x128xf32>
      %broadcast_in_dim3A_147 = vector.broadcast %add3A_139 : i32 to vector<40x128xi32>
      %select_n3A_148 = arith.select %lt3A_145, %broadcast_in_dim3A_147, %select_n3A_133 : vector<40x128xi1>, vector<40x128xi32>
      %broadcast_in_dim3A_149 = vector.broadcast %get3A_141 : f32 to vector<40x128xf32>
      %select_n3A_150 = arith.select %lt3A_145, %broadcast_in_dim3A_149, %select_n3A_135 : vector<40x128xi1>, vector<40x128xf32>
      %mul3A_151 = arith.constant 64 : i32
      %mul3A_152 = arith.muli %scan3A_17, %mul3A_151 : i32
      %add3A_153 = arith.constant 9 : i32
      %add3A_154 = arith.addi %mul3A_152, %add3A_153 : i32
      %get3A_155 = arith.index_cast %add3A_154 : i32 to index
      %get3A_156 = memref.load %arg0[%get3A_155] : memref<8192xf32, #tpu.memory_space<smem>>
      %sub3A_157 = vector.broadcast %get3A_156 : f32 to vector<40x128xf32>
      %sub3A_158 = arith.subf %get3A_1, %sub3A_157 : vector<40x128xf32>
      %mul3A_159 = arith.mulf %sub3A_158, %sub3A_158 : vector<40x128xf32>
      %lt3A_160 = arith.cmpf olt, %mul3A_159, %select_n3A_146 : vector<40x128xf32>
      %select_n3A_161 = arith.select %lt3A_160, %mul3A_159, %select_n3A_146 : vector<40x128xi1>, vector<40x128xf32>
      %broadcast_in_dim3A_162 = vector.broadcast %add3A_154 : i32 to vector<40x128xi32>
      %select_n3A_163 = arith.select %lt3A_160, %broadcast_in_dim3A_162, %select_n3A_148 : vector<40x128xi1>, vector<40x128xi32>
      %broadcast_in_dim3A_164 = vector.broadcast %get3A_156 : f32 to vector<40x128xf32>
      %select_n3A_165 = arith.select %lt3A_160, %broadcast_in_dim3A_164, %select_n3A_150 : vector<40x128xi1>, vector<40x128xf32>
      %mul3A_166 = arith.constant 64 : i32
      %mul3A_167 = arith.muli %scan3A_17, %mul3A_166 : i32
      %add3A_168 = arith.constant 10 : i32
      %add3A_169 = arith.addi %mul3A_167, %add3A_168 : i32
      %get3A_170 = arith.index_cast %add3A_169 : i32 to index
      %get3A_171 = memref.load %arg0[%get3A_170] : memref<8192xf32, #tpu.memory_space<smem>>
      %sub3A_172 = vector.broadcast %get3A_171 : f32 to vector<40x128xf32>
      %sub3A_173 = arith.subf %get3A_1, %sub3A_172 : vector<40x128xf32>
      %mul3A_174 = arith.mulf %sub3A_173, %sub3A_173 : vector<40x128xf32>
      %lt3A_175 = arith.cmpf olt, %mul3A_174, %select_n3A_161 : vector<40x128xf32>
      %select_n3A_176 = arith.select %lt3A_175, %mul3A_174, %select_n3A_161 : vector<40x128xi1>, vector<40x128xf32>
      %broadcast_in_dim3A_177 = vector.broadcast %add3A_169 : i32 to vector<40x128xi32>
      %select_n3A_178 = arith.select %lt3A_175, %broadcast_in_dim3A_177, %select_n3A_163 : vector<40x128xi1>, vector<40x128xi32>
      %broadcast_in_dim3A_179 = vector.broadcast %get3A_171 : f32 to vector<40x128xf32>
      %select_n3A_180 = arith.select %lt3A_175, %broadcast_in_dim3A_179, %select_n3A_165 : vector<40x128xi1>, vector<40x128xf32>
      %mul3A_181 = arith.constant 64 : i32
      %mul3A_182 = arith.muli %scan3A_17, %mul3A_181 : i32
      %add3A_183 = arith.constant 11 : i32
      %add3A_184 = arith.addi %mul3A_182, %add3A_183 : i32
      %get3A_185 = arith.index_cast %add3A_184 : i32 to index
      %get3A_186 = memref.load %arg0[%get3A_185] : memref<8192xf32, #tpu.memory_space<smem>>
      %sub3A_187 = vector.broadcast %get3A_186 : f32 to vector<40x128xf32>
      %sub3A_188 = arith.subf %get3A_1, %sub3A_187 : vector<40x128xf32>
      %mul3A_189 = arith.mulf %sub3A_188, %sub3A_188 : vector<40x128xf32>
      %lt3A_190 = arith.cmpf olt, %mul3A_189, %select_n3A_176 : vector<40x128xf32>
      %select_n3A_191 = arith.select %lt3A_190, %mul3A_189, %select_n3A_176 : vector<40x128xi1>, vector<40x128xf32>
      %broadcast_in_dim3A_192 = vector.broadcast %add3A_184 : i32 to vector<40x128xi32>
      %select_n3A_193 = arith.select %lt3A_190, %broadcast_in_dim3A_192, %select_n3A_178 : vector<40x128xi1>, vector<40x128xi32>
      %broadcast_in_dim3A_194 = vector.broadcast %get3A_186 : f32 to vector<40x128xf32>
      %select_n3A_195 = arith.select %lt3A_190, %broadcast_in_dim3A_194, %select_n3A_180 : vector<40x128xi1>, vector<40x128xf32>
      %mul3A_196 = arith.constant 64 : i32
      %mul3A_197 = arith.muli %scan3A_17, %mul3A_196 : i32
      %add3A_198 = arith.constant 12 : i32
      %add3A_199 = arith.addi %mul3A_197, %add3A_198 : i32
      %get3A_200 = arith.index_cast %add3A_199 : i32 to index
      %get3A_201 = memref.load %arg0[%get3A_200] : memref<8192xf32, #tpu.memory_space<smem>>
      %sub3A_202 = vector.broadcast %get3A_201 : f32 to vector<40x128xf32>
      %sub3A_203 = arith.subf %get3A_1, %sub3A_202 : vector<40x128xf32>
      %mul3A_204 = arith.mulf %sub3A_203, %sub3A_203 : vector<40x128xf32>
      %lt3A_205 = arith.cmpf olt, %mul3A_204, %select_n3A_191 : vector<40x128xf32>
      %select_n3A_206 = arith.select %lt3A_205, %mul3A_204, %select_n3A_191 : vector<40x128xi1>, vector<40x128xf32>
      %broadcast_in_dim3A_207 = vector.broadcast %add3A_199 : i32 to vector<40x128xi32>
      %select_n3A_208 = arith.select %lt3A_205, %broadcast_in_dim3A_207, %select_n3A_193 : vector<40x128xi1>, vector<40x128xi32>
      %broadcast_in_dim3A_209 = vector.broadcast %get3A_201 : f32 to vector<40x128xf32>
      %select_n3A_210 = arith.select %lt3A_205, %broadcast_in_dim3A_209, %select_n3A_195 : vector<40x128xi1>, vector<40x128xf32>
      %mul3A_211 = arith.constant 64 : i32
      %mul3A_212 = arith.muli %scan3A_17, %mul3A_211 : i32
      %add3A_213 = arith.constant 13 : i32
      %add3A_214 = arith.addi %mul3A_212, %add3A_213 : i32
      %get3A_215 = arith.index_cast %add3A_214 : i32 to index
      %get3A_216 = memref.load %arg0[%get3A_215] : memref<8192xf32, #tpu.memory_space<smem>>
      %sub3A_217 = vector.broadcast %get3A_216 : f32 to vector<40x128xf32>
      %sub3A_218 = arith.subf %get3A_1, %sub3A_217 : vector<40x128xf32>
      %mul3A_219 = arith.mulf %sub3A_218, %sub3A_218 : vector<40x128xf32>
      %lt3A_220 = arith.cmpf olt, %mul3A_219, %select_n3A_206 : vector<40x128xf32>
      %select_n3A_221 = arith.select %lt3A_220, %mul3A_219, %select_n3A_206 : vector<40x128xi1>, vector<40x128xf32>
      %broadcast_in_dim3A_222 = vector.broadcast %add3A_214 : i32 to vector<40x128xi32>
      %select_n3A_223 = arith.select %lt3A_220, %broadcast_in_dim3A_222, %select_n3A_208 : vector<40x128xi1>, vector<40x128xi32>
      %broadcast_in_dim3A_224 = vector.broadcast %get3A_216 : f32 to vector<40x128xf32>
      %select_n3A_225 = arith.select %lt3A_220, %broadcast_in_dim3A_224, %select_n3A_210 : vector<40x128xi1>, vector<40x128xf32>
      %mul3A_226 = arith.constant 64 : i32
      %mul3A_227 = arith.muli %scan3A_17, %mul3A_226 : i32
      %add3A_228 = arith.constant 14 : i32
      %add3A_229 = arith.addi %mul3A_227, %add3A_228 : i32
      %get3A_230 = arith.index_cast %add3A_229 : i32 to index
      %get3A_231 = memref.load %arg0[%get3A_230] : memref<8192xf32, #tpu.memory_space<smem>>
      %sub3A_232 = vector.broadcast %get3A_231 : f32 to vector<40x128xf32>
      %sub3A_233 = arith.subf %get3A_1, %sub3A_232 : vector<40x128xf32>
      %mul3A_234 = arith.mulf %sub3A_233, %sub3A_233 : vector<40x128xf32>
      %lt3A_235 = arith.cmpf olt, %mul3A_234, %select_n3A_221 : vector<40x128xf32>
      %select_n3A_236 = arith.select %lt3A_235, %mul3A_234, %select_n3A_221 : vector<40x128xi1>, vector<40x128xf32>
      %broadcast_in_dim3A_237 = vector.broadcast %add3A_229 : i32 to vector<40x128xi32>
      %select_n3A_238 = arith.select %lt3A_235, %broadcast_in_dim3A_237, %select_n3A_223 : vector<40x128xi1>, vector<40x128xi32>
      %broadcast_in_dim3A_239 = vector.broadcast %get3A_231 : f32 to vector<40x128xf32>
      %select_n3A_240 = arith.select %lt3A_235, %broadcast_in_dim3A_239, %select_n3A_225 : vector<40x128xi1>, vector<40x128xf32>
      %mul3A_241 = arith.constant 64 : i32
      %mul3A_242 = arith.muli %scan3A_17, %mul3A_241 : i32
      %add3A_243 = arith.constant 15 : i32
      %add3A_244 = arith.addi %mul3A_242, %add3A_243 : i32
      %get3A_245 = arith.index_cast %add3A_244 : i32 to index
      %get3A_246 = memref.load %arg0[%get3A_245] : memref<8192xf32, #tpu.memory_space<smem>>
      %sub3A_247 = vector.broadcast %get3A_246 : f32 to vector<40x128xf32>
      %sub3A_248 = arith.subf %get3A_1, %sub3A_247 : vector<40x128xf32>
      %mul3A_249 = arith.mulf %sub3A_248, %sub3A_248 : vector<40x128xf32>
      %lt3A_250 = arith.cmpf olt, %mul3A_249, %select_n3A_236 : vector<40x128xf32>
      %select_n3A_251 = arith.select %lt3A_250, %mul3A_249, %select_n3A_236 : vector<40x128xi1>, vector<40x128xf32>
      %broadcast_in_dim3A_252 = vector.broadcast %add3A_244 : i32 to vector<40x128xi32>
      %select_n3A_253 = arith.select %lt3A_250, %broadcast_in_dim3A_252, %select_n3A_238 : vector<40x128xi1>, vector<40x128xi32>
      %broadcast_in_dim3A_254 = vector.broadcast %get3A_246 : f32 to vector<40x128xf32>
      %select_n3A_255 = arith.select %lt3A_250, %broadcast_in_dim3A_254, %select_n3A_240 : vector<40x128xi1>, vector<40x128xf32>
      %mul3A_256 = arith.constant 64 : i32
      %mul3A_257 = arith.muli %scan3A_17, %mul3A_256 : i32
      %add3A_258 = arith.constant 16 : i32
      %add3A_259 = arith.addi %mul3A_257, %add3A_258 : i32
      %get3A_260 = arith.index_cast %add3A_259 : i32 to index
      %get3A_261 = memref.load %arg0[%get3A_260] : memref<8192xf32, #tpu.memory_space<smem>>
      %sub3A_262 = vector.broadcast %get3A_261 : f32 to vector<40x128xf32>
      %sub3A_263 = arith.subf %get3A_1, %sub3A_262 : vector<40x128xf32>
      %mul3A_264 = arith.mulf %sub3A_263, %sub3A_263 : vector<40x128xf32>
      %lt3A_265 = arith.cmpf olt, %mul3A_264, %select_n3A_251 : vector<40x128xf32>
      %select_n3A_266 = arith.select %lt3A_265, %mul3A_264, %select_n3A_251 : vector<40x128xi1>, vector<40x128xf32>
      %broadcast_in_dim3A_267 = vector.broadcast %add3A_259 : i32 to vector<40x128xi32>
      %select_n3A_268 = arith.select %lt3A_265, %broadcast_in_dim3A_267, %select_n3A_253 : vector<40x128xi1>, vector<40x128xi32>
      %broadcast_in_dim3A_269 = vector.broadcast %get3A_261 : f32 to vector<40x128xf32>
      %select_n3A_270 = arith.select %lt3A_265, %broadcast_in_dim3A_269, %select_n3A_255 : vector<40x128xi1>, vector<40x128xf32>
      %mul3A_271 = arith.constant 64 : i32
      %mul3A_272 = arith.muli %scan3A_17, %mul3A_271 : i32
      %add3A_273 = arith.constant 17 : i32
      %add3A_274 = arith.addi %mul3A_272, %add3A_273 : i32
      %get3A_275 = arith.index_cast %add3A_274 : i32 to index
      %get3A_276 = memref.load %arg0[%get3A_275] : memref<8192xf32, #tpu.memory_space<smem>>
      %sub3A_277 = vector.broadcast %get3A_276 : f32 to vector<40x128xf32>
      %sub3A_278 = arith.subf %get3A_1, %sub3A_277 : vector<40x128xf32>
      %mul3A_279 = arith.mulf %sub3A_278, %sub3A_278 : vector<40x128xf32>
      %lt3A_280 = arith.cmpf olt, %mul3A_279, %select_n3A_266 : vector<40x128xf32>
      %select_n3A_281 = arith.select %lt3A_280, %mul3A_279, %select_n3A_266 : vector<40x128xi1>, vector<40x128xf32>
      %broadcast_in_dim3A_282 = vector.broadcast %add3A_274 : i32 to vector<40x128xi32>
      %select_n3A_283 = arith.select %lt3A_280, %broadcast_in_dim3A_282, %select_n3A_268 : vector<40x128xi1>, vector<40x128xi32>
      %broadcast_in_dim3A_284 = vector.broadcast %get3A_276 : f32 to vector<40x128xf32>
      %select_n3A_285 = arith.select %lt3A_280, %broadcast_in_dim3A_284, %select_n3A_270 : vector<40x128xi1>, vector<40x128xf32>
      %mul3A_286 = arith.constant 64 : i32
      %mul3A_287 = arith.muli %scan3A_17, %mul3A_286 : i32
      %add3A_288 = arith.constant 18 : i32
      %add3A_289 = arith.addi %mul3A_287, %add3A_288 : i32
      %get3A_290 = arith.index_cast %add3A_289 : i32 to index
      %get3A_291 = memref.load %arg0[%get3A_290] : memref<8192xf32, #tpu.memory_space<smem>>
      %sub3A_292 = vector.broadcast %get3A_291 : f32 to vector<40x128xf32>
      %sub3A_293 = arith.subf %get3A_1, %sub3A_292 : vector<40x128xf32>
      %mul3A_294 = arith.mulf %sub3A_293, %sub3A_293 : vector<40x128xf32>
      %lt3A_295 = arith.cmpf olt, %mul3A_294, %select_n3A_281 : vector<40x128xf32>
      %select_n3A_296 = arith.select %lt3A_295, %mul3A_294, %select_n3A_281 : vector<40x128xi1>, vector<40x128xf32>
      %broadcast_in_dim3A_297 = vector.broadcast %add3A_289 : i32 to vector<40x128xi32>
      %select_n3A_298 = arith.select %lt3A_295, %broadcast_in_dim3A_297, %select_n3A_283 : vector<40x128xi1>, vector<40x128xi32>
      %broadcast_in_dim3A_299 = vector.broadcast %get3A_291 : f32 to vector<40x128xf32>
      %select_n3A_300 = arith.select %lt3A_295, %broadcast_in_dim3A_299, %select_n3A_285 : vector<40x128xi1>, vector<40x128xf32>
      %mul3A_301 = arith.constant 64 : i32
      %mul3A_302 = arith.muli %scan3A_17, %mul3A_301 : i32
      %add3A_303 = arith.constant 19 : i32
      %add3A_304 = arith.addi %mul3A_302, %add3A_303 : i32
      %get3A_305 = arith.index_cast %add3A_304 : i32 to index
      %get3A_306 = memref.load %arg0[%get3A_305] : memref<8192xf32, #tpu.memory_space<smem>>
      %sub3A_307 = vector.broadcast %get3A_306 : f32 to vector<40x128xf32>
      %sub3A_308 = arith.subf %get3A_1, %sub3A_307 : vector<40x128xf32>
      %mul3A_309 = arith.mulf %sub3A_308, %sub3A_308 : vector<40x128xf32>
      %lt3A_310 = arith.cmpf olt, %mul3A_309, %select_n3A_296 : vector<40x128xf32>
      %select_n3A_311 = arith.select %lt3A_310, %mul3A_309, %select_n3A_296 : vector<40x128xi1>, vector<40x128xf32>
      %broadcast_in_dim3A_312 = vector.broadcast %add3A_304 : i32 to vector<40x128xi32>
      %select_n3A_313 = arith.select %lt3A_310, %broadcast_in_dim3A_312, %select_n3A_298 : vector<40x128xi1>, vector<40x128xi32>
      %broadcast_in_dim3A_314 = vector.broadcast %get3A_306 : f32 to vector<40x128xf32>
      %select_n3A_315 = arith.select %lt3A_310, %broadcast_in_dim3A_314, %select_n3A_300 : vector<40x128xi1>, vector<40x128xf32>
      %mul3A_316 = arith.constant 64 : i32
      %mul3A_317 = arith.muli %scan3A_17, %mul3A_316 : i32
      %add3A_318 = arith.constant 20 : i32
      %add3A_319 = arith.addi %mul3A_317, %add3A_318 : i32
      %get3A_320 = arith.index_cast %add3A_319 : i32 to index
      %get3A_321 = memref.load %arg0[%get3A_320] : memref<8192xf32, #tpu.memory_space<smem>>
      %sub3A_322 = vector.broadcast %get3A_321 : f32 to vector<40x128xf32>
      %sub3A_323 = arith.subf %get3A_1, %sub3A_322 : vector<40x128xf32>
      %mul3A_324 = arith.mulf %sub3A_323, %sub3A_323 : vector<40x128xf32>
      %lt3A_325 = arith.cmpf olt, %mul3A_324, %select_n3A_311 : vector<40x128xf32>
      %select_n3A_326 = arith.select %lt3A_325, %mul3A_324, %select_n3A_311 : vector<40x128xi1>, vector<40x128xf32>
      %broadcast_in_dim3A_327 = vector.broadcast %add3A_319 : i32 to vector<40x128xi32>
      %select_n3A_328 = arith.select %lt3A_325, %broadcast_in_dim3A_327, %select_n3A_313 : vector<40x128xi1>, vector<40x128xi32>
      %broadcast_in_dim3A_329 = vector.broadcast %get3A_321 : f32 to vector<40x128xf32>
      %select_n3A_330 = arith.select %lt3A_325, %broadcast_in_dim3A_329, %select_n3A_315 : vector<40x128xi1>, vector<40x128xf32>
      %mul3A_331 = arith.constant 64 : i32
      %mul3A_332 = arith.muli %scan3A_17, %mul3A_331 : i32
      %add3A_333 = arith.constant 21 : i32
      %add3A_334 = arith.addi %mul3A_332, %add3A_333 : i32
      %get3A_335 = arith.index_cast %add3A_334 : i32 to index
      %get3A_336 = memref.load %arg0[%get3A_335] : memref<8192xf32, #tpu.memory_space<smem>>
      %sub3A_337 = vector.broadcast %get3A_336 : f32 to vector<40x128xf32>
      %sub3A_338 = arith.subf %get3A_1, %sub3A_337 : vector<40x128xf32>
      %mul3A_339 = arith.mulf %sub3A_338, %sub3A_338 : vector<40x128xf32>
      %lt3A_340 = arith.cmpf olt, %mul3A_339, %select_n3A_326 : vector<40x128xf32>
      %select_n3A_341 = arith.select %lt3A_340, %mul3A_339, %select_n3A_326 : vector<40x128xi1>, vector<40x128xf32>
      %broadcast_in_dim3A_342 = vector.broadcast %add3A_334 : i32 to vector<40x128xi32>
      %select_n3A_343 = arith.select %lt3A_340, %broadcast_in_dim3A_342, %select_n3A_328 : vector<40x128xi1>, vector<40x128xi32>
      %broadcast_in_dim3A_344 = vector.broadcast %get3A_336 : f32 to vector<40x128xf32>
      %select_n3A_345 = arith.select %lt3A_340, %broadcast_in_dim3A_344, %select_n3A_330 : vector<40x128xi1>, vector<40x128xf32>
      %mul3A_346 = arith.constant 64 : i32
      %mul3A_347 = arith.muli %scan3A_17, %mul3A_346 : i32
      %add3A_348 = arith.constant 22 : i32
      %add3A_349 = arith.addi %mul3A_347, %add3A_348 : i32
      %get3A_350 = arith.index_cast %add3A_349 : i32 to index
      %get3A_351 = memref.load %arg0[%get3A_350] : memref<8192xf32, #tpu.memory_space<smem>>
      %sub3A_352 = vector.broadcast %get3A_351 : f32 to vector<40x128xf32>
      %sub3A_353 = arith.subf %get3A_1, %sub3A_352 : vector<40x128xf32>
      %mul3A_354 = arith.mulf %sub3A_353, %sub3A_353 : vector<40x128xf32>
      %lt3A_355 = arith.cmpf olt, %mul3A_354, %select_n3A_341 : vector<40x128xf32>
      %select_n3A_356 = arith.select %lt3A_355, %mul3A_354, %select_n3A_341 : vector<40x128xi1>, vector<40x128xf32>
      %broadcast_in_dim3A_357 = vector.broadcast %add3A_349 : i32 to vector<40x128xi32>
      %select_n3A_358 = arith.select %lt3A_355, %broadcast_in_dim3A_357, %select_n3A_343 : vector<40x128xi1>, vector<40x128xi32>
      %broadcast_in_dim3A_359 = vector.broadcast %get3A_351 : f32 to vector<40x128xf32>
      %select_n3A_360 = arith.select %lt3A_355, %broadcast_in_dim3A_359, %select_n3A_345 : vector<40x128xi1>, vector<40x128xf32>
      %mul3A_361 = arith.constant 64 : i32
      %mul3A_362 = arith.muli %scan3A_17, %mul3A_361 : i32
      %add3A_363 = arith.constant 23 : i32
      %add3A_364 = arith.addi %mul3A_362, %add3A_363 : i32
      %get3A_365 = arith.index_cast %add3A_364 : i32 to index
      %get3A_366 = memref.load %arg0[%get3A_365] : memref<8192xf32, #tpu.memory_space<smem>>
      %sub3A_367 = vector.broadcast %get3A_366 : f32 to vector<40x128xf32>
      %sub3A_368 = arith.subf %get3A_1, %sub3A_367 : vector<40x128xf32>
      %mul3A_369 = arith.mulf %sub3A_368, %sub3A_368 : vector<40x128xf32>
      %lt3A_370 = arith.cmpf olt, %mul3A_369, %select_n3A_356 : vector<40x128xf32>
      %select_n3A_371 = arith.select %lt3A_370, %mul3A_369, %select_n3A_356 : vector<40x128xi1>, vector<40x128xf32>
      %broadcast_in_dim3A_372 = vector.broadcast %add3A_364 : i32 to vector<40x128xi32>
      %select_n3A_373 = arith.select %lt3A_370, %broadcast_in_dim3A_372, %select_n3A_358 : vector<40x128xi1>, vector<40x128xi32>
      %broadcast_in_dim3A_374 = vector.broadcast %get3A_366 : f32 to vector<40x128xf32>
      %select_n3A_375 = arith.select %lt3A_370, %broadcast_in_dim3A_374, %select_n3A_360 : vector<40x128xi1>, vector<40x128xf32>
      %mul3A_376 = arith.constant 64 : i32
      %mul3A_377 = arith.muli %scan3A_17, %mul3A_376 : i32
      %add3A_378 = arith.constant 24 : i32
      %add3A_379 = arith.addi %mul3A_377, %add3A_378 : i32
      %get3A_380 = arith.index_cast %add3A_379 : i32 to index
      %get3A_381 = memref.load %arg0[%get3A_380] : memref<8192xf32, #tpu.memory_space<smem>>
      %sub3A_382 = vector.broadcast %get3A_381 : f32 to vector<40x128xf32>
      %sub3A_383 = arith.subf %get3A_1, %sub3A_382 : vector<40x128xf32>
      %mul3A_384 = arith.mulf %sub3A_383, %sub3A_383 : vector<40x128xf32>
      %lt3A_385 = arith.cmpf olt, %mul3A_384, %select_n3A_371 : vector<40x128xf32>
      %select_n3A_386 = arith.select %lt3A_385, %mul3A_384, %select_n3A_371 : vector<40x128xi1>, vector<40x128xf32>
      %broadcast_in_dim3A_387 = vector.broadcast %add3A_379 : i32 to vector<40x128xi32>
      %select_n3A_388 = arith.select %lt3A_385, %broadcast_in_dim3A_387, %select_n3A_373 : vector<40x128xi1>, vector<40x128xi32>
      %broadcast_in_dim3A_389 = vector.broadcast %get3A_381 : f32 to vector<40x128xf32>
      %select_n3A_390 = arith.select %lt3A_385, %broadcast_in_dim3A_389, %select_n3A_375 : vector<40x128xi1>, vector<40x128xf32>
      %mul3A_391 = arith.constant 64 : i32
      %mul3A_392 = arith.muli %scan3A_17, %mul3A_391 : i32
      %add3A_393 = arith.constant 25 : i32
      %add3A_394 = arith.addi %mul3A_392, %add3A_393 : i32
      %get3A_395 = arith.index_cast %add3A_394 : i32 to index
      %get3A_396 = memref.load %arg0[%get3A_395] : memref<8192xf32, #tpu.memory_space<smem>>
      %sub3A_397 = vector.broadcast %get3A_396 : f32 to vector<40x128xf32>
      %sub3A_398 = arith.subf %get3A_1, %sub3A_397 : vector<40x128xf32>
      %mul3A_399 = arith.mulf %sub3A_398, %sub3A_398 : vector<40x128xf32>
      %lt3A_400 = arith.cmpf olt, %mul3A_399, %select_n3A_386 : vector<40x128xf32>
      %select_n3A_401 = arith.select %lt3A_400, %mul3A_399, %select_n3A_386 : vector<40x128xi1>, vector<40x128xf32>
      %broadcast_in_dim3A_402 = vector.broadcast %add3A_394 : i32 to vector<40x128xi32>
      %select_n3A_403 = arith.select %lt3A_400, %broadcast_in_dim3A_402, %select_n3A_388 : vector<40x128xi1>, vector<40x128xi32>
      %broadcast_in_dim3A_404 = vector.broadcast %get3A_396 : f32 to vector<40x128xf32>
      %select_n3A_405 = arith.select %lt3A_400, %broadcast_in_dim3A_404, %select_n3A_390 : vector<40x128xi1>, vector<40x128xf32>
      %mul3A_406 = arith.constant 64 : i32
      %mul3A_407 = arith.muli %scan3A_17, %mul3A_406 : i32
      %add3A_408 = arith.constant 26 : i32
      %add3A_409 = arith.addi %mul3A_407, %add3A_408 : i32
      %get3A_410 = arith.index_cast %add3A_409 : i32 to index
      %get3A_411 = memref.load %arg0[%get3A_410] : memref<8192xf32, #tpu.memory_space<smem>>
      %sub3A_412 = vector.broadcast %get3A_411 : f32 to vector<40x128xf32>
      %sub3A_413 = arith.subf %get3A_1, %sub3A_412 : vector<40x128xf32>
      %mul3A_414 = arith.mulf %sub3A_413, %sub3A_413 : vector<40x128xf32>
      %lt3A_415 = arith.cmpf olt, %mul3A_414, %select_n3A_401 : vector<40x128xf32>
      %select_n3A_416 = arith.select %lt3A_415, %mul3A_414, %select_n3A_401 : vector<40x128xi1>, vector<40x128xf32>
      %broadcast_in_dim3A_417 = vector.broadcast %add3A_409 : i32 to vector<40x128xi32>
      %select_n3A_418 = arith.select %lt3A_415, %broadcast_in_dim3A_417, %select_n3A_403 : vector<40x128xi1>, vector<40x128xi32>
      %broadcast_in_dim3A_419 = vector.broadcast %get3A_411 : f32 to vector<40x128xf32>
      %select_n3A_420 = arith.select %lt3A_415, %broadcast_in_dim3A_419, %select_n3A_405 : vector<40x128xi1>, vector<40x128xf32>
      %mul3A_421 = arith.constant 64 : i32
      %mul3A_422 = arith.muli %scan3A_17, %mul3A_421 : i32
      %add3A_423 = arith.constant 27 : i32
      %add3A_424 = arith.addi %mul3A_422, %add3A_423 : i32
      %get3A_425 = arith.index_cast %add3A_424 : i32 to index
      %get3A_426 = memref.load %arg0[%get3A_425] : memref<8192xf32, #tpu.memory_space<smem>>
      %sub3A_427 = vector.broadcast %get3A_426 : f32 to vector<40x128xf32>
      %sub3A_428 = arith.subf %get3A_1, %sub3A_427 : vector<40x128xf32>
      %mul3A_429 = arith.mulf %sub3A_428, %sub3A_428 : vector<40x128xf32>
      %lt3A_430 = arith.cmpf olt, %mul3A_429, %select_n3A_416 : vector<40x128xf32>
      %select_n3A_431 = arith.select %lt3A_430, %mul3A_429, %select_n3A_416 : vector<40x128xi1>, vector<40x128xf32>
      %broadcast_in_dim3A_432 = vector.broadcast %add3A_424 : i32 to vector<40x128xi32>
      %select_n3A_433 = arith.select %lt3A_430, %broadcast_in_dim3A_432, %select_n3A_418 : vector<40x128xi1>, vector<40x128xi32>
      %broadcast_in_dim3A_434 = vector.broadcast %get3A_426 : f32 to vector<40x128xf32>
      %select_n3A_435 = arith.select %lt3A_430, %broadcast_in_dim3A_434, %select_n3A_420 : vector<40x128xi1>, vector<40x128xf32>
      %mul3A_436 = arith.constant 64 : i32
      %mul3A_437 = arith.muli %scan3A_17, %mul3A_436 : i32
      %add3A_438 = arith.constant 28 : i32
      %add3A_439 = arith.addi %mul3A_437, %add3A_438 : i32
      %get3A_440 = arith.index_cast %add3A_439 : i32 to index
      %get3A_441 = memref.load %arg0[%get3A_440] : memref<8192xf32, #tpu.memory_space<smem>>
      %sub3A_442 = vector.broadcast %get3A_441 : f32 to vector<40x128xf32>
      %sub3A_443 = arith.subf %get3A_1, %sub3A_442 : vector<40x128xf32>
      %mul3A_444 = arith.mulf %sub3A_443, %sub3A_443 : vector<40x128xf32>
      %lt3A_445 = arith.cmpf olt, %mul3A_444, %select_n3A_431 : vector<40x128xf32>
      %select_n3A_446 = arith.select %lt3A_445, %mul3A_444, %select_n3A_431 : vector<40x128xi1>, vector<40x128xf32>
      %broadcast_in_dim3A_447 = vector.broadcast %add3A_439 : i32 to vector<40x128xi32>
      %select_n3A_448 = arith.select %lt3A_445, %broadcast_in_dim3A_447, %select_n3A_433 : vector<40x128xi1>, vector<40x128xi32>
      %broadcast_in_dim3A_449 = vector.broadcast %get3A_441 : f32 to vector<40x128xf32>
      %select_n3A_450 = arith.select %lt3A_445, %broadcast_in_dim3A_449, %select_n3A_435 : vector<40x128xi1>, vector<40x128xf32>
      %mul3A_451 = arith.constant 64 : i32
      %mul3A_452 = arith.muli %scan3A_17, %mul3A_451 : i32
      %add3A_453 = arith.constant 29 : i32
      %add3A_454 = arith.addi %mul3A_452, %add3A_453 : i32
      %get3A_455 = arith.index_cast %add3A_454 : i32 to index
      %get3A_456 = memref.load %arg0[%get3A_455] : memref<8192xf32, #tpu.memory_space<smem>>
      %sub3A_457 = vector.broadcast %get3A_456 : f32 to vector<40x128xf32>
      %sub3A_458 = arith.subf %get3A_1, %sub3A_457 : vector<40x128xf32>
      %mul3A_459 = arith.mulf %sub3A_458, %sub3A_458 : vector<40x128xf32>
      %lt3A_460 = arith.cmpf olt, %mul3A_459, %select_n3A_446 : vector<40x128xf32>
      %select_n3A_461 = arith.select %lt3A_460, %mul3A_459, %select_n3A_446 : vector<40x128xi1>, vector<40x128xf32>
      %broadcast_in_dim3A_462 = vector.broadcast %add3A_454 : i32 to vector<40x128xi32>
      %select_n3A_463 = arith.select %lt3A_460, %broadcast_in_dim3A_462, %select_n3A_448 : vector<40x128xi1>, vector<40x128xi32>
      %broadcast_in_dim3A_464 = vector.broadcast %get3A_456 : f32 to vector<40x128xf32>
      %select_n3A_465 = arith.select %lt3A_460, %broadcast_in_dim3A_464, %select_n3A_450 : vector<40x128xi1>, vector<40x128xf32>
      %mul3A_466 = arith.constant 64 : i32
      %mul3A_467 = arith.muli %scan3A_17, %mul3A_466 : i32
      %add3A_468 = arith.constant 30 : i32
      %add3A_469 = arith.addi %mul3A_467, %add3A_468 : i32
      %get3A_470 = arith.index_cast %add3A_469 : i32 to index
      %get3A_471 = memref.load %arg0[%get3A_470] : memref<8192xf32, #tpu.memory_space<smem>>
      %sub3A_472 = vector.broadcast %get3A_471 : f32 to vector<40x128xf32>
      %sub3A_473 = arith.subf %get3A_1, %sub3A_472 : vector<40x128xf32>
      %mul3A_474 = arith.mulf %sub3A_473, %sub3A_473 : vector<40x128xf32>
      %lt3A_475 = arith.cmpf olt, %mul3A_474, %select_n3A_461 : vector<40x128xf32>
      %select_n3A_476 = arith.select %lt3A_475, %mul3A_474, %select_n3A_461 : vector<40x128xi1>, vector<40x128xf32>
      %broadcast_in_dim3A_477 = vector.broadcast %add3A_469 : i32 to vector<40x128xi32>
      %select_n3A_478 = arith.select %lt3A_475, %broadcast_in_dim3A_477, %select_n3A_463 : vector<40x128xi1>, vector<40x128xi32>
      %broadcast_in_dim3A_479 = vector.broadcast %get3A_471 : f32 to vector<40x128xf32>
      %select_n3A_480 = arith.select %lt3A_475, %broadcast_in_dim3A_479, %select_n3A_465 : vector<40x128xi1>, vector<40x128xf32>
      %mul3A_481 = arith.constant 64 : i32
      %mul3A_482 = arith.muli %scan3A_17, %mul3A_481 : i32
      %add3A_483 = arith.constant 31 : i32
      %add3A_484 = arith.addi %mul3A_482, %add3A_483 : i32
      %get3A_485 = arith.index_cast %add3A_484 : i32 to index
      %get3A_486 = memref.load %arg0[%get3A_485] : memref<8192xf32, #tpu.memory_space<smem>>
      %sub3A_487 = vector.broadcast %get3A_486 : f32 to vector<40x128xf32>
      %sub3A_488 = arith.subf %get3A_1, %sub3A_487 : vector<40x128xf32>
      %mul3A_489 = arith.mulf %sub3A_488, %sub3A_488 : vector<40x128xf32>
      %lt3A_490 = arith.cmpf olt, %mul3A_489, %select_n3A_476 : vector<40x128xf32>
      %select_n3A_491 = arith.select %lt3A_490, %mul3A_489, %select_n3A_476 : vector<40x128xi1>, vector<40x128xf32>
      %broadcast_in_dim3A_492 = vector.broadcast %add3A_484 : i32 to vector<40x128xi32>
      %select_n3A_493 = arith.select %lt3A_490, %broadcast_in_dim3A_492, %select_n3A_478 : vector<40x128xi1>, vector<40x128xi32>
      %broadcast_in_dim3A_494 = vector.broadcast %get3A_486 : f32 to vector<40x128xf32>
      %select_n3A_495 = arith.select %lt3A_490, %broadcast_in_dim3A_494, %select_n3A_480 : vector<40x128xi1>, vector<40x128xf32>
      %mul3A_496 = arith.constant 64 : i32
      %mul3A_497 = arith.muli %scan3A_17, %mul3A_496 : i32
      %add3A_498 = arith.constant 32 : i32
      %add3A_499 = arith.addi %mul3A_497, %add3A_498 : i32
      %get3A_500 = arith.index_cast %add3A_499 : i32 to index
      %get3A_501 = memref.load %arg0[%get3A_500] : memref<8192xf32, #tpu.memory_space<smem>>
      %sub3A_502 = vector.broadcast %get3A_501 : f32 to vector<40x128xf32>
      %sub3A_503 = arith.subf %get3A_1, %sub3A_502 : vector<40x128xf32>
      %mul3A_504 = arith.mulf %sub3A_503, %sub3A_503 : vector<40x128xf32>
      %lt3A_505 = arith.cmpf olt, %mul3A_504, %select_n3A_491 : vector<40x128xf32>
      %select_n3A_506 = arith.select %lt3A_505, %mul3A_504, %select_n3A_491 : vector<40x128xi1>, vector<40x128xf32>
      %broadcast_in_dim3A_507 = vector.broadcast %add3A_499 : i32 to vector<40x128xi32>
      %select_n3A_508 = arith.select %lt3A_505, %broadcast_in_dim3A_507, %select_n3A_493 : vector<40x128xi1>, vector<40x128xi32>
      %broadcast_in_dim3A_509 = vector.broadcast %get3A_501 : f32 to vector<40x128xf32>
      %select_n3A_510 = arith.select %lt3A_505, %broadcast_in_dim3A_509, %select_n3A_495 : vector<40x128xi1>, vector<40x128xf32>
      %mul3A_511 = arith.constant 64 : i32
      %mul3A_512 = arith.muli %scan3A_17, %mul3A_511 : i32
      %add3A_513 = arith.constant 33 : i32
      %add3A_514 = arith.addi %mul3A_512, %add3A_513 : i32
      %get3A_515 = arith.index_cast %add3A_514 : i32 to index
      %get3A_516 = memref.load %arg0[%get3A_515] : memref<8192xf32, #tpu.memory_space<smem>>
      %sub3A_517 = vector.broadcast %get3A_516 : f32 to vector<40x128xf32>
      %sub3A_518 = arith.subf %get3A_1, %sub3A_517 : vector<40x128xf32>
      %mul3A_519 = arith.mulf %sub3A_518, %sub3A_518 : vector<40x128xf32>
      %lt3A_520 = arith.cmpf olt, %mul3A_519, %select_n3A_506 : vector<40x128xf32>
      %select_n3A_521 = arith.select %lt3A_520, %mul3A_519, %select_n3A_506 : vector<40x128xi1>, vector<40x128xf32>
      %broadcast_in_dim3A_522 = vector.broadcast %add3A_514 : i32 to vector<40x128xi32>
      %select_n3A_523 = arith.select %lt3A_520, %broadcast_in_dim3A_522, %select_n3A_508 : vector<40x128xi1>, vector<40x128xi32>
      %broadcast_in_dim3A_524 = vector.broadcast %get3A_516 : f32 to vector<40x128xf32>
      %select_n3A_525 = arith.select %lt3A_520, %broadcast_in_dim3A_524, %select_n3A_510 : vector<40x128xi1>, vector<40x128xf32>
      %mul3A_526 = arith.constant 64 : i32
      %mul3A_527 = arith.muli %scan3A_17, %mul3A_526 : i32
      %add3A_528 = arith.constant 34 : i32
      %add3A_529 = arith.addi %mul3A_527, %add3A_528 : i32
      %get3A_530 = arith.index_cast %add3A_529 : i32 to index
      %get3A_531 = memref.load %arg0[%get3A_530] : memref<8192xf32, #tpu.memory_space<smem>>
      %sub3A_532 = vector.broadcast %get3A_531 : f32 to vector<40x128xf32>
      %sub3A_533 = arith.subf %get3A_1, %sub3A_532 : vector<40x128xf32>
      %mul3A_534 = arith.mulf %sub3A_533, %sub3A_533 : vector<40x128xf32>
      %lt3A_535 = arith.cmpf olt, %mul3A_534, %select_n3A_521 : vector<40x128xf32>
      %select_n3A_536 = arith.select %lt3A_535, %mul3A_534, %select_n3A_521 : vector<40x128xi1>, vector<40x128xf32>
      %broadcast_in_dim3A_537 = vector.broadcast %add3A_529 : i32 to vector<40x128xi32>
      %select_n3A_538 = arith.select %lt3A_535, %broadcast_in_dim3A_537, %select_n3A_523 : vector<40x128xi1>, vector<40x128xi32>
      %broadcast_in_dim3A_539 = vector.broadcast %get3A_531 : f32 to vector<40x128xf32>
      %select_n3A_540 = arith.select %lt3A_535, %broadcast_in_dim3A_539, %select_n3A_525 : vector<40x128xi1>, vector<40x128xf32>
      %mul3A_541 = arith.constant 64 : i32
      %mul3A_542 = arith.muli %scan3A_17, %mul3A_541 : i32
      %add3A_543 = arith.constant 35 : i32
      %add3A_544 = arith.addi %mul3A_542, %add3A_543 : i32
      %get3A_545 = arith.index_cast %add3A_544 : i32 to index
      %get3A_546 = memref.load %arg0[%get3A_545] : memref<8192xf32, #tpu.memory_space<smem>>
      %sub3A_547 = vector.broadcast %get3A_546 : f32 to vector<40x128xf32>
      %sub3A_548 = arith.subf %get3A_1, %sub3A_547 : vector<40x128xf32>
      %mul3A_549 = arith.mulf %sub3A_548, %sub3A_548 : vector<40x128xf32>
      %lt3A_550 = arith.cmpf olt, %mul3A_549, %select_n3A_536 : vector<40x128xf32>
      %select_n3A_551 = arith.select %lt3A_550, %mul3A_549, %select_n3A_536 : vector<40x128xi1>, vector<40x128xf32>
      %broadcast_in_dim3A_552 = vector.broadcast %add3A_544 : i32 to vector<40x128xi32>
      %select_n3A_553 = arith.select %lt3A_550, %broadcast_in_dim3A_552, %select_n3A_538 : vector<40x128xi1>, vector<40x128xi32>
      %broadcast_in_dim3A_554 = vector.broadcast %get3A_546 : f32 to vector<40x128xf32>
      %select_n3A_555 = arith.select %lt3A_550, %broadcast_in_dim3A_554, %select_n3A_540 : vector<40x128xi1>, vector<40x128xf32>
      %mul3A_556 = arith.constant 64 : i32
      %mul3A_557 = arith.muli %scan3A_17, %mul3A_556 : i32
      %add3A_558 = arith.constant 36 : i32
      %add3A_559 = arith.addi %mul3A_557, %add3A_558 : i32
      %get3A_560 = arith.index_cast %add3A_559 : i32 to index
      %get3A_561 = memref.load %arg0[%get3A_560] : memref<8192xf32, #tpu.memory_space<smem>>
      %sub3A_562 = vector.broadcast %get3A_561 : f32 to vector<40x128xf32>
      %sub3A_563 = arith.subf %get3A_1, %sub3A_562 : vector<40x128xf32>
      %mul3A_564 = arith.mulf %sub3A_563, %sub3A_563 : vector<40x128xf32>
      %lt3A_565 = arith.cmpf olt, %mul3A_564, %select_n3A_551 : vector<40x128xf32>
      %select_n3A_566 = arith.select %lt3A_565, %mul3A_564, %select_n3A_551 : vector<40x128xi1>, vector<40x128xf32>
      %broadcast_in_dim3A_567 = vector.broadcast %add3A_559 : i32 to vector<40x128xi32>
      %select_n3A_568 = arith.select %lt3A_565, %broadcast_in_dim3A_567, %select_n3A_553 : vector<40x128xi1>, vector<40x128xi32>
      %broadcast_in_dim3A_569 = vector.broadcast %get3A_561 : f32 to vector<40x128xf32>
      %select_n3A_570 = arith.select %lt3A_565, %broadcast_in_dim3A_569, %select_n3A_555 : vector<40x128xi1>, vector<40x128xf32>
      %mul3A_571 = arith.constant 64 : i32
      %mul3A_572 = arith.muli %scan3A_17, %mul3A_571 : i32
      %add3A_573 = arith.constant 37 : i32
      %add3A_574 = arith.addi %mul3A_572, %add3A_573 : i32
      %get3A_575 = arith.index_cast %add3A_574 : i32 to index
      %get3A_576 = memref.load %arg0[%get3A_575] : memref<8192xf32, #tpu.memory_space<smem>>
      %sub3A_577 = vector.broadcast %get3A_576 : f32 to vector<40x128xf32>
      %sub3A_578 = arith.subf %get3A_1, %sub3A_577 : vector<40x128xf32>
      %mul3A_579 = arith.mulf %sub3A_578, %sub3A_578 : vector<40x128xf32>
      %lt3A_580 = arith.cmpf olt, %mul3A_579, %select_n3A_566 : vector<40x128xf32>
      %select_n3A_581 = arith.select %lt3A_580, %mul3A_579, %select_n3A_566 : vector<40x128xi1>, vector<40x128xf32>
      %broadcast_in_dim3A_582 = vector.broadcast %add3A_574 : i32 to vector<40x128xi32>
      %select_n3A_583 = arith.select %lt3A_580, %broadcast_in_dim3A_582, %select_n3A_568 : vector<40x128xi1>, vector<40x128xi32>
      %broadcast_in_dim3A_584 = vector.broadcast %get3A_576 : f32 to vector<40x128xf32>
      %select_n3A_585 = arith.select %lt3A_580, %broadcast_in_dim3A_584, %select_n3A_570 : vector<40x128xi1>, vector<40x128xf32>
      %mul3A_586 = arith.constant 64 : i32
      %mul3A_587 = arith.muli %scan3A_17, %mul3A_586 : i32
      %add3A_588 = arith.constant 38 : i32
      %add3A_589 = arith.addi %mul3A_587, %add3A_588 : i32
      %get3A_590 = arith.index_cast %add3A_589 : i32 to index
      %get3A_591 = memref.load %arg0[%get3A_590] : memref<8192xf32, #tpu.memory_space<smem>>
      %sub3A_592 = vector.broadcast %get3A_591 : f32 to vector<40x128xf32>
      %sub3A_593 = arith.subf %get3A_1, %sub3A_592 : vector<40x128xf32>
      %mul3A_594 = arith.mulf %sub3A_593, %sub3A_593 : vector<40x128xf32>
      %lt3A_595 = arith.cmpf olt, %mul3A_594, %select_n3A_581 : vector<40x128xf32>
      %select_n3A_596 = arith.select %lt3A_595, %mul3A_594, %select_n3A_581 : vector<40x128xi1>, vector<40x128xf32>
      %broadcast_in_dim3A_597 = vector.broadcast %add3A_589 : i32 to vector<40x128xi32>
      %select_n3A_598 = arith.select %lt3A_595, %broadcast_in_dim3A_597, %select_n3A_583 : vector<40x128xi1>, vector<40x128xi32>
      %broadcast_in_dim3A_599 = vector.broadcast %get3A_591 : f32 to vector<40x128xf32>
      %select_n3A_600 = arith.select %lt3A_595, %broadcast_in_dim3A_599, %select_n3A_585 : vector<40x128xi1>, vector<40x128xf32>
      %mul3A_601 = arith.constant 64 : i32
      %mul3A_602 = arith.muli %scan3A_17, %mul3A_601 : i32
      %add3A_603 = arith.constant 39 : i32
      %add3A_604 = arith.addi %mul3A_602, %add3A_603 : i32
      %get3A_605 = arith.index_cast %add3A_604 : i32 to index
      %get3A_606 = memref.load %arg0[%get3A_605] : memref<8192xf32, #tpu.memory_space<smem>>
      %sub3A_607 = vector.broadcast %get3A_606 : f32 to vector<40x128xf32>
      %sub3A_608 = arith.subf %get3A_1, %sub3A_607 : vector<40x128xf32>
      %mul3A_609 = arith.mulf %sub3A_608, %sub3A_608 : vector<40x128xf32>
      %lt3A_610 = arith.cmpf olt, %mul3A_609, %select_n3A_596 : vector<40x128xf32>
      %select_n3A_611 = arith.select %lt3A_610, %mul3A_609, %select_n3A_596 : vector<40x128xi1>, vector<40x128xf32>
      %broadcast_in_dim3A_612 = vector.broadcast %add3A_604 : i32 to vector<40x128xi32>
      %select_n3A_613 = arith.select %lt3A_610, %broadcast_in_dim3A_612, %select_n3A_598 : vector<40x128xi1>, vector<40x128xi32>
      %broadcast_in_dim3A_614 = vector.broadcast %get3A_606 : f32 to vector<40x128xf32>
      %select_n3A_615 = arith.select %lt3A_610, %broadcast_in_dim3A_614, %select_n3A_600 : vector<40x128xi1>, vector<40x128xf32>
      %mul3A_616 = arith.constant 64 : i32
      %mul3A_617 = arith.muli %scan3A_17, %mul3A_616 : i32
      %add3A_618 = arith.constant 40 : i32
      %add3A_619 = arith.addi %mul3A_617, %add3A_618 : i32
      %get3A_620 = arith.index_cast %add3A_619 : i32 to index
      %get3A_621 = memref.load %arg0[%get3A_620] : memref<8192xf32, #tpu.memory_space<smem>>
      %sub3A_622 = vector.broadcast %get3A_621 : f32 to vector<40x128xf32>
      %sub3A_623 = arith.subf %get3A_1, %sub3A_622 : vector<40x128xf32>
      %mul3A_624 = arith.mulf %sub3A_623, %sub3A_623 : vector<40x128xf32>
      %lt3A_625 = arith.cmpf olt, %mul3A_624, %select_n3A_611 : vector<40x128xf32>
      %select_n3A_626 = arith.select %lt3A_625, %mul3A_624, %select_n3A_611 : vector<40x128xi1>, vector<40x128xf32>
      %broadcast_in_dim3A_627 = vector.broadcast %add3A_619 : i32 to vector<40x128xi32>
      %select_n3A_628 = arith.select %lt3A_625, %broadcast_in_dim3A_627, %select_n3A_613 : vector<40x128xi1>, vector<40x128xi32>
      %broadcast_in_dim3A_629 = vector.broadcast %get3A_621 : f32 to vector<40x128xf32>
      %select_n3A_630 = arith.select %lt3A_625, %broadcast_in_dim3A_629, %select_n3A_615 : vector<40x128xi1>, vector<40x128xf32>
      %mul3A_631 = arith.constant 64 : i32
      %mul3A_632 = arith.muli %scan3A_17, %mul3A_631 : i32
      %add3A_633 = arith.constant 41 : i32
      %add3A_634 = arith.addi %mul3A_632, %add3A_633 : i32
      %get3A_635 = arith.index_cast %add3A_634 : i32 to index
      %get3A_636 = memref.load %arg0[%get3A_635] : memref<8192xf32, #tpu.memory_space<smem>>
      %sub3A_637 = vector.broadcast %get3A_636 : f32 to vector<40x128xf32>
      %sub3A_638 = arith.subf %get3A_1, %sub3A_637 : vector<40x128xf32>
      %mul3A_639 = arith.mulf %sub3A_638, %sub3A_638 : vector<40x128xf32>
      %lt3A_640 = arith.cmpf olt, %mul3A_639, %select_n3A_626 : vector<40x128xf32>
      %select_n3A_641 = arith.select %lt3A_640, %mul3A_639, %select_n3A_626 : vector<40x128xi1>, vector<40x128xf32>
      %broadcast_in_dim3A_642 = vector.broadcast %add3A_634 : i32 to vector<40x128xi32>
      %select_n3A_643 = arith.select %lt3A_640, %broadcast_in_dim3A_642, %select_n3A_628 : vector<40x128xi1>, vector<40x128xi32>
      %broadcast_in_dim3A_644 = vector.broadcast %get3A_636 : f32 to vector<40x128xf32>
      %select_n3A_645 = arith.select %lt3A_640, %broadcast_in_dim3A_644, %select_n3A_630 : vector<40x128xi1>, vector<40x128xf32>
      %mul3A_646 = arith.constant 64 : i32
      %mul3A_647 = arith.muli %scan3A_17, %mul3A_646 : i32
      %add3A_648 = arith.constant 42 : i32
      %add3A_649 = arith.addi %mul3A_647, %add3A_648 : i32
      %get3A_650 = arith.index_cast %add3A_649 : i32 to index
      %get3A_651 = memref.load %arg0[%get3A_650] : memref<8192xf32, #tpu.memory_space<smem>>
      %sub3A_652 = vector.broadcast %get3A_651 : f32 to vector<40x128xf32>
      %sub3A_653 = arith.subf %get3A_1, %sub3A_652 : vector<40x128xf32>
      %mul3A_654 = arith.mulf %sub3A_653, %sub3A_653 : vector<40x128xf32>
      %lt3A_655 = arith.cmpf olt, %mul3A_654, %select_n3A_641 : vector<40x128xf32>
      %select_n3A_656 = arith.select %lt3A_655, %mul3A_654, %select_n3A_641 : vector<40x128xi1>, vector<40x128xf32>
      %broadcast_in_dim3A_657 = vector.broadcast %add3A_649 : i32 to vector<40x128xi32>
      %select_n3A_658 = arith.select %lt3A_655, %broadcast_in_dim3A_657, %select_n3A_643 : vector<40x128xi1>, vector<40x128xi32>
      %broadcast_in_dim3A_659 = vector.broadcast %get3A_651 : f32 to vector<40x128xf32>
      %select_n3A_660 = arith.select %lt3A_655, %broadcast_in_dim3A_659, %select_n3A_645 : vector<40x128xi1>, vector<40x128xf32>
      %mul3A_661 = arith.constant 64 : i32
      %mul3A_662 = arith.muli %scan3A_17, %mul3A_661 : i32
      %add3A_663 = arith.constant 43 : i32
      %add3A_664 = arith.addi %mul3A_662, %add3A_663 : i32
      %get3A_665 = arith.index_cast %add3A_664 : i32 to index
      %get3A_666 = memref.load %arg0[%get3A_665] : memref<8192xf32, #tpu.memory_space<smem>>
      %sub3A_667 = vector.broadcast %get3A_666 : f32 to vector<40x128xf32>
      %sub3A_668 = arith.subf %get3A_1, %sub3A_667 : vector<40x128xf32>
      %mul3A_669 = arith.mulf %sub3A_668, %sub3A_668 : vector<40x128xf32>
      %lt3A_670 = arith.cmpf olt, %mul3A_669, %select_n3A_656 : vector<40x128xf32>
      %select_n3A_671 = arith.select %lt3A_670, %mul3A_669, %select_n3A_656 : vector<40x128xi1>, vector<40x128xf32>
      %broadcast_in_dim3A_672 = vector.broadcast %add3A_664 : i32 to vector<40x128xi32>
      %select_n3A_673 = arith.select %lt3A_670, %broadcast_in_dim3A_672, %select_n3A_658 : vector<40x128xi1>, vector<40x128xi32>
      %broadcast_in_dim3A_674 = vector.broadcast %get3A_666 : f32 to vector<40x128xf32>
      %select_n3A_675 = arith.select %lt3A_670, %broadcast_in_dim3A_674, %select_n3A_660 : vector<40x128xi1>, vector<40x128xf32>
      %mul3A_676 = arith.constant 64 : i32
      %mul3A_677 = arith.muli %scan3A_17, %mul3A_676 : i32
      %add3A_678 = arith.constant 44 : i32
      %add3A_679 = arith.addi %mul3A_677, %add3A_678 : i32
      %get3A_680 = arith.index_cast %add3A_679 : i32 to index
      %get3A_681 = memref.load %arg0[%get3A_680] : memref<8192xf32, #tpu.memory_space<smem>>
      %sub3A_682 = vector.broadcast %get3A_681 : f32 to vector<40x128xf32>
      %sub3A_683 = arith.subf %get3A_1, %sub3A_682 : vector<40x128xf32>
      %mul3A_684 = arith.mulf %sub3A_683, %sub3A_683 : vector<40x128xf32>
      %lt3A_685 = arith.cmpf olt, %mul3A_684, %select_n3A_671 : vector<40x128xf32>
      %select_n3A_686 = arith.select %lt3A_685, %mul3A_684, %select_n3A_671 : vector<40x128xi1>, vector<40x128xf32>
      %broadcast_in_dim3A_687 = vector.broadcast %add3A_679 : i32 to vector<40x128xi32>
      %select_n3A_688 = arith.select %lt3A_685, %broadcast_in_dim3A_687, %select_n3A_673 : vector<40x128xi1>, vector<40x128xi32>
      %broadcast_in_dim3A_689 = vector.broadcast %get3A_681 : f32 to vector<40x128xf32>
      %select_n3A_690 = arith.select %lt3A_685, %broadcast_in_dim3A_689, %select_n3A_675 : vector<40x128xi1>, vector<40x128xf32>
      %mul3A_691 = arith.constant 64 : i32
      %mul3A_692 = arith.muli %scan3A_17, %mul3A_691 : i32
      %add3A_693 = arith.constant 45 : i32
      %add3A_694 = arith.addi %mul3A_692, %add3A_693 : i32
      %get3A_695 = arith.index_cast %add3A_694 : i32 to index
      %get3A_696 = memref.load %arg0[%get3A_695] : memref<8192xf32, #tpu.memory_space<smem>>
      %sub3A_697 = vector.broadcast %get3A_696 : f32 to vector<40x128xf32>
      %sub3A_698 = arith.subf %get3A_1, %sub3A_697 : vector<40x128xf32>
      %mul3A_699 = arith.mulf %sub3A_698, %sub3A_698 : vector<40x128xf32>
      %lt3A_700 = arith.cmpf olt, %mul3A_699, %select_n3A_686 : vector<40x128xf32>
      %select_n3A_701 = arith.select %lt3A_700, %mul3A_699, %select_n3A_686 : vector<40x128xi1>, vector<40x128xf32>
      %broadcast_in_dim3A_702 = vector.broadcast %add3A_694 : i32 to vector<40x128xi32>
      %select_n3A_703 = arith.select %lt3A_700, %broadcast_in_dim3A_702, %select_n3A_688 : vector<40x128xi1>, vector<40x128xi32>
      %broadcast_in_dim3A_704 = vector.broadcast %get3A_696 : f32 to vector<40x128xf32>
      %select_n3A_705 = arith.select %lt3A_700, %broadcast_in_dim3A_704, %select_n3A_690 : vector<40x128xi1>, vector<40x128xf32>
      %mul3A_706 = arith.constant 64 : i32
      %mul3A_707 = arith.muli %scan3A_17, %mul3A_706 : i32
      %add3A_708 = arith.constant 46 : i32
      %add3A_709 = arith.addi %mul3A_707, %add3A_708 : i32
      %get3A_710 = arith.index_cast %add3A_709 : i32 to index
      %get3A_711 = memref.load %arg0[%get3A_710] : memref<8192xf32, #tpu.memory_space<smem>>
      %sub3A_712 = vector.broadcast %get3A_711 : f32 to vector<40x128xf32>
      %sub3A_713 = arith.subf %get3A_1, %sub3A_712 : vector<40x128xf32>
      %mul3A_714 = arith.mulf %sub3A_713, %sub3A_713 : vector<40x128xf32>
      %lt3A_715 = arith.cmpf olt, %mul3A_714, %select_n3A_701 : vector<40x128xf32>
      %select_n3A_716 = arith.select %lt3A_715, %mul3A_714, %select_n3A_701 : vector<40x128xi1>, vector<40x128xf32>
      %broadcast_in_dim3A_717 = vector.broadcast %add3A_709 : i32 to vector<40x128xi32>
      %select_n3A_718 = arith.select %lt3A_715, %broadcast_in_dim3A_717, %select_n3A_703 : vector<40x128xi1>, vector<40x128xi32>
      %broadcast_in_dim3A_719 = vector.broadcast %get3A_711 : f32 to vector<40x128xf32>
      %select_n3A_720 = arith.select %lt3A_715, %broadcast_in_dim3A_719, %select_n3A_705 : vector<40x128xi1>, vector<40x128xf32>
      %mul3A_721 = arith.constant 64 : i32
      %mul3A_722 = arith.muli %scan3A_17, %mul3A_721 : i32
      %add3A_723 = arith.constant 47 : i32
      %add3A_724 = arith.addi %mul3A_722, %add3A_723 : i32
      %get3A_725 = arith.index_cast %add3A_724 : i32 to index
      %get3A_726 = memref.load %arg0[%get3A_725] : memref<8192xf32, #tpu.memory_space<smem>>
      %sub3A_727 = vector.broadcast %get3A_726 : f32 to vector<40x128xf32>
      %sub3A_728 = arith.subf %get3A_1, %sub3A_727 : vector<40x128xf32>
      %mul3A_729 = arith.mulf %sub3A_728, %sub3A_728 : vector<40x128xf32>
      %lt3A_730 = arith.cmpf olt, %mul3A_729, %select_n3A_716 : vector<40x128xf32>
      %select_n3A_731 = arith.select %lt3A_730, %mul3A_729, %select_n3A_716 : vector<40x128xi1>, vector<40x128xf32>
      %broadcast_in_dim3A_732 = vector.broadcast %add3A_724 : i32 to vector<40x128xi32>
      %select_n3A_733 = arith.select %lt3A_730, %broadcast_in_dim3A_732, %select_n3A_718 : vector<40x128xi1>, vector<40x128xi32>
      %broadcast_in_dim3A_734 = vector.broadcast %get3A_726 : f32 to vector<40x128xf32>
      %select_n3A_735 = arith.select %lt3A_730, %broadcast_in_dim3A_734, %select_n3A_720 : vector<40x128xi1>, vector<40x128xf32>
      %mul3A_736 = arith.constant 64 : i32
      %mul3A_737 = arith.muli %scan3A_17, %mul3A_736 : i32
      %add3A_738 = arith.constant 48 : i32
      %add3A_739 = arith.addi %mul3A_737, %add3A_738 : i32
      %get3A_740 = arith.index_cast %add3A_739 : i32 to index
      %get3A_741 = memref.load %arg0[%get3A_740] : memref<8192xf32, #tpu.memory_space<smem>>
      %sub3A_742 = vector.broadcast %get3A_741 : f32 to vector<40x128xf32>
      %sub3A_743 = arith.subf %get3A_1, %sub3A_742 : vector<40x128xf32>
      %mul3A_744 = arith.mulf %sub3A_743, %sub3A_743 : vector<40x128xf32>
      %lt3A_745 = arith.cmpf olt, %mul3A_744, %select_n3A_731 : vector<40x128xf32>
      %select_n3A_746 = arith.select %lt3A_745, %mul3A_744, %select_n3A_731 : vector<40x128xi1>, vector<40x128xf32>
      %broadcast_in_dim3A_747 = vector.broadcast %add3A_739 : i32 to vector<40x128xi32>
      %select_n3A_748 = arith.select %lt3A_745, %broadcast_in_dim3A_747, %select_n3A_733 : vector<40x128xi1>, vector<40x128xi32>
      %broadcast_in_dim3A_749 = vector.broadcast %get3A_741 : f32 to vector<40x128xf32>
      %select_n3A_750 = arith.select %lt3A_745, %broadcast_in_dim3A_749, %select_n3A_735 : vector<40x128xi1>, vector<40x128xf32>
      %mul3A_751 = arith.constant 64 : i32
      %mul3A_752 = arith.muli %scan3A_17, %mul3A_751 : i32
      %add3A_753 = arith.constant 49 : i32
      %add3A_754 = arith.addi %mul3A_752, %add3A_753 : i32
      %get3A_755 = arith.index_cast %add3A_754 : i32 to index
      %get3A_756 = memref.load %arg0[%get3A_755] : memref<8192xf32, #tpu.memory_space<smem>>
      %sub3A_757 = vector.broadcast %get3A_756 : f32 to vector<40x128xf32>
      %sub3A_758 = arith.subf %get3A_1, %sub3A_757 : vector<40x128xf32>
      %mul3A_759 = arith.mulf %sub3A_758, %sub3A_758 : vector<40x128xf32>
      %lt3A_760 = arith.cmpf olt, %mul3A_759, %select_n3A_746 : vector<40x128xf32>
      %select_n3A_761 = arith.select %lt3A_760, %mul3A_759, %select_n3A_746 : vector<40x128xi1>, vector<40x128xf32>
      %broadcast_in_dim3A_762 = vector.broadcast %add3A_754 : i32 to vector<40x128xi32>
      %select_n3A_763 = arith.select %lt3A_760, %broadcast_in_dim3A_762, %select_n3A_748 : vector<40x128xi1>, vector<40x128xi32>
      %broadcast_in_dim3A_764 = vector.broadcast %get3A_756 : f32 to vector<40x128xf32>
      %select_n3A_765 = arith.select %lt3A_760, %broadcast_in_dim3A_764, %select_n3A_750 : vector<40x128xi1>, vector<40x128xf32>
      %mul3A_766 = arith.constant 64 : i32
      %mul3A_767 = arith.muli %scan3A_17, %mul3A_766 : i32
      %add3A_768 = arith.constant 50 : i32
      %add3A_769 = arith.addi %mul3A_767, %add3A_768 : i32
      %get3A_770 = arith.index_cast %add3A_769 : i32 to index
      %get3A_771 = memref.load %arg0[%get3A_770] : memref<8192xf32, #tpu.memory_space<smem>>
      %sub3A_772 = vector.broadcast %get3A_771 : f32 to vector<40x128xf32>
      %sub3A_773 = arith.subf %get3A_1, %sub3A_772 : vector<40x128xf32>
      %mul3A_774 = arith.mulf %sub3A_773, %sub3A_773 : vector<40x128xf32>
      %lt3A_775 = arith.cmpf olt, %mul3A_774, %select_n3A_761 : vector<40x128xf32>
      %select_n3A_776 = arith.select %lt3A_775, %mul3A_774, %select_n3A_761 : vector<40x128xi1>, vector<40x128xf32>
      %broadcast_in_dim3A_777 = vector.broadcast %add3A_769 : i32 to vector<40x128xi32>
      %select_n3A_778 = arith.select %lt3A_775, %broadcast_in_dim3A_777, %select_n3A_763 : vector<40x128xi1>, vector<40x128xi32>
      %broadcast_in_dim3A_779 = vector.broadcast %get3A_771 : f32 to vector<40x128xf32>
      %select_n3A_780 = arith.select %lt3A_775, %broadcast_in_dim3A_779, %select_n3A_765 : vector<40x128xi1>, vector<40x128xf32>
      %mul3A_781 = arith.constant 64 : i32
      %mul3A_782 = arith.muli %scan3A_17, %mul3A_781 : i32
      %add3A_783 = arith.constant 51 : i32
      %add3A_784 = arith.addi %mul3A_782, %add3A_783 : i32
      %get3A_785 = arith.index_cast %add3A_784 : i32 to index
      %get3A_786 = memref.load %arg0[%get3A_785] : memref<8192xf32, #tpu.memory_space<smem>>
      %sub3A_787 = vector.broadcast %get3A_786 : f32 to vector<40x128xf32>
      %sub3A_788 = arith.subf %get3A_1, %sub3A_787 : vector<40x128xf32>
      %mul3A_789 = arith.mulf %sub3A_788, %sub3A_788 : vector<40x128xf32>
      %lt3A_790 = arith.cmpf olt, %mul3A_789, %select_n3A_776 : vector<40x128xf32>
      %select_n3A_791 = arith.select %lt3A_790, %mul3A_789, %select_n3A_776 : vector<40x128xi1>, vector<40x128xf32>
      %broadcast_in_dim3A_792 = vector.broadcast %add3A_784 : i32 to vector<40x128xi32>
      %select_n3A_793 = arith.select %lt3A_790, %broadcast_in_dim3A_792, %select_n3A_778 : vector<40x128xi1>, vector<40x128xi32>
      %broadcast_in_dim3A_794 = vector.broadcast %get3A_786 : f32 to vector<40x128xf32>
      %select_n3A_795 = arith.select %lt3A_790, %broadcast_in_dim3A_794, %select_n3A_780 : vector<40x128xi1>, vector<40x128xf32>
      %mul3A_796 = arith.constant 64 : i32
      %mul3A_797 = arith.muli %scan3A_17, %mul3A_796 : i32
      %add3A_798 = arith.constant 52 : i32
      %add3A_799 = arith.addi %mul3A_797, %add3A_798 : i32
      %get3A_800 = arith.index_cast %add3A_799 : i32 to index
      %get3A_801 = memref.load %arg0[%get3A_800] : memref<8192xf32, #tpu.memory_space<smem>>
      %sub3A_802 = vector.broadcast %get3A_801 : f32 to vector<40x128xf32>
      %sub3A_803 = arith.subf %get3A_1, %sub3A_802 : vector<40x128xf32>
      %mul3A_804 = arith.mulf %sub3A_803, %sub3A_803 : vector<40x128xf32>
      %lt3A_805 = arith.cmpf olt, %mul3A_804, %select_n3A_791 : vector<40x128xf32>
      %select_n3A_806 = arith.select %lt3A_805, %mul3A_804, %select_n3A_791 : vector<40x128xi1>, vector<40x128xf32>
      %broadcast_in_dim3A_807 = vector.broadcast %add3A_799 : i32 to vector<40x128xi32>
      %select_n3A_808 = arith.select %lt3A_805, %broadcast_in_dim3A_807, %select_n3A_793 : vector<40x128xi1>, vector<40x128xi32>
      %broadcast_in_dim3A_809 = vector.broadcast %get3A_801 : f32 to vector<40x128xf32>
      %select_n3A_810 = arith.select %lt3A_805, %broadcast_in_dim3A_809, %select_n3A_795 : vector<40x128xi1>, vector<40x128xf32>
      %mul3A_811 = arith.constant 64 : i32
      %mul3A_812 = arith.muli %scan3A_17, %mul3A_811 : i32
      %add3A_813 = arith.constant 53 : i32
      %add3A_814 = arith.addi %mul3A_812, %add3A_813 : i32
      %get3A_815 = arith.index_cast %add3A_814 : i32 to index
      %get3A_816 = memref.load %arg0[%get3A_815] : memref<8192xf32, #tpu.memory_space<smem>>
      %sub3A_817 = vector.broadcast %get3A_816 : f32 to vector<40x128xf32>
      %sub3A_818 = arith.subf %get3A_1, %sub3A_817 : vector<40x128xf32>
      %mul3A_819 = arith.mulf %sub3A_818, %sub3A_818 : vector<40x128xf32>
      %lt3A_820 = arith.cmpf olt, %mul3A_819, %select_n3A_806 : vector<40x128xf32>
      %select_n3A_821 = arith.select %lt3A_820, %mul3A_819, %select_n3A_806 : vector<40x128xi1>, vector<40x128xf32>
      %broadcast_in_dim3A_822 = vector.broadcast %add3A_814 : i32 to vector<40x128xi32>
      %select_n3A_823 = arith.select %lt3A_820, %broadcast_in_dim3A_822, %select_n3A_808 : vector<40x128xi1>, vector<40x128xi32>
      %broadcast_in_dim3A_824 = vector.broadcast %get3A_816 : f32 to vector<40x128xf32>
      %select_n3A_825 = arith.select %lt3A_820, %broadcast_in_dim3A_824, %select_n3A_810 : vector<40x128xi1>, vector<40x128xf32>
      %mul3A_826 = arith.constant 64 : i32
      %mul3A_827 = arith.muli %scan3A_17, %mul3A_826 : i32
      %add3A_828 = arith.constant 54 : i32
      %add3A_829 = arith.addi %mul3A_827, %add3A_828 : i32
      %get3A_830 = arith.index_cast %add3A_829 : i32 to index
      %get3A_831 = memref.load %arg0[%get3A_830] : memref<8192xf32, #tpu.memory_space<smem>>
      %sub3A_832 = vector.broadcast %get3A_831 : f32 to vector<40x128xf32>
      %sub3A_833 = arith.subf %get3A_1, %sub3A_832 : vector<40x128xf32>
      %mul3A_834 = arith.mulf %sub3A_833, %sub3A_833 : vector<40x128xf32>
      %lt3A_835 = arith.cmpf olt, %mul3A_834, %select_n3A_821 : vector<40x128xf32>
      %select_n3A_836 = arith.select %lt3A_835, %mul3A_834, %select_n3A_821 : vector<40x128xi1>, vector<40x128xf32>
      %broadcast_in_dim3A_837 = vector.broadcast %add3A_829 : i32 to vector<40x128xi32>
      %select_n3A_838 = arith.select %lt3A_835, %broadcast_in_dim3A_837, %select_n3A_823 : vector<40x128xi1>, vector<40x128xi32>
      %broadcast_in_dim3A_839 = vector.broadcast %get3A_831 : f32 to vector<40x128xf32>
      %select_n3A_840 = arith.select %lt3A_835, %broadcast_in_dim3A_839, %select_n3A_825 : vector<40x128xi1>, vector<40x128xf32>
      %mul3A_841 = arith.constant 64 : i32
      %mul3A_842 = arith.muli %scan3A_17, %mul3A_841 : i32
      %add3A_843 = arith.constant 55 : i32
      %add3A_844 = arith.addi %mul3A_842, %add3A_843 : i32
      %get3A_845 = arith.index_cast %add3A_844 : i32 to index
      %get3A_846 = memref.load %arg0[%get3A_845] : memref<8192xf32, #tpu.memory_space<smem>>
      %sub3A_847 = vector.broadcast %get3A_846 : f32 to vector<40x128xf32>
      %sub3A_848 = arith.subf %get3A_1, %sub3A_847 : vector<40x128xf32>
      %mul3A_849 = arith.mulf %sub3A_848, %sub3A_848 : vector<40x128xf32>
      %lt3A_850 = arith.cmpf olt, %mul3A_849, %select_n3A_836 : vector<40x128xf32>
      %select_n3A_851 = arith.select %lt3A_850, %mul3A_849, %select_n3A_836 : vector<40x128xi1>, vector<40x128xf32>
      %broadcast_in_dim3A_852 = vector.broadcast %add3A_844 : i32 to vector<40x128xi32>
      %select_n3A_853 = arith.select %lt3A_850, %broadcast_in_dim3A_852, %select_n3A_838 : vector<40x128xi1>, vector<40x128xi32>
      %broadcast_in_dim3A_854 = vector.broadcast %get3A_846 : f32 to vector<40x128xf32>
      %select_n3A_855 = arith.select %lt3A_850, %broadcast_in_dim3A_854, %select_n3A_840 : vector<40x128xi1>, vector<40x128xf32>
      %mul3A_856 = arith.constant 64 : i32
      %mul3A_857 = arith.muli %scan3A_17, %mul3A_856 : i32
      %add3A_858 = arith.constant 56 : i32
      %add3A_859 = arith.addi %mul3A_857, %add3A_858 : i32
      %get3A_860 = arith.index_cast %add3A_859 : i32 to index
      %get3A_861 = memref.load %arg0[%get3A_860] : memref<8192xf32, #tpu.memory_space<smem>>
      %sub3A_862 = vector.broadcast %get3A_861 : f32 to vector<40x128xf32>
      %sub3A_863 = arith.subf %get3A_1, %sub3A_862 : vector<40x128xf32>
      %mul3A_864 = arith.mulf %sub3A_863, %sub3A_863 : vector<40x128xf32>
      %lt3A_865 = arith.cmpf olt, %mul3A_864, %select_n3A_851 : vector<40x128xf32>
      %select_n3A_866 = arith.select %lt3A_865, %mul3A_864, %select_n3A_851 : vector<40x128xi1>, vector<40x128xf32>
      %broadcast_in_dim3A_867 = vector.broadcast %add3A_859 : i32 to vector<40x128xi32>
      %select_n3A_868 = arith.select %lt3A_865, %broadcast_in_dim3A_867, %select_n3A_853 : vector<40x128xi1>, vector<40x128xi32>
      %broadcast_in_dim3A_869 = vector.broadcast %get3A_861 : f32 to vector<40x128xf32>
      %select_n3A_870 = arith.select %lt3A_865, %broadcast_in_dim3A_869, %select_n3A_855 : vector<40x128xi1>, vector<40x128xf32>
      %mul3A_871 = arith.constant 64 : i32
      %mul3A_872 = arith.muli %scan3A_17, %mul3A_871 : i32
      %add3A_873 = arith.constant 57 : i32
      %add3A_874 = arith.addi %mul3A_872, %add3A_873 : i32
      %get3A_875 = arith.index_cast %add3A_874 : i32 to index
      %get3A_876 = memref.load %arg0[%get3A_875] : memref<8192xf32, #tpu.memory_space<smem>>
      %sub3A_877 = vector.broadcast %get3A_876 : f32 to vector<40x128xf32>
      %sub3A_878 = arith.subf %get3A_1, %sub3A_877 : vector<40x128xf32>
      %mul3A_879 = arith.mulf %sub3A_878, %sub3A_878 : vector<40x128xf32>
      %lt3A_880 = arith.cmpf olt, %mul3A_879, %select_n3A_866 : vector<40x128xf32>
      %select_n3A_881 = arith.select %lt3A_880, %mul3A_879, %select_n3A_866 : vector<40x128xi1>, vector<40x128xf32>
      %broadcast_in_dim3A_882 = vector.broadcast %add3A_874 : i32 to vector<40x128xi32>
      %select_n3A_883 = arith.select %lt3A_880, %broadcast_in_dim3A_882, %select_n3A_868 : vector<40x128xi1>, vector<40x128xi32>
      %broadcast_in_dim3A_884 = vector.broadcast %get3A_876 : f32 to vector<40x128xf32>
      %select_n3A_885 = arith.select %lt3A_880, %broadcast_in_dim3A_884, %select_n3A_870 : vector<40x128xi1>, vector<40x128xf32>
      %mul3A_886 = arith.constant 64 : i32
      %mul3A_887 = arith.muli %scan3A_17, %mul3A_886 : i32
      %add3A_888 = arith.constant 58 : i32
      %add3A_889 = arith.addi %mul3A_887, %add3A_888 : i32
      %get3A_890 = arith.index_cast %add3A_889 : i32 to index
      %get3A_891 = memref.load %arg0[%get3A_890] : memref<8192xf32, #tpu.memory_space<smem>>
      %sub3A_892 = vector.broadcast %get3A_891 : f32 to vector<40x128xf32>
      %sub3A_893 = arith.subf %get3A_1, %sub3A_892 : vector<40x128xf32>
      %mul3A_894 = arith.mulf %sub3A_893, %sub3A_893 : vector<40x128xf32>
      %lt3A_895 = arith.cmpf olt, %mul3A_894, %select_n3A_881 : vector<40x128xf32>
      %select_n3A_896 = arith.select %lt3A_895, %mul3A_894, %select_n3A_881 : vector<40x128xi1>, vector<40x128xf32>
      %broadcast_in_dim3A_897 = vector.broadcast %add3A_889 : i32 to vector<40x128xi32>
      %select_n3A_898 = arith.select %lt3A_895, %broadcast_in_dim3A_897, %select_n3A_883 : vector<40x128xi1>, vector<40x128xi32>
      %broadcast_in_dim3A_899 = vector.broadcast %get3A_891 : f32 to vector<40x128xf32>
      %select_n3A_900 = arith.select %lt3A_895, %broadcast_in_dim3A_899, %select_n3A_885 : vector<40x128xi1>, vector<40x128xf32>
      %mul3A_901 = arith.constant 64 : i32
      %mul3A_902 = arith.muli %scan3A_17, %mul3A_901 : i32
      %add3A_903 = arith.constant 59 : i32
      %add3A_904 = arith.addi %mul3A_902, %add3A_903 : i32
      %get3A_905 = arith.index_cast %add3A_904 : i32 to index
      %get3A_906 = memref.load %arg0[%get3A_905] : memref<8192xf32, #tpu.memory_space<smem>>
      %sub3A_907 = vector.broadcast %get3A_906 : f32 to vector<40x128xf32>
      %sub3A_908 = arith.subf %get3A_1, %sub3A_907 : vector<40x128xf32>
      %mul3A_909 = arith.mulf %sub3A_908, %sub3A_908 : vector<40x128xf32>
      %lt3A_910 = arith.cmpf olt, %mul3A_909, %select_n3A_896 : vector<40x128xf32>
      %select_n3A_911 = arith.select %lt3A_910, %mul3A_909, %select_n3A_896 : vector<40x128xi1>, vector<40x128xf32>
      %broadcast_in_dim3A_912 = vector.broadcast %add3A_904 : i32 to vector<40x128xi32>
      %select_n3A_913 = arith.select %lt3A_910, %broadcast_in_dim3A_912, %select_n3A_898 : vector<40x128xi1>, vector<40x128xi32>
      %broadcast_in_dim3A_914 = vector.broadcast %get3A_906 : f32 to vector<40x128xf32>
      %select_n3A_915 = arith.select %lt3A_910, %broadcast_in_dim3A_914, %select_n3A_900 : vector<40x128xi1>, vector<40x128xf32>
      %mul3A_916 = arith.constant 64 : i32
      %mul3A_917 = arith.muli %scan3A_17, %mul3A_916 : i32
      %add3A_918 = arith.constant 60 : i32
      %add3A_919 = arith.addi %mul3A_917, %add3A_918 : i32
      %get3A_920 = arith.index_cast %add3A_919 : i32 to index
      %get3A_921 = memref.load %arg0[%get3A_920] : memref<8192xf32, #tpu.memory_space<smem>>
      %sub3A_922 = vector.broadcast %get3A_921 : f32 to vector<40x128xf32>
      %sub3A_923 = arith.subf %get3A_1, %sub3A_922 : vector<40x128xf32>
      %mul3A_924 = arith.mulf %sub3A_923, %sub3A_923 : vector<40x128xf32>
      %lt3A_925 = arith.cmpf olt, %mul3A_924, %select_n3A_911 : vector<40x128xf32>
      %select_n3A_926 = arith.select %lt3A_925, %mul3A_924, %select_n3A_911 : vector<40x128xi1>, vector<40x128xf32>
      %broadcast_in_dim3A_927 = vector.broadcast %add3A_919 : i32 to vector<40x128xi32>
      %select_n3A_928 = arith.select %lt3A_925, %broadcast_in_dim3A_927, %select_n3A_913 : vector<40x128xi1>, vector<40x128xi32>
      %broadcast_in_dim3A_929 = vector.broadcast %get3A_921 : f32 to vector<40x128xf32>
      %select_n3A_930 = arith.select %lt3A_925, %broadcast_in_dim3A_929, %select_n3A_915 : vector<40x128xi1>, vector<40x128xf32>
      %mul3A_931 = arith.constant 64 : i32
      %mul3A_932 = arith.muli %scan3A_17, %mul3A_931 : i32
      %add3A_933 = arith.constant 61 : i32
      %add3A_934 = arith.addi %mul3A_932, %add3A_933 : i32
      %get3A_935 = arith.index_cast %add3A_934 : i32 to index
      %get3A_936 = memref.load %arg0[%get3A_935] : memref<8192xf32, #tpu.memory_space<smem>>
      %sub3A_937 = vector.broadcast %get3A_936 : f32 to vector<40x128xf32>
      %sub3A_938 = arith.subf %get3A_1, %sub3A_937 : vector<40x128xf32>
      %mul3A_939 = arith.mulf %sub3A_938, %sub3A_938 : vector<40x128xf32>
      %lt3A_940 = arith.cmpf olt, %mul3A_939, %select_n3A_926 : vector<40x128xf32>
      %select_n3A_941 = arith.select %lt3A_940, %mul3A_939, %select_n3A_926 : vector<40x128xi1>, vector<40x128xf32>
      %broadcast_in_dim3A_942 = vector.broadcast %add3A_934 : i32 to vector<40x128xi32>
      %select_n3A_943 = arith.select %lt3A_940, %broadcast_in_dim3A_942, %select_n3A_928 : vector<40x128xi1>, vector<40x128xi32>
      %broadcast_in_dim3A_944 = vector.broadcast %get3A_936 : f32 to vector<40x128xf32>
      %select_n3A_945 = arith.select %lt3A_940, %broadcast_in_dim3A_944, %select_n3A_930 : vector<40x128xi1>, vector<40x128xf32>
      %mul3A_946 = arith.constant 64 : i32
      %mul3A_947 = arith.muli %scan3A_17, %mul3A_946 : i32
      %add3A_948 = arith.constant 62 : i32
      %add3A_949 = arith.addi %mul3A_947, %add3A_948 : i32
      %get3A_950 = arith.index_cast %add3A_949 : i32 to index
      %get3A_951 = memref.load %arg0[%get3A_950] : memref<8192xf32, #tpu.memory_space<smem>>
      %sub3A_952 = vector.broadcast %get3A_951 : f32 to vector<40x128xf32>
      %sub3A_953 = arith.subf %get3A_1, %sub3A_952 : vector<40x128xf32>
      %mul3A_954 = arith.mulf %sub3A_953, %sub3A_953 : vector<40x128xf32>
      %lt3A_955 = arith.cmpf olt, %mul3A_954, %select_n3A_941 : vector<40x128xf32>
      %select_n3A_956 = arith.select %lt3A_955, %mul3A_954, %select_n3A_941 : vector<40x128xi1>, vector<40x128xf32>
      %broadcast_in_dim3A_957 = vector.broadcast %add3A_949 : i32 to vector<40x128xi32>
      %select_n3A_958 = arith.select %lt3A_955, %broadcast_in_dim3A_957, %select_n3A_943 : vector<40x128xi1>, vector<40x128xi32>
      %broadcast_in_dim3A_959 = vector.broadcast %get3A_951 : f32 to vector<40x128xf32>
      %select_n3A_960 = arith.select %lt3A_955, %broadcast_in_dim3A_959, %select_n3A_945 : vector<40x128xi1>, vector<40x128xf32>
      %mul3A_961 = arith.constant 64 : i32
      %mul3A_962 = arith.muli %scan3A_17, %mul3A_961 : i32
      %add3A_963 = arith.constant 63 : i32
      %add3A_964 = arith.addi %mul3A_962, %add3A_963 : i32
      %get3A_965 = arith.index_cast %add3A_964 : i32 to index
      %get3A_966 = memref.load %arg0[%get3A_965] : memref<8192xf32, #tpu.memory_space<smem>>
      %sub3A_967 = vector.broadcast %get3A_966 : f32 to vector<40x128xf32>
      %sub3A_968 = arith.subf %get3A_1, %sub3A_967 : vector<40x128xf32>
      %mul3A_969 = arith.mulf %sub3A_968, %sub3A_968 : vector<40x128xf32>
      %lt3A_970 = arith.cmpf olt, %mul3A_969, %select_n3A_956 : vector<40x128xf32>
      %select_n3A_971 = arith.select %lt3A_970, %mul3A_969, %select_n3A_956 : vector<40x128xi1>, vector<40x128xf32>
      %broadcast_in_dim3A_972 = vector.broadcast %add3A_964 : i32 to vector<40x128xi32>
      %select_n3A_973 = arith.select %lt3A_970, %broadcast_in_dim3A_972, %select_n3A_958 : vector<40x128xi1>, vector<40x128xi32>
      %broadcast_in_dim3A_974 = vector.broadcast %get3A_966 : f32 to vector<40x128xf32>
      %select_n3A_975 = arith.select %lt3A_970, %broadcast_in_dim3A_974, %select_n3A_960 : vector<40x128xi1>, vector<40x128xf32>
      scf.yield %select_n3A_971, %select_n3A_973, %select_n3A_975 : vector<40x128xf32>, vector<40x128xi32>, vector<40x128xf32>
    }
    %scan3A_11 = arith.constant 128 : i32
    %swap3A = arith.constant 0 : index
    %swap3A_12 = arith.constant 0 : index
    %swap3A_13 = vector.load %arg3[%swap3A, %swap3A_12] : memref<40x128xi32, #tpu.memory_space<vmem>>, vector<40x128xi32>
    tpu.vector_store %arg3[%swap3A, %swap3A_12], %scan3A_10#1 {strides = array<i32>} : memref<40x128xi32, #tpu.memory_space<vmem>>, vector<40x128xi32>,
    %swap3A_14 = arith.constant 0 : index
    %swap3A_15 = arith.constant 0 : index
    %swap3A_16 = vector.load %arg2[%swap3A_14, %swap3A_15] : memref<40x128xf32, #tpu.memory_space<vmem>>, vector<40x128xf32>
    tpu.vector_store %arg2[%swap3A_14, %swap3A_15], %scan3A_10#2 {strides = array<i32>} : memref<40x128xf32, #tpu.memory_space<vmem>>, vector<40x128xf32>,
    return
  }
}

</mosaic_0001>

<sc_bundles>
// kernel: kernel.4.cloned.1.call-start
scs
__scs_entry_jumppad:
0x0: {  	(pc) =	sbr.rel $0x88, $3  }
0x1: {  	(tag) =	ssettag $0x0;
	lr =	simm.s32 $0x1  }
0x2: {  	[smem:$0x3F9F] =	sst lr;
	_ =	strace $0xD0000000  }
0x3: {  	_ = 	snop  }
0x4: {  	_ = 	snop  }
0x5: {  	_ = 	snop  }
0x6: {  	_ = 	snop  }
0x7: {  	_ = 	snop  }
__scs_overlays_trampoline_lowered:
0x8: {  	[smem:$0x3FAE] =	sst s0  }
0x9: {  	[smem:$0x3FAF] =	sst s1  }
0xa: {  	[smem:$0x3FB0] =	sst s2  }
0xb: {  	[smem:$0x3FB1] =	sst s3  }
0xc: {  	[smem:$0x3FB2] =	sst s4  }
0xd: {  	[smem:$0x3FB3] =	sst s5  }
0xe: {  	[smem:$0x3FB4] =	sst s6  }
0xf: {  	[smem:$0x3FB5] =	sst s7  }
0x10: {  	[smem:$0x3FB6] =	sst s8  }
0x11: {  	[smem:$0x3FB7] =	sst s9;
	s0 =	simm.s32 @!p0 $0x0  }
0x12: {  	s1 =	sld [smem:$0x3F9D];
	s0 =	simm.s32 @p0 $0x1  }
0x13: {  	[smem:$0x3FB8] =	sst s0;
	s0 =	simm.s32 @!p1 $0x0  }
0x14: {  	s2 =	sld [smem:$0x3F9C];
	s0 =	simm.s32 @p1 $0x1  }
0x15: {  	[smem:$0x3FB9] =	sst s0;
	s0 =	simm.s32 @!p2 $0x0  }
0x16: {  	s3 =	sld [smem:$0x3FDB];
	s0 =	simm.s32 @p2 $0x1  }
0x17: {  	s4 =	simm.s32 $0x1BF5;
	[smem:$0x3FBB] =	sst s0  }
0x18: {  	s0 =	sld [smem:$0x3F9E];
	_ =	swait.ge [sflag:s4], $0x0  }
0x19: {  	s7 =	sld [smem:$0x3F9F]  }
0x1a: {  	s8 =	sadd.s32 $0xFFFFE003, lr  }
0x1b: {  	s9 =	sadd.s32 $0xFFFFFEF7, lr;
	s5 =	simm.s32 $0xFFFFFFFF;
	p2 =	slt.u32 s8, $0xFFFFF086  }
0x1c: {  	p1 =	slt.u32 s9, $0xF7A;
	s5 =	simm.s32 @!p2 $0x0  }
0x1d: {  	s5 =	simm.s32 @p1 $0x1;
	p0 =	seq.s32 s7, s2  }
0x1e: {  	s7 =	smul.u32 @!p0 $0xF7A, s2;
	p2 =	seq.s32 @!p0 s5, $0x0  }
0x1f: {  	s9 =	smul.u32 $0xF7A, s1;
	s8 =	simm.s32 @!p0 $0x1BF5;
	p2 =	por !p2, p0  }
0x20: {  	[sflag:s8] =	ssyncset.s32 @!p0 $0xFFFFF086;
	s6 =	sadd.s32 @!p0 s3, s7;
	s7 =	simm.s32 @!p0 $0x108  }
0x21: {  	s3 =	sadd.s32 s3, s9;
	s6 =	sadd.s32 @!p0 $0x88, s6;
	s7 =	simm.s32 @p2 $0x1082  }
0x22: {  	[simem:s7], [sflag:s8] =	dma.local @!p0 [hbm:s6], $0xF7A  }
0x23: {  	s9 =	sor.u32 $0xD0000000, s2;
	s6 =	simm.s32 $0x108;
	_ =	swait.ge @!p0 [sflag:s8], $0x0  }
0x24: {  	s3 =	sadd.s32 $0x88, s3;
	s6 =	simm.s32 @!p1 $0x1082;
	[sflag:s4] =	ssyncset.s32 $0xFFFFF086  }
0x25: {  	[simem:s6], [sflag:s4] =	dma.local [hbm:s3], $0xF7A  }
0x26: {  	[smem:$0x3F9F] =	sst s1;
	(tag) =	ssettag s2;
	_ =	strace s9  }
0x27: {  	s1 =	sld [smem:$0x3FAF]  }
0x28: {  	s2 =	sld [smem:$0x3FB0]  }
0x29: {  	s4 =	sld [smem:$0x3FB2]  }
0x2a: {  	p0 =	seq.s32 s5, $0x0;
	s5 =	sld [smem:$0x3FB3]  }
0x2b: {  	s6 =	sld [smem:$0x3FB4]  }
0x2c: {  	s7 =	sld [smem:$0x3FB5]  }
0x2d: {  	s3 =	simm.s32 $0x108;
	s8 =	sld [smem:$0x3FB6]  }
0x2e: {  	s3 =	simm.s32 @!p0 $0x1082;
	s9 =	sld [smem:$0x3FB7]  }
0x2f: {  	lr =	sadd.s32 s0, s3;
	s0 =	sld [smem:$0x3FAE]  }
0x30: {  	s3 =	sld [smem:$0x3FB1]  }
0x31: {  	[smem:$0x3FBA] =	sst s10  }
0x32: {  	s10 =	sld [smem:$0x3FB8];
	_ =	sdelay $0x3  }
0x33: {  	p0 =	seq.s32 s10, $0x1;
	s10 =	sld [smem:$0x3FBA];
	_ =	sdelay $0x3  }
0x34: {  	[smem:$0x3FBA] =	sst s10  }
0x35: {  	s10 =	sld [smem:$0x3FB9];
	_ =	sdelay $0x3  }
0x36: {  	p1 =	seq.s32 s10, $0x1;
	s10 =	sld [smem:$0x3FBA];
	_ =	sdelay $0x3  }
0x37: {  	[smem:$0x3FBA] =	sst s10  }
0x38: {  	s10 =	sld [smem:$0x3FBB]  }
0x39: {  	_ = 	snop;
	(pc) =	sbr.ind lr, $3  }
0x3a: {  	_ = 	snop  }
0x3b: {  	_ = 	snop  }
0x3c: {  	p2 =	seq.s32 s10, $0x1;
	s10 =	sld [smem:$0x3FBA]  }
0x3d: {  	_ =	shalt  }
0x3e: {  	_ =	shalt  }
0x3f: {  	_ =	shalt  }
0x40: {  	_ =	shalt  }
0x41: {  	_ =	shalt  }
0x42: {  	_ =	shalt  }
0x43: {  	_ =	shalt  }
0x44: {  	_ =	shalt  }
0x45: {  	_ =	shalt  }
0x46: {  	_ =	shalt  }
0x47: {  	_ =	shalt  }
0x48: {  	_ =	shalt  }
0x49: {  	_ =	shalt  }
0x4a: {  	_ =	shalt  }
0x4b: {  	_ =	shalt  }
0x4c: {  	_ =	shalt  }
0x4d: {  	_ =	shalt  }
0x4e: {  	_ =	shalt  }
0x4f: {  	_ =	shalt  }
0x50: {  	_ =	shalt  }
0x51: {  	_ =	shalt  }
0x52: {  	_ =	shalt  }
0x53: {  	_ =	shalt  }
0x54: {  	_ =	shalt  }
0x55: {  	_ =	shalt  }
0x56: {  	_ =	shalt  }
0x57: {  	_ =	shalt  }
0x58: {  	_ =	shalt  }
0x59: {  	_ =	shalt  }
0x5a: {  	_ =	shalt  }
0x5b: {  	_ =	shalt  }
0x5c: {  	_ =	shalt  }
0x5d: {  	_ =	shalt  }
0x5e: {  	_ =	shalt  }
0x5f: {  	_ =	shalt  }
0x60: {  	_ =	shalt  }
0x61: {  	_ =	shalt  }
0x62: {  	_ =	shalt  }
0x63: {  	_ =	shalt  }
0x64: {  	_ =	shalt  }
0x65: {  	_ =	shalt  }
0x66: {  	_ =	shalt  }
0x67: {  	_ =	shalt  }
0x68: {  	_ =	shalt  }
0x69: {  	_ =	shalt  }
0x6a: {  	_ =	shalt  }
0x6b: {  	_ =	shalt  }
0x6c: {  	_ =	shalt  }
0x6d: {  	_ =	shalt  }
0x6e: {  	_ =	shalt  }
0x6f: {  	_ =	shalt  }
0x70: {  	_ =	shalt  }
0x71: {  	_ =	shalt  }
0x72: {  	_ =	shalt  }
0x73: {  	_ =	shalt  }
0x74: {  	_ =	shalt  }
0x75: {  	_ =	shalt  }
0x76: {  	_ =	shalt  }
0x77: {  	_ =	shalt  }
0x78: {  	_ =	shalt  }
0x79: {  	_ =	shalt  }
0x7a: {  	_ =	shalt  }
0x7b: {  	_ =	shalt  }
0x7c: {  	_ =	shalt  }
0x7d: {  	_ =	shalt  }
0x7e: {  	_ =	shalt  }
0x7f: {  	_ =	shalt  }
0x80: {  	_ =	shalt  }
0x81: {  	_ =	shalt  }
0x82: {  	_ =	shalt  }
0x83: {  	_ =	shalt  }
0x84: {  	_ =	shalt  }
0x85: {  	_ =	shalt  }
0x86: {  	_ =	shalt  }
0x87: {  	_ =	shalt  }
.Lfunc_end0:
.L_simem_size_0:
called_computation_lowered:
.L_overlay_start_0:
0x88: {  	s2 =	sld [smem:$0x3FD9]  }
0x89: {  	s3 =	sld [smem:$0x3FFE];
	_ =	sdelay $0x1  }
0x8a: {  	s1 =	srdreg.scid  }
0x8b: {  	s0 =	sand.u32 $0x1, s1  }
0x8c: {  	s14 =	sshll.u32 s0, $0xA;
	s2 =	sadd.s32 s3, s2  }
0x8d: {  	s2 =	sadd.s32 s2, s14  }
0x8e: {  	[smem:$0x3FC6] =	sst s2  }
0x8f: {  	_ = 	snop  }
0x90: {  	s2 =	sld [smem:$0x3FD0];
	_ =	sdelay $0x2  }
0x91: {  	s4 =	simm.s32 $0xA;
	s5 =	simm.s32 $0x10;
	s15 =	sld [smem:$0x3FC8]  }
0x92: {  	[smem:s5], [sflag:s4] =	dma.local [hbm:s2], $0x1  }
0x93: {  	_ =	swait.eq [sflag:s4], $0x1  }
0x94: {  	[sflag:s4] =	ssyncset.done $0x0  }
0x95: {  	s16 =	sld [smem:$0x10];
	[sflag:s4] =	ssyncadd.s32 $0xFFFFFFFF  }
0x96: {  	s17 =	sld [smem:$0x11];
	(tm) =	ssettm $0x1  }
0x97: {  	s18 =	sld [smem:$0x3FFB];
	_ =	sdelay $0x3  }
0x98: {  	_ =	strace s18  }
0x99: {  	s5 =	sld [smem:$0x3FFC];
	_ =	sdelay $0x3  }
0x9a: {  	_ =	strace s5  }
0x9b: {  	s5 =	sld [smem:$0x3FFD];
	_ =	sdelay $0x3  }
0x9c: {  	_ =	strace s5  }
0x9d: {  	_ =	strace $0x8FFFFFFF  }
0x9e: {  	s19 =	sld [smem:$0x3FDB];
	_ =	sdelay $0x1  }
0x9f: {  	s6 =	simm.s32 $_scs_section_size  }
0xa0: {  	s7 =	simm.s32 $_size__tile_overlayer_lowered;
	s8 =	simm.s32 $_tile_overlayer_lowered  }
0xa1: {  	s22 =	simm.s32 $0x1BFF;
	s21 =	sshll.u32 s8, $0x1;
	s5 =	sadd.s32 s6, s19  }
0xa2: {  	s9 =	simm.s32 $0x0;
	s20 =	sshll.u32 s7, $0x1;
	s7 =	sadd.s32 s21, s5  }
0xa3: {  	[timem:s9], [sflag:s22] =	dma.local [hbm:s7], s20  }
0xa4: {  	_ =	swait.ge [sflag:s22], s20  }
0xa5: {  	s6 =	ssub.s32 $0x0, s20;
	[sflag:s22] =	ssyncset.done $0x0  }
0xa6: {  	[sflag:s22] =	ssyncadd.s32 s6;
	_ =	sdelay $0x1  }
0xa7: {  	s23 =	simm.s32 $0x1B8B  }
0xa8: {  	_ =	swait.ge [sflag:s23], $0x1  }
0xa9: {  	[sflag:s23] =	ssyncset.done $0x0  }
0xaa: {  	s25 =	simm.s32 $0x1B8E;
	s24 =	sld [smem:$0x3FFE];
	[sflag:s23] =	ssyncadd.s32 $0xFFFFFFFF  }
0xab: {  	s26 =	simm.s32 $execute0_lowered;
	[smem:$0x3FD2] =	sst s25  }
0xac: {  	s7 =	sshll.u32 s26, $0x1;
	_ =	strace $0x80000046;
	[dreg:$0x1] =	wrdreg $0xFFFFFFFF  }
0xad: {  	s28 =	simm.s32 $_size_execute0_lowered;
	s5 =	sadd.s32 s5, s7;
	[dreg:$0x0] =	wrdreg $0x0  }
0xae: {  	s7 =	sshll.u32 s28, $0x1;
	[dreg:$0x2] =	wrdreg s5  }
0xaf: {  	[dreg:$0x3] =	wrdreg s7  }
0xb0: {  	[dreg:$0x4] =	wrdreg $0xC0  }
0xb1: {  	_ =	task [dreg:s9], $0x5FFFF  }
0xb2: {  	[dreg:$0x1] =	wrdreg $0xFFFFFFFF  }
0xb3: {  	[dreg:$0x0] =	wrdreg $0x60  }
0xb4: {  	[dreg:$0x2] =	wrdreg s15  }
0xb5: {  	[dreg:$0x3] =	wrdreg s17  }
0xb6: {  	[dreg:$0x4] =	wrdreg s16  }
0xb7: {  	[dreg:$0x5] =	wrdreg s24  }
0xb8: {  	[dreg:$0x6] =	wrdreg $0x9  }
0xb9: {  	_ =	task.clear_ibuf [dreg:s9], $0x7FFFF;
	_ =	strace $0x90000046  }
0xba: {  	s29 =	simm.s32 $0x9;
	_ =	strace $0x80000048  }
0xbb: {  	_ =	swait.ge [sflag:s29], $0x1  }
0xbc: {  	[sflag:s29] =	ssyncadd.s32 $0xFFFFFFFF  }
0xbd: {  	_ =	strace $0x90000048  }
0xbe: {  	_ =	sfence  }
0xbf: {  	s30 =	sld [smem:$0x0];
	_ =	sdelay $0x2  }
0xc0: {  	s31 =	sshll.u32 s1, $0xD;
	s1 =	sshrl.u32 s1, $0x2  }
0xc1: {  	s3 =	sand.u32 $0x4000, s31;
	s1 =	sadd.s32 s1, s30  }
0xc2: {  	s0 =	sor.u32 s3, s0;
	s1 =	sshll.u32 s1, $0x11  }
0xc3: {  	s0 =	sor.u32 s1, s0  }
0xc4: {  	s0 =	sadd.s32 $0x8F2B, s0  }
0xc5: {  	[sflag:s0] =	ssyncadd.remote.s32 $0x1  }
0xc6: {  	_ =	sfence.sel $0xFFFF  }
0xc7: {  	[dreg:$0x0] =	wrdreg $0xFFFFFFFF;
	(pc) =	sbr.abs _section_cstart, $3  }
0xc8: {  	[dreg:$0x1] =	wrdreg $0xFFFFFFFF  }
0xc9: {  	_ =	task.clear_ibuf [dreg:s9], $0x2FFFF;
	_ =	strace $0x9FFFFFFF  }
0xca: {  	(tm) =	ssettm $0x7FFFFFFF  }
0xcb: {  	_ =	shalt  }
tec
execute0_lowered:
.L_overlay_start_1:
0x0: {  	(tag) =	ssettag $0x1  }
0x1: {  	s1 =	rddreg [dreg:$0x0]  }
0x2: {  	s4 =	rddreg [dreg:$0x1]  }
0x3: {  	s5 =	rddreg [dreg:$0x2];
	s2 =	srdreg.scid  }
0x4: {  	s0 =	stileid.u32;
	s6 =	rddreg [dreg:$0x3]  }
0x5: {  	s10 =	simm.s32 $0x2080;
	s11 =	simm.s32 $0x2100;
	s12 =	simm.s32 $0x0  }
0x6: {  	s7 =	sand.u32 $0x1, s2;
	s3 =	sshll.u32 s0, $0x1;
	s2 =	rddreg [dreg:$0x4]  }
0x7: {  	s8 =	sor.u32 s7, s3;
	s3 =	simm.s32 $0x0;
	s7 =	ssub.s32 $0x2, s7  }
0x8: {  	s8 =	smul.u32 $0xC, s8;
	[smem:$0x7FF] =	sst s3;
	s9 =	sshrl.u32 s7, $0x1  }
0x9: {  	v24 =	vimm.s32 $0x3;
	v25 =	vimm.s32 $0x7;
	v14 =	vimm.s32 $0x9;
	_ =	strace $0x80000047;
	s7 =	ssub.s32 s7, s9;
	s9 =	simm.s32 $0x1  }
0xa: {  	v18 =	vimm.s32 $0xA;
	v1 =	vimm.s32 $0xB;
	v2 =	vimm.s32 $0xC;
	s6 =	sadd.s32 s8, s6;
	s4 =	sadd.s32 s4, s8;
	s5 =	sadd.s32 s5, s8  }
0xb: {  	v3 =	vimm.s32 $0xD;
	v4 =	vimm.s32 $0xE;
	v5 =	vimm.s32 $0xF;
	s7 =	smax.u32 s7, $0x1;
	s8 =	simm.s32 $0x2000;
	s6 =	sadd.s32 $0x1200, s6  }
.LBB2_1:
0xc: {  	[tilespmem:s8], [sflag:$0x1] =	stream.linear.gather [hbm4b:s4+s3], $0x60, $0x38;
	[tilespmem:$0x2180] =	vst v63  }
0xd: {  	_ =	swait.ge [sflag:s9], $0x60  }
0xe: {  	[sflag:s9] =	ssyncset.done $0x0  }
0xf: {  	[sflag:s9] =	ssyncadd.s32 $0xFFFFFFA0  }
0x10: {  	[tilespmem:s3], [sflag:$0x1] =	stream.linear.gather [hbm4b:s1+s3], $0x2000, $0x38;
	[tilespmem:$0x2180] =	vst v63  }
0x11: {  	_ =	swait.ge [sflag:s9], $0x2000  }
0x12: {  	[sflag:s9] =	ssyncset.done $0x0  }
0x13: {  	[sflag:s9] =	ssyncadd.s32 $0xFFFFE000  }
0x14: {  	v27 =	vld [tilespmem:s3+$0x0];
	_ =	sdelay $0x1  }
0x15: {  	v10 =	vld [tilespmem:$0x2030];
	_ =	sdelay $0x1  }
0x16: {  	v21 =	vld [tilespmem:$0x2040]  }
0x17: {  	v5 =	vperm.xlane v27, v5;
	v29 =	vperm.xlane v27, v1  }
0x18: {  	v20 =	vimm.s32 $0x5;
	v16 =	vperm.xlane v27, v4;
	v17 =	vperm.xlane v27, v3  }
0x19: {  	v63 =	vld [tilespmem:$0x2000];
	v28 =	vperm.xlane v27, v2;
	v30 =	vperm.xlane v27, v18;
	v3 =	vsub.f32 v10, v29  }
0x1a: {  	v0 =	vld [tilespmem:$0x2010];
	v31 =	vperm.xlane v27, v14;
	v33 =	vperm.xlane v27, v25;
	v18 =	vimm.s32 $0x2  }
0x1b: {  	v19 =	vld [tilespmem:$0x2020];
	v37 =	vperm.xlane v27, v18;
	v18 =	vimm.s32 $0x6;
	[tilespmem:$0x1FE40] =	vst v3;
	v3 =	vsub.f32 v21, v29  }
0x1c: {  	v36 =	vperm.xlane v27, v24;
	v34 =	vperm.xlane v27, v18;
	v18 =	vimm.s32 $0x1  }
0x1d: {  	v35 =	vperm.xlane v27, v20;
	v18 =	vperm.xlane v27, v18;
	[tilespmem:$0x1FE60] =	vst v3;
	v3 =	vimm.s32 $0x8  }
0x1e: {  	v26 =	vsub.f32 v63, v36;
	v32 =	vperm.xlane v27, v3;
	v3 =	vimm.s32 $0x0  }
0x1f: {  	v57 =	vsub.f32 v63, v37;
	v58 =	vsub.f32 v63, v18;
	v14 =	vperm.xlane v27, v3  }
0x20: {  	v26 =	vmul.f32 v26, v26;
	v60 =	vsub.f32 v0, v18;
	v62 =	vsub.f32 v19, v18  }
0x21: {  	v57 =	vmul.f32 v57, v57;
	v58 =	vmul.f32 v58, v58;
	v55 =	vsub.f32 v63, v14  }
0x22: {  	v60 =	vmul.f32 v60, v60;
	v59 =	vsub.f32 v0, v14;
	v61 =	vsub.f32 v19, v14  }
0x23: {  	v22 =	vimm.f32 $+Inf;
	v62 =	vmul.f32 v62, v62;
	v55 =	vmul.f32 v55, v55  }
0x24: {  	v20 =	vimm.s32 $0x4;
	v59 =	vmul.f32 v59, v59;
	v61 =	vmul.f32 v61, v61  }
0x25: {  	v27 =	vperm.xlane v27, v20;
	v20 =	vimm.s32 $0x0;
	vm8 =	vlt.f32 v55, v22  }
0x26: {  	vm9 =	vlt.f32 v59, v22;
	vm0 =	vlt.f32 v61, v22;
	v55 =	vsel vm8, v55, v22  }
0x27: {  	v59 =	vsel vm9, v59, v22;
	v20 =	vsel vm0, $0xFFFFFFFF, v20;
	v61 =	vsel vm0, v61, v22  }
0x28: {  	vm10 =	vlt.f32 v58, v55;
	vm11 =	vlt.f32 v60, v59;
	vm0 =	vlt.f32 v62, v61  }
0x29: {  	[tilespmem:$0x1FB90] =	vst v20;
	v20 =	vimm.s32 $0x0;
	v55 =	vsel vm10, v58, v55;
	v58 =	vsub.f32 v0, v37  }
0x2a: {  	v59 =	vsel vm11, v60, v59;
	v60 =	vsub.f32 v19, v37;
	v20 =	vsel vm0, $0xFFFFFFFF, v20  }
0x2b: {  	v61 =	vsel vm0, v62, v61;
	v62 =	vsub.f32 v0, v36;
	v58 =	vmul.f32 v58, v58  }
0x2c: {  	[tilespmem:$0x1FBA0] =	vst v20;
	vm13 =	vlt.f32 v57, v55;
	v20 =	vimm.s32 $0x0;
	v60 =	vmul.f32 v60, v60  }
0x2d: {  	v55 =	vsel vm13, v57, v55;
	v57 =	vsub.f32 v63, v27;
	vm12 =	vlt.f32 v58, v59  }
0x2e: {  	vm15 =	vlt.f32 v26, v55;
	v58 =	vsel vm12, v58, v59;
	v59 =	vsub.f32 v19, v36  }
0x2f: {  	v62 =	vmul.f32 v62, v62;
	vm0 =	vlt.f32 v60, v61;
	v55 =	vsel vm15, v26, v55  }
0x30: {  	v26 =	vsub.f32 v63, v35;
	v57 =	vmul.f32 v57, v57;
	v59 =	vmul.f32 v59, v59  }
0x31: {  	v20 =	vsel vm0, $0xFFFFFFFF, v20;
	v60 =	vsel vm0, v60, v61;
	v61 =	vsub.f32 v0, v27  }
0x32: {  	[tilespmem:$0x1FBB0] =	vst v20;
	vm14 =	vlt.f32 v62, v58;
	v20 =	vimm.s32 $0x0;
	vm0 =	vlt.f32 v59, v60  }
0x33: {  	vm1 =	vlt.f32 v57, v55;
	v58 =	vsel vm14, v62, v58;
	v20 =	vsel vm0, $0xFFFFFFFF, v20  }
0x34: {  	v62 =	vsub.f32 v19, v27;
	v61 =	vmul.f32 v61, v61;
	[tilespmem:$0x1FBC0] =	vst v20;
	v20 =	vimm.s32 $0x0  }
0x35: {  	v26 =	vmul.f32 v26, v26;
	v20 =	vsel vm1, $0xFFFFFFFF, v20  }
0x36: {  	v62 =	vmul.f32 v62, v62;
	vm4 =	vlt.f32 v61, v58;
	[tilespmem:$0x1FBD0] =	vst v20;
	v20 =	vimm.s32 $0x0  }
0x37: {  	v55 =	vsel vm1, v57, v55;
	v59 =	vsel vm0, v59, v60;
	v20 =	vsel vm4, $0xFFFFFFFF, v20  }
0x38: {  	v60 =	vsub.f32 v0, v35;
	vm5 =	vlt.f32 v62, v59;
	[tilespmem:$0x1FBE0] =	vst v20;
	v20 =	vimm.s32 $0x0  }
0x39: {  	v58 =	vsel vm4, v61, v58;
	v61 =	vsub.f32 v19, v35;
	v20 =	vsel vm5, $0xFFFFFFFF, v20  }
0x3a: {  	v60 =	vmul.f32 v60, v60;
	vm4 =	vlt.f32 v26, v55;
	[tilespmem:$0x1FBF0] =	vst v20;
	v20 =	vimm.s32 $0x0  }
0x3b: {  	v57 =	vsub.f32 v63, v34;
	v59 =	vsel vm5, v62, v59;
	v20 =	vsel vm4, $0xFFFFFFFF, v20  }
0x3c: {  	v61 =	vmul.f32 v61, v61;
	vm5 =	vlt.f32 v60, v58;
	[tilespmem:$0x1FC00] =	vst v20;
	v20 =	vimm.s32 $0x0  }
0x3d: {  	v57 =	vmul.f32 v57, v57;
	v62 =	vsub.f32 v0, v34;
	v20 =	vsel vm5, $0xFFFFFFFF, v20  }
0x3e: {  	v55 =	vsel vm4, v26, v55;
	vm4 =	vlt.f32 v61, v59;
	[tilespmem:$0x1FC10] =	vst v20;
	v20 =	vimm.s32 $0x0  }
0x3f: {  	v62 =	vmul.f32 v62, v62;
	v58 =	vsel vm5, v60, v58;
	v20 =	vsel vm4, $0xFFFFFFFF, v20  }
0x40: {  	v60 =	vsub.f32 v19, v34;
	vm5 =	vlt.f32 v57, v55;
	[tilespmem:$0x1FC20] =	vst v20;
	v20 =	vimm.s32 $0x0  }
0x41: {  	v26 =	vsub.f32 v63, v33;
	v59 =	vsel vm4, v61, v59;
	v20 =	vsel vm5, $0xFFFFFFFF, v20  }
0x42: {  	v60 =	vmul.f32 v60, v60;
	vm4 =	vlt.f32 v62, v58;
	[tilespmem:$0x1FC30] =	vst v20;
	v20 =	vimm.s32 $0x0  }
0x43: {  	v26 =	vmul.f32 v26, v26;
	v61 =	vsub.f32 v0, v33;
	v20 =	vsel vm4, $0xFFFFFFFF, v20  }
0x44: {  	v55 =	vsel vm5, v57, v55;
	vm5 =	vlt.f32 v60, v59;
	[tilespmem:$0x1FC40] =	vst v20;
	v20 =	vimm.s32 $0x0  }
0x45: {  	v61 =	vmul.f32 v61, v61;
	v58 =	vsel vm4, v62, v58;
	v20 =	vsel vm5, $0xFFFFFFFF, v20  }
0x46: {  	v62 =	vsub.f32 v19, v33;
	vm4 =	vlt.f32 v26, v55;
	[tilespmem:$0x1FC50] =	vst v20;
	v20 =	vimm.s32 $0x0  }
0x47: {  	v57 =	vsub.f32 v63, v32;
	v59 =	vsel vm5, v60, v59;
	v20 =	vsel vm4, $0xFFFFFFFF, v20  }
0x48: {  	v62 =	vmul.f32 v62, v62;
	vm5 =	vlt.f32 v61, v58;
	[tilespmem:$0x1FC60] =	vst v20;
	v20 =	vimm.s32 $0x0  }
0x49: {  	v57 =	vmul.f32 v57, v57;
	v20 =	vsel vm5, $0xFFFFFFFF, v20  }
0x4a: {  	v55 =	vsel vm4, v26, v55;
	vm4 =	vlt.f32 v62, v59;
	[tilespmem:$0x1FC70] =	vst v20;
	v20 =	vimm.s32 $0x0  }
0x4b: {  	v53 =	vsub.f32 v63, v5;
	v60 =	vsub.f32 v0, v32;
	v20 =	vsel vm4, $0xFFFFFFFF, v20  }
0x4c: {  	v58 =	vsel vm5, v61, v58;
	vm5 =	vlt.f32 v57, v55;
	[tilespmem:$0x1FC80] =	vst v20;
	v20 =	vimm.s32 $0x0  }
0x4d: {  	v48 =	vsub.f32 v0, v5;
	v20 =	vsel vm5, $0xFFFFFFFF, v20  }
0x4e: {  	v50 =	vsub.f32 v19, v5;
	v60 =	vmul.f32 v60, v60;
	[tilespmem:$0x1FC90] =	vst v20;
	v20 =	vmul.f32 v53, v53  }
0x4f: {  	v44 =	vsub.f32 v0, v16;
	v46 =	vsub.f32 v19, v16  }
0x50: {  	v59 =	vsel vm4, v62, v59;
	vm4 =	vlt.f32 v60, v58;
	[tilespmem:$0x1FCA0] =	vst v20;
	v20 =	vimm.s32 $0x0  }
0x51: {  	v58 =	vsel vm4, v60, v58;
	v60 =	vsub.f32 v63, v31;
	v20 =	vsel vm4, $0xFFFFFFFF, v20  }
0x52: {  	v39 =	vsub.f32 v0, v17;
	v12 =	vsub.f32 v0, v28;
	[tilespmem:$0x1FCB0] =	vst v20;
	v20 =	vmul.f32 v48, v48  }
0x53: {  	[tilespmem:$0x1FD10] =	vst v0;
	v4 =	vsub.f32 v0, v29;
	v42 =	vsub.f32 v0, v30;
	v48 =	vmul.f32 v60, v60  }
0x54: {  	[tilespmem:$0x1FCD0] =	vst v20;
	v20 =	vmul.f32 v50, v50;
	v50 =	vsub.f32 v0, v31;
	v0 =	vmul.f32 v46, v46  }
0x55: {  	v55 =	vsel vm5, v57, v55  }
0x56: {  	v38 =	vsub.f32 v63, v17;
	vm4 =	vlt.f32 v48, v55;
	[tilespmem:$0x1FD20] =	vst v0;
	v0 =	vimm.s32 $0x0  }
0x57: {  	v0 =	vsel vm4, $0xFFFFFFFF, v0  }
0x58: {  	v23 =	vld [tilespmem:$0x2050];
	[tilespmem:$0x1FD30] =	vst v0;
	v0 =	vmul.f32 v38, v38;
	_ =	sdelay $0x1  }
0x59: {  	v41 =	vsub.f32 v19, v17;
	v62 =	vsub.f32 v19, v32;
	[tilespmem:$0x1FD50] =	vst v0;
	v0 =	vmul.f32 v39, v39  }
0x5a: {  	v51 =	vsub.f32 v10, v5  }
0x5b: {  	v40 =	vsub.f32 v10, v17;
	v53 =	vmul.f32 v62, v62;
	[tilespmem:$0x1FD60] =	vst v0;
	v0 =	vmul.f32 v41, v41  }
0x5c: {  	v49 =	vsub.f32 v23, v5;
	v2 =	vsub.f32 v23, v17;
	[tilespmem:$0x1FCE0] =	vst v20;
	v20 =	vmul.f32 v51, v51  }
0x5d: {  	vm5 =	vlt.f32 v53, v59;
	v50 =	vmul.f32 v50, v50;
	[tilespmem:$0x1FD70] =	vst v0;
	v0 =	vmul.f32 v40, v40  }
0x5e: {  	v51 =	vmul.f32 v49, v49;
	v49 =	vsel vm5, v53, v59;
	[tilespmem:$0x1FCF0] =	vst v20;
	v20 =	vimm.s32 $0x0  }
0x5f: {  	v20 =	vsel vm5, $0xFFFFFFFF, v20;
	vm5 =	vlt.f32 v50, v58;
	[tilespmem:$0x1FD80] =	vst v0;
	v0 =	vimm.s32 $0x0  }
0x60: {  	v0 =	vsel vm5, $0xFFFFFFFF, v0  }
0x61: {  	v11 =	vsub.f32 v63, v28;
	[tilespmem:$0x1FD90] =	vst v0;
	v0 =	vmul.f32 v2, v2;
	_ =	sdelay $0x1  }
0x62: {  	[tilespmem:$0x1FDA0] =	vst v0;
	v0 =	vmul.f32 v11, v11  }
0x63: {  	v15 =	vsub.f32 v23, v16;
	v13 =	vsub.f32 v19, v28;
	v59 =	vmul.f32 v44, v44  }
0x64: {  	v44 =	vsel vm4, v48, v55;
	v55 =	vsub.f32 v19, v31;
	[tilespmem:$0x1FDB0] =	vst v0;
	v0 =	vmul.f32 v12, v12  }
0x65: {  	v46 =	vmul.f32 v15, v15  }
0x66: {  	v15 =	vmul.f32 v55, v55;
	[tilespmem:$0x1FDC0] =	vst v0;
	v0 =	vmul.f32 v13, v13;
	_ =	sdelay $0x1  }
0x67: {  	v7 =	vsub.f32 v23, v28;
	vm4 =	vlt.f32 v15, v49;
	[tilespmem:$0x1FDD0] =	vst v0;
	v0 =	vimm.s32 $0x0  }
0x68: {  	v0 =	vsel vm4, $0xFFFFFFFF, v0  }
0x69: {  	v8 =	vsub.f32 v63, v29;
	[tilespmem:$0x1FDE0] =	vst v0;
	v0 =	vmul.f32 v7, v7  }
0x6a: {  	v9 =	vsub.f32 v21, v17  }
0x6b: {  	v54 =	vsub.f32 v63, v30;
	[tilespmem:$0x1FDF0] =	vst v0;
	v0 =	vmul.f32 v8, v8  }
0x6c: {  	v48 =	vmul.f32 v9, v9  }
0x6d: {  	v9 =	vmul.f32 v54, v54;
	[tilespmem:$0x1FE00] =	vst v0;
	v0 =	vmul.f32 v4, v4  }
0x6e: {  	v56 =	vsub.f32 v19, v29  }
0x6f: {  	v62 =	vsel vm5, v50, v58;
	vm5 =	vlt.f32 v9, v44;
	[tilespmem:$0x1FE10] =	vst v0;
	v0 =	vimm.s32 $0x0  }
0x70: {  	v0 =	vsel vm5, $0xFFFFFFFF, v0  }
0x71: {  	[tilespmem:$0x1FE20] =	vst v0;
	v0 =	vmul.f32 v56, v56;
	_ =	sdelay $0x1  }
0x72: {  	[tilespmem:$0x1FE30] =	vst v0;
	v0 =	vld [tilespmem:$0x1FE40];
	_ =	sdelay $0x4  }
0x73: {  	v0 =	vmul.f32 v0, v0;
	_ =	sdelay $0x1  }
0x74: {  	[tilespmem:$0x1FE50] =	vst v0;
	v0 =	vld [tilespmem:$0x1FE60];
	_ =	sdelay $0x4  }
0x75: {  	v52 =	vsub.f32 v21, v5;
	[tilespmem:$0x1FB80] =	vst v5;
	v5 =	vsub.f32 v23, v29;
	v0 =	vmul.f32 v0, v0  }
0x76: {  	v1 =	vsub.f32 v10, v28  }
0x77: {  	v3 =	vsub.f32 v19, v30;
	v26 =	vsub.f32 v10, v30;
	[tilespmem:$0x1FE70] =	vst v0;
	v0 =	vmul.f32 v5, v5  }
0x78: {  	v54 =	vmul.f32 v1, v1;
	v1 =	vmul.f32 v42, v42  }
0x79: {  	[tilespmem:$0x1FE80] =	vst v0;
	v0 =	vmul.f32 v3, v3;
	v3 =	vmul.f32 v26, v26  }
0x7a: {  	v61 =	vsub.f32 v21, v30  }
0x7b: {  	v12 =	vsel vm4, v15, v49;
	vm4 =	vlt.f32 v1, v62;
	[tilespmem:$0x1FE90] =	vst v3;
	v3 =	vimm.s32 $0x0  }
0x7c: {  	v3 =	vsel vm4, $0xFFFFFFFF, v3  }
0x7d: {  	v57 =	vsub.f32 v23, v30;
	[tilespmem:$0x1FEA0] =	vst v3;
	v3 =	vmul.f32 v61, v61  }
0x7e: {  	[tilespmem:$0x1FCC0] =	vst v63  }
0x7f: {  	v43 =	vsub.f32 v63, v16;
	v63 =	vsub.f32 v10, v31;
	[tilespmem:$0x1FEB0] =	vst v3;
	v3 =	vmul.f32 v57, v57  }
0x80: {  	v2 =	vsub.f32 v23, v31  }
0x81: {  	v41 =	vsel vm4, v1, v62;
	v1 =	vsub.f32 v10, v32;
	[tilespmem:$0x1FEC0] =	vst v3;
	v3 =	vmul.f32 v63, v63  }
0x82: {  	v2 =	vmul.f32 v2, v2  }
0x83: {  	v1 =	vmul.f32 v1, v1;
	[tilespmem:$0x1FED0] =	vst v3;
	v3 =	vsub.f32 v21, v32  }
0x84: {  	[tilespmem:$0x1FEE0] =	vst v2;
	v2 =	vsub.f32 v23, v32  }
0x85: {  	[tilespmem:$0x1FEF0] =	vst v1;
	v1 =	vmul.f32 v3, v3  }
0x86: {  	v2 =	vmul.f32 v2, v2;
	v4 =	vsub.f32 v10, v33  }
0x87: {  	[tilespmem:$0x1FF00] =	vst v1;
	v1 =	vsub.f32 v21, v33  }
0x88: {  	[tilespmem:$0x1FF10] =	vst v2;
	v2 =	vmul.f32 v4, v4  }
0x89: {  	v1 =	vmul.f32 v1, v1  }
0x8a: {  	[tilespmem:$0x1FF20] =	vst v2;
	v2 =	vsub.f32 v23, v33  }
0x8b: {  	[tilespmem:$0x1FF30] =	vst v1;
	v1 =	vsub.f32 v10, v34  }
0x8c: {  	v47 =	vsub.f32 v10, v16;
	v2 =	vmul.f32 v2, v2  }
0x8d: {  	v45 =	vsub.f32 v21, v16;
	v3 =	vsub.f32 v21, v34;
	v1 =	vmul.f32 v1, v1  }
0x8e: {  	v52 =	vmul.f32 v52, v52;
	v4 =	vsub.f32 v10, v35;
	[tilespmem:$0x1FF40] =	vst v2;
	v2 =	vsub.f32 v23, v34  }
0x8f: {  	v6 =	vsub.f32 v21, v28;
	v60 =	vmul.f32 v43, v43;
	[tilespmem:$0x1FF50] =	vst v1;
	v1 =	vmul.f32 v3, v3  }
0x90: {  	v43 =	vimm.f32 $+Inf;
	v63 =	vmul.f32 v2, v2;
	v2 =	vmul.f32 v4, v4  }
0x91: {  	v53 =	vmul.f32 v47, v47;
	v47 =	vmul.f32 v45, v45;
	[tilespmem:$0x1FF60] =	vst v1;
	v1 =	vsub.f32 v21, v35  }
0x92: {  	v42 =	vimm.f32 $0.0e+00;
	v45 =	vimm.f32 $+Inf;
	[tilespmem:$0x1FF70] =	vst v2;
	v2 =	vsub.f32 v23, v35  }
0x93: {  	[tilespmem:$0x1FD00] =	vst v20;
	v39 =	vimm.s32 $0x0;
	v20 =	vimm.s32 $0x0;
	v1 =	vmul.f32 v1, v1  }
0x94: {  	[tilespmem:$0x1FD40] =	vst v19;
	v4 =	vsub.f32 v10, v36;
	v50 =	vmul.f32 v2, v2;
	v2 =	vsub.f32 v23, v27  }
0x95: {  	v19 =	vsel vm5, v9, v44;
	v9 =	vimm.f32 $0.0e+00;
	[tilespmem:$0x1FF80] =	vst v1;
	v1 =	vsub.f32 v10, v27  }
0x96: {  	v11 =	vsub.f32 v21, v31;
	v61 =	vmul.f32 v2, v2;
	v2 =	vmul.f32 v4, v4  }
0x97: {  	v49 =	vmul.f32 v6, v6;
	v3 =	vsub.f32 v21, v27;
	v1 =	vmul.f32 v1, v1  }
0x98: {  	v15 =	vsub.f32 v21, v14;
	v6 =	vimm.f32 $0.0e+00;
	[tilespmem:$0x1FFB0] =	vst v2;
	v2 =	vsub.f32 v23, v36  }
0x99: {  	v7 =	vsub.f32 v10, v18;
	v5 =	vimm.s32 $0x0;
	[tilespmem:$0x1FF90] =	vst v1;
	v1 =	vmul.f32 v3, v3  }
0x9a: {  	vm5 =	vlt.f32 v0, v12;
	v55 =	vmul.f32 v2, v2;
	v2 =	vsub.f32 v23, v37  }
0x9b: {  	v26 =	vimm.f32 $0.0e+00;
	v5 =	vsel vm5, $0xFFFFFFFF, v5;
	[tilespmem:$0x1FFA0] =	vst v1;
	v1 =	vsub.f32 v21, v36  }
0x9c: {  	[tilespmem:$0x1FFF0] =	vst v5;
	v5 =	vimm.s32 $0x0;
	v13 =	vmul.f32 v2, v2;
	v2 =	vsub.f32 v23, v18  }
0x9d: {  	v57 =	vmul.f32 v11, v11;
	v62 =	vmul.f32 v1, v1;
	v1 =	vsub.f32 v10, v37  }
0x9e: {  	v11 =	vsel vm5, v0, v12;
	v4 =	vmul.f32 v7, v7;
	v40 =	vmul.f32 v2, v2  }
0x9f: {  	v2 =	vsub.f32 v23, v14;
	v58 =	vmul.f32 v1, v1;
	v1 =	vsub.f32 v21, v18  }
0xa0: {  	[tilespmem:$0x1FFE0] =	vst v23;
	v7 =	vimm.s32 $0x0;
	v23 =	vimm.s32 $0x0;
	v3 =	vsub.f32 v21, v37  }
0xa1: {  	v44 =	vmul.f32 v2, v2;
	v8 =	vmul.f32 v1, v1;
	v1 =	vsub.f32 v10, v14  }
0xa2: {  	[tilespmem:$0x1FFD0] =	vst v21;
	v38 =	vmovc v18;
	v3 =	vmul.f32 v3, v3;
	v21 =	vimm.f32 $0.0e+00;
	v18 =	vimm.s32 $0x0  }
0xa3: {  	s13 =	simm.s32 $0xF;
	s14 =	simm.s32 $0x1F;
	s15 =	simm.s32 $0x0;
	[tilespmem:$0x1FFC0] =	vst v10;
	v10 =	vmul.f32 v15, v15;
	v15 =	vimm.f32 $0.0e+00;
	v12 =	vmul.f32 v1, v1  }
.LBB2_2:
0xa4: {  	v0 =	vimm.s32 $0x0  }
0xa5: {  	v0 =	vsel vm11, $0xFFFFFFFF, v0  }
0xa6: {  	[tilespmem:$0x1F750] =	vst v0;
	v0 =	vimm.s32 $0x0  }
0xa7: {  	v0 =	vsel vm12, $0xFFFFFFFF, v0  }
0xa8: {  	[tilespmem:$0x1F760] =	vst v0;
	v0 =	vimm.s32 $0x0  }
0xa9: {  	v0 =	vsel vm14, $0xFFFFFFFF, v0  }
0xaa: {  	[tilespmem:$0x1F770] =	vst v0;
	v0 =	vimm.s32 $0x0  }
0xab: {  	v0 =	vsel vm8, $0xFFFFFFFF, v0  }
0xac: {  	[tilespmem:$0x1F820] =	vst v0;
	v0 =	vimm.s32 $0x0  }
0xad: {  	v0 =	vsel vm9, $0xFFFFFFFF, v0  }
0xae: {  	[tilespmem:$0x1F830] =	vst v0;
	v0 =	vimm.s32 $0x0  }
0xaf: {  	v0 =	vsel vm10, $0xFFFFFFFF, v0  }
0xb0: {  	[tilespmem:$0x1F840] =	vst v0;
	v0 =	vimm.s32 $0x0  }
0xb1: {  	v0 =	vsel vm13, $0xFFFFFFFF, v0  }
0xb2: {  	[tilespmem:$0x1F850] =	vst v0;
	v0 =	vimm.s32 $0x0  }
0xb3: {  	v0 =	vsel vm15, $0xFFFFFFFF, v0  }
0xb4: {  	[tilespmem:$0x1F860] =	vst v0;
	v0 =	vld [tilespmem:$0x1FE00];
	_ =	sdelay $0x4  }
0xb5: {  	v1 =	vimm.s32 $0x0;
	vm1 =	vlt.f32 v0, v19  }
0xb6: {  	v1 =	vsel vm1, $0xFFFFFFFF, v1  }
0xb7: {  	[tilespmem:$0x1F870] =	vst v1;
	v1 =	vld [tilespmem:$0x1FE10];
	_ =	sdelay $0x4  }
0xb8: {  	v2 =	vimm.s32 $0x0;
	vm0 =	vlt.f32 v1, v41  }
0xb9: {  	v2 =	vsel vm0, $0xFFFFFFFF, v2  }
0xba: {  	[tilespmem:$0x1F780] =	vst v2;
	v2 =	vld [tilespmem:$0x1FE30]  }
0xbb: {  	v0 =	vsel vm1, v0, v19;
	v19 =	vld [tilespmem:$0x1FDB0];
	_ =	sdelay $0x3  }
0xbc: {  	vm2 =	vlt.f32 v2, v11  }
0xbd: {  	vm1 =	vlt.f32 v19, v0;
	v2 =	vsel vm2, v2, v11;
	v11 =	vimm.s32 $0x0  }
0xbe: {  	v11 =	vsel vm1, $0xFFFFFFFF, v11  }
0xbf: {  	[tilespmem:$0x1F880] =	vst v11;
	v11 =	vld [tilespmem:$0x1FDC0];
	_ =	sdelay $0x1  }
0xc0: {  	v0 =	vsel vm1, v19, v0;
	v19 =	vld [tilespmem:$0x1FD50]  }
0xc1: {  	v56 =	vimm.s32 $0x0  }
0xc2: {  	v1 =	vsel vm0, v1, v41;
	v56 =	vsel vm2, $0xFFFFFFFF, v56  }
0xc3: {  	[tilespmem:$0x1F790] =	vst v56;
	v56 =	vimm.s32 $0x0;
	vm0 =	vlt.f32 v11, v1  }
0xc4: {  	v41 =	vsel vm0, $0xFFFFFFFF, v56  }
0xc5: {  	vm1 =	vlt.f32 v19, v0;
	v1 =	vsel vm0, v11, v1;
	v11 =	vimm.s32 $0x0;
	[tilespmem:$0x1F7A0] =	vst v41;
	v41 =	vld [tilespmem:$0x1FDD0]  }
0xc6: {  	v11 =	vsel vm1, $0xFFFFFFFF, v11  }
0xc7: {  	[tilespmem:$0x1F890] =	vst v11;
	v11 =	vld [tilespmem:$0x1FD60];
	_ =	sdelay $0x2  }
0xc8: {  	v0 =	vsel vm1, v19, v0;
	v56 =	vimm.s32 $0x0;
	vm2 =	vlt.f32 v41, v2  }
0xc9: {  	vm1 =	vlt.f32 v60, v0;
	v56 =	vsel vm2, $0xFFFFFFFF, v56  }
0xca: {  	v2 =	vsel vm2, v41, v2;
	vm0 =	vlt.f32 v11, v1;
	[tilespmem:$0x1F7B0] =	vst v56;
	v56 =	vimm.s32 $0x0  }
0xcb: {  	v1 =	vsel vm0, v11, v1;
	v11 =	vimm.s32 $0x0;
	v41 =	vsel vm0, $0xFFFFFFFF, v56  }
0xcc: {  	v11 =	vsel vm1, $0xFFFFFFFF, v11;
	[tilespmem:$0x1F7C0] =	vst v41  }
0xcd: {  	vm0 =	vlt.f32 v59, v1;
	v41 =	vld [tilespmem:$0x1FD70];
	[tilespmem:$0x1F8A0] =	vst v11;
	v11 =	vimm.s32 $0x0  }
0xce: {  	v11 =	vsel vm0, $0xFFFFFFFF, v11  }
0xcf: {  	[tilespmem:$0x1F7E0] =	vst v11;
	v11 =	vld [tilespmem:$0x1FD20];
	_ =	sdelay $0x2  }
0xd0: {  	vm2 =	vlt.f32 v41, v2  }
0xd1: {  	v56 =	vimm.s32 $0x0;
	v2 =	vsel vm2, v41, v2  }
0xd2: {  	v19 =	vimm.s32 $0x0;
	v56 =	vsel vm2, $0xFFFFFFFF, v56;
	v41 =	vld [tilespmem:$0x1FCA0];
	vm2 =	vlt.f32 v11, v2  }
0xd3: {  	v19 =	vsel vm2, $0xFFFFFFFF, v19  }
0xd4: {  	[tilespmem:$0x1F7F0] =	vst v19;
	v19 =	vld [tilespmem:$0x1FCD0];
	_ =	sdelay $0x1  }
0xd5: {  	v0 =	vsel vm1, v60, v0  }
0xd6: {  	v2 =	vsel vm2, v11, v2;
	v11 =	vimm.s32 $0x0;
	vm1 =	vlt.f32 v41, v0  }
0xd7: {  	v1 =	vsel vm0, v59, v1;
	v11 =	vsel vm1, $0xFFFFFFFF, v11  }
0xd8: {  	[tilespmem:$0x1F8B0] =	vst v11;
	v11 =	vimm.s32 $0x0;
	vm0 =	vlt.f32 v19, v1  }
0xd9: {  	v11 =	vsel vm0, $0xFFFFFFFF, v11  }
0xda: {  	[tilespmem:$0x1F800] =	vst v11;
	v11 =	vld [tilespmem:$0x1FCE0];
	_ =	sdelay $0x3  }
0xdb: {  	v0 =	vsel vm1, v41, v0  }
0xdc: {  	[tilespmem:$0x1F970] =	vst v0;
	v0 =	vsel vm0, v19, v1;
	vm2 =	vlt.f32 v11, v2  }
0xdd: {  	[tilespmem:$0x1F980] =	vst v0;
	v0 =	vsel vm2, v11, v2  }
0xde: {  	vm5 =	vlt.f32 v12, v22;
	[tilespmem:$0x1F990] =	vst v0;
	v0 =	vimm.s32 $0x0  }
0xdf: {  	v0 =	vsel vm5, $0xFFFFFFFF, v0  }
0xe0: {  	vm4 =	vlt.f32 v10, v43;
	[tilespmem:$0x1F640] =	vst v0;
	v0 =	vimm.s32 $0x0  }
0xe1: {  	v1 =	vsel vm4, v10, v43;
	v0 =	vsel vm4, $0xFFFFFFFF, v0  }
0xe2: {  	vm14 =	vlt.f32 v8, v1;
	[tilespmem:$0x1F650] =	vst v0;
	v0 =	vsel vm5, v12, v22  }
0xe3: {  	vm13 =	vlt.f32 v44, v45;
	v1 =	vsel vm14, v8, v1;
	vm1 =	vlt.f32 v4, v0  }
0xe4: {  	v10 =	vimm.s32 $0x0;
	vm5 =	vlt.f32 v3, v1;
	v0 =	vsel vm1, v4, v0  }
0xe5: {  	v10 =	vsel vm1, $0xFFFFFFFF, v10;
	v4 =	vimm.s32 $0x0;
	vm1 =	vlt.f32 v58, v0  }
0xe6: {  	v2 =	vsel vm13, v44, v45;
	v1 =	vsel vm5, v3, v1;
	v3 =	vld [tilespmem:$0x1FFB0];
	v4 =	vsel vm1, $0xFFFFFFFF, v4  }
0xe7: {  	vm11 =	vlt.f32 v40, v2;
	[tilespmem:$0x1F670] =	vst v4;
	v4 =	vimm.s32 $0x0  }
0xe8: {  	v2 =	vsel vm11, v40, v2;
	v4 =	vsel vm5, $0xFFFFFFFF, v4  }
0xe9: {  	vm4 =	vlt.f32 v13, v2;
	[tilespmem:$0x1F530] =	vst v4;
	v4 =	vimm.s32 $0x0  }
0xea: {  	v0 =	vsel vm1, v58, v0;
	v4 =	vsel vm4, $0xFFFFFFFF, v4  }
0xeb: {  	vm1 =	vlt.f32 v3, v0;
	[tilespmem:$0x1F540] =	vst v4;
	v4 =	vimm.s32 $0x0  }
0xec: {  	v4 =	vsel vm1, $0xFFFFFFFF, v4  }
0xed: {  	vm0 =	vlt.f32 v62, v1;
	[tilespmem:$0x1F680] =	vst v4;
	v4 =	vimm.s32 $0x0  }
0xee: {  	v60 =	vimm.s32 $0x0;
	[tilespmem:$0x1F7D0] =	vst v56;
	v2 =	vsel vm4, v13, v2;
	v4 =	vsel vm0, $0xFFFFFFFF, v4  }
0xef: {  	v56 =	vsel vm2, $0xFFFFFFFF, v60;
	vm2 =	vlt.f32 v55, v2;
	[tilespmem:$0x1F550] =	vst v4;
	v4 =	vimm.s32 $0x0  }
0xf0: {  	v4 =	vsel vm2, $0xFFFFFFFF, v4  }
0xf1: {  	[tilespmem:$0x1F560] =	vst v4;
	v4 =	vld [tilespmem:$0x1FF90];
	_ =	sdelay $0x3  }
0xf2: {  	v0 =	vsel vm1, v3, v0  }
0xf3: {  	v3 =	vimm.s32 $0x0;
	vm1 =	vlt.f32 v4, v0  }
0xf4: {  	v3 =	vsel vm1, $0xFFFFFFFF, v3  }
0xf5: {  	[tilespmem:$0x1F690] =	vst v3;
	v3 =	vld [tilespmem:$0x1FFA0];
	_ =	sdelay $0x3  }
0xf6: {  	v1 =	vsel vm0, v62, v1  }
0xf7: {  	vm0 =	vlt.f32 v3, v1  }
0xf8: {  	v1 =	vsel vm0, v3, v1;
	v3 =	vld [tilespmem:$0x1FF70];
	_ =	sdelay $0x3  }
0xf9: {  	v0 =	vsel vm1, v4, v0  }
0xfa: {  	v4 =	vimm.s32 $0x0;
	vm1 =	vlt.f32 v3, v0  }
0xfb: {  	v4 =	vsel vm1, $0xFFFFFFFF, v4  }
0xfc: {  	[tilespmem:$0x1F6A0] =	vst v4;
	v4 =	vld [tilespmem:$0x1FF80];
	_ =	sdelay $0x3  }
0xfd: {  	v8 =	vimm.s32 $0x0  }
0xfe: {  	v8 =	vsel vm0, $0xFFFFFFFF, v8;
	vm0 =	vlt.f32 v4, v1  }
0xff: {  	v1 =	vsel vm0, v4, v1;
	v4 =	vld [tilespmem:$0x1FF50];
	_ =	sdelay $0x3  }
0x100: {  	v0 =	vsel vm1, v3, v0  }
0x101: {  	v3 =	vimm.s32 $0x0;
	vm1 =	vlt.f32 v4, v0  }
0x102: {  	v3 =	vsel vm1, $0xFFFFFFFF, v3  }
0x103: {  	[tilespmem:$0x1F6B0] =	vst v3;
	v3 =	vld [tilespmem:$0x1FF60]  }
0x104: {  	v2 =	vsel vm2, v55, v2  }
0x105: {  	vm2 =	vlt.f32 v61, v2;
	[tilespmem:$0x1F570] =	vst v8;
	v8 =	vimm.s32 $0x0  }
0x106: {  	v8 =	vsel vm2, $0xFFFFFFFF, v8  }
0x107: {  	[tilespmem:$0x1F580] =	vst v8;
	v8 =	vimm.s32 $0x0  }
0x108: {  	v8 =	vsel vm0, $0xFFFFFFFF, v8;
	vm0 =	vlt.f32 v3, v1  }
0x109: {  	v1 =	vsel vm0, v3, v1;
	v3 =	vld [tilespmem:$0x1FF20];
	_ =	sdelay $0x3  }
0x10a: {  	v0 =	vsel vm1, v4, v0  }
0x10b: {  	v4 =	vimm.s32 $0x0;
	vm1 =	vlt.f32 v3, v0  }
0x10c: {  	v4 =	vsel vm1, $0xFFFFFFFF, v4  }
0x10d: {  	[tilespmem:$0x1F6C0] =	vst v4;
	v4 =	vld [tilespmem:$0x1FF30];
	_ =	sdelay $0x3  }
0x10e: {  	[tilespmem:$0x1F590] =	vst v8;
	v8 =	vimm.s32 $0x0  }
0x10f: {  	v8 =	vsel vm0, $0xFFFFFFFF, v8;
	vm0 =	vlt.f32 v4, v1  }
0x110: {  	v1 =	vsel vm0, v4, v1;
	v4 =	vld [tilespmem:$0x1FEF0];
	_ =	sdelay $0x3  }
0x111: {  	v0 =	vsel vm1, v3, v0  }
0x112: {  	v3 =	vimm.s32 $0x0;
	vm1 =	vlt.f32 v4, v0  }
0x113: {  	v3 =	vsel vm1, $0xFFFFFFFF, v3  }
0x114: {  	[tilespmem:$0x1F6D0] =	vst v3;
	v3 =	vld [tilespmem:$0x1FF00];
	_ =	sdelay $0x1  }
0x115: {  	[tilespmem:$0x1F5A0] =	vst v8;
	v8 =	vimm.s32 $0x0  }
0x116: {  	v8 =	vsel vm0, $0xFFFFFFFF, v8  }
0x117: {  	v2 =	vsel vm2, v61, v2;
	[tilespmem:$0x1F5B0] =	vst v8;
	v8 =	vld [tilespmem:$0x1FF40]  }
0x118: {  	vm15 =	vlt.f32 v50, v2;
	vm0 =	vlt.f32 v3, v1  }
0x119: {  	v2 =	vsel vm15, v50, v2;
	v1 =	vsel vm0, v3, v1;
	v3 =	vld [tilespmem:$0x1FED0]  }
0x11a: {  	vm12 =	vlt.f32 v63, v2  }
0x11b: {  	v2 =	vsel vm12, v63, v2  }
0x11c: {  	vm9 =	vlt.f32 v8, v2  }
0x11d: {  	v0 =	vsel vm1, v4, v0;
	v2 =	vsel vm9, v8, v2;
	v8 =	vimm.s32 $0x0  }
0x11e: {  	v4 =	vimm.s32 $0x0;
	v8 =	vsel vm0, $0xFFFFFFFF, v8;
	vm1 =	vlt.f32 v3, v0  }
0x11f: {  	[tilespmem:$0x1F5C0] =	vst v8;
	v4 =	vsel vm1, $0xFFFFFFFF, v4  }
0x120: {  	v8 =	vld [tilespmem:$0x1FF10];
	vm0 =	vlt.f32 v57, v1;
	[tilespmem:$0x1F6E0] =	vst v4;
	v4 =	vimm.s32 $0x0  }
0x121: {  	v4 =	vsel vm0, $0xFFFFFFFF, v4  }
0x122: {  	[tilespmem:$0x1F5D0] =	vst v4;
	v4 =	vld [tilespmem:$0x1FEE0]  }
0x123: {  	v0 =	vsel vm1, v3, v0;
	v3 =	vld [tilespmem:$0x1FE90];
	_ =	sdelay $0x1  }
0x124: {  	vm7 =	vlt.f32 v8, v2  }
0x125: {  	v2 =	vsel vm7, v8, v2  }
0x126: {  	vm6 =	vlt.f32 v4, v2  }
0x127: {  	vm1 =	vlt.f32 v3, v0;
	v2 =	vsel vm6, v4, v2;
	v4 =	vimm.s32 $0x0  }
0x128: {  	v4 =	vsel vm1, $0xFFFFFFFF, v4  }
0x129: {  	[tilespmem:$0x1F6F0] =	vst v4;
	v4 =	vld [tilespmem:$0x1FEB0];
	_ =	sdelay $0x3  }
0x12a: {  	v1 =	vsel vm0, v57, v1  }
0x12b: {  	vm0 =	vlt.f32 v4, v1  }
0x12c: {  	v1 =	vsel vm0, v4, v1;
	v4 =	vld [tilespmem:$0x1FE50];
	_ =	sdelay $0x2  }
0x12d: {  	v8 =	vimm.s32 $0x0  }
0x12e: {  	v0 =	vsel vm1, v3, v0;
	v8 =	vsel vm0, $0xFFFFFFFF, v8  }
0x12f: {  	v3 =	vimm.s32 $0x0;
	[tilespmem:$0x1F5E0] =	vst v8;
	v8 =	vld [tilespmem:$0x1FEC0];
	vm1 =	vlt.f32 v4, v0  }
0x130: {  	v3 =	vsel vm1, $0xFFFFFFFF, v3  }
0x131: {  	[tilespmem:$0x1F700] =	vst v3;
	v3 =	vld [tilespmem:$0x1FE70];
	_ =	sdelay $0x2  }
0x132: {  	vm5 =	vlt.f32 v8, v2  }
0x133: {  	v0 =	vsel vm1, v4, v0;
	v2 =	vsel vm5, v8, v2  }
0x134: {  	v8 =	vimm.s32 $0x0;
	vm1 =	vlt.f32 v54, v0;
	vm0 =	vlt.f32 v3, v1  }
0x135: {  	v8 =	vsel vm0, $0xFFFFFFFF, v8;
	v1 =	vsel vm0, v3, v1;
	v3 =	vimm.s32 $0x0  }
0x136: {  	[tilespmem:$0x1F5F0] =	vst v8;
	v3 =	vsel vm1, $0xFFFFFFFF, v3  }
0x137: {  	v8 =	vld [tilespmem:$0x1FE80];
	vm0 =	vlt.f32 v49, v1;
	[tilespmem:$0x1F710] =	vst v3;
	v3 =	vimm.s32 $0x0  }
0x138: {  	v3 =	vsel vm0, $0xFFFFFFFF, v3  }
0x139: {  	[tilespmem:$0x1F600] =	vst v3;
	v3 =	vld [tilespmem:$0x1FDF0];
	_ =	sdelay $0x2  }
0x13a: {  	vm4 =	vlt.f32 v8, v2  }
0x13b: {  	v2 =	vsel vm4, v8, v2  }
0x13c: {  	vm3 =	vlt.f32 v3, v2  }
0x13d: {  	v2 =	vsel vm3, v3, v2;
	v3 =	vld [tilespmem:$0x1FD80];
	_ =	sdelay $0x3  }
0x13e: {  	v0 =	vsel vm1, v54, v0  }
0x13f: {  	v1 =	vsel vm0, v49, v1;
	vm1 =	vlt.f32 v3, v0  }
0x140: {  	v4 =	vimm.s32 $0x0;
	vm0 =	vlt.f32 v48, v1;
	v0 =	vsel vm1, v3, v0  }
0x141: {  	v4 =	vsel vm1, $0xFFFFFFFF, v4;
	v3 =	vimm.s32 $0x0;
	vm8 =	vlt.f32 v53, v0  }
0x142: {  	v1 =	vsel vm0, v48, v1;
	[tilespmem:$0x1F720] =	vst v4;
	v4 =	vimm.s32 $0x0;
	v3 =	vsel vm8, $0xFFFFFFFF, v3  }
0x143: {  	v4 =	vsel vm0, $0xFFFFFFFF, v4;
	vm0 =	vlt.f32 v47, v1;
	[tilespmem:$0x1F730] =	vst v3;
	v3 =	vimm.s32 $0x0  }
0x144: {  	[tilespmem:$0x1F610] =	vst v4;
	v4 =	vld [tilespmem:$0x1FDA0];
	v3 =	vsel vm0, $0xFFFFFFFF, v3  }
0x145: {  	[tilespmem:$0x1F620] =	vst v3;
	v3 =	vld [tilespmem:$0x1FCF0];
	_ =	sdelay $0x3  }
0x146: {  	v0 =	vsel vm8, v53, v0;
	vm2 =	vlt.f32 v4, v2  }
0x147: {  	v2 =	vsel vm2, v4, v2;
	vm10 =	vlt.f32 v3, v0  }
0x148: {  	v1 =	vsel vm0, v47, v1;
	vm1 =	vlt.f32 v46, v2;
	v0 =	vsel vm10, v3, v0;
	v3 =	vld [tilespmem:$0x1F530]  }
0x149: {  	vm8 =	vlt.f32 v52, v1;
	v2 =	vsel vm1, v46, v2  }
0x14a: {  	vm0 =	vlt.f32 v51, v2;
	[tilespmem:$0x1FA20] =	vst v0;
	v0 =	vsel vm8, v52, v1  }
0x14b: {  	[tilespmem:$0x1FB10] =	vst v0;
	v0 =	vsel vm0, v51, v2  }
0x14c: {  	s16 =	sadd.s32 $0xFFFFFFF1, s13;
	[tilespmem:$0x1F9F0] =	vst v0;
	v0 =	vld [tilespmem:$0x1F650]  }
0x14d: {  	v1 =	vsel vm13, s16, v5;
	v2 =	vsel vm13, v14, v6;
	vm13 =	vnez.u8 v3;
	v3 =	vld [tilespmem:$0x1F540]  }
0x14e: {  	v4 =	vimm.s32 $0x0  }
0x14f: {  	v4 =	vsel vm10, $0xFFFFFFFF, v4  }
0x150: {  	[tilespmem:$0x1F740] =	vst v4;
	v4 =	vimm.s32 $0x0  }
0x151: {  	v4 =	vsel vm8, $0xFFFFFFFF, v4;
	vm8 =	vnez.u8 v0  }
0x152: {  	v0 =	vsel vm8, v14, v42;
	vm8 =	vnez.u8 v3;
	v3 =	vld [tilespmem:$0x1F550];
	_ =	sdelay $0x3  }
0x153: {  	s17 =	sadd.s32 $0xFFFFFFF2, s13  }
0x154: {  	v1 =	vsel vm11, s17, v1;
	v2 =	vsel vm11, v38, v2;
	vm11 =	vnez.u8 v3;
	v3 =	vld [tilespmem:$0x1F560];
	_ =	sdelay $0x3  }
0x155: {  	s18 =	sadd.s32 $0xFFFFFFF3, s13  }
0x156: {  	v1 =	vsel vm8, s18, v1;
	v2 =	vsel vm8, v37, v2;
	vm8 =	vnez.u8 v3;
	v3 =	vld [tilespmem:$0x1F570];
	_ =	sdelay $0x4  }
0x157: {  	vm10 =	vnez.u8 v3;
	v3 =	vld [tilespmem:$0x1F580];
	_ =	sdelay $0x3  }
0x158: {  	s19 =	sadd.s32 $0xFFFFFFF4, s13  }
0x159: {  	v1 =	vsel vm8, s19, v1;
	v2 =	vsel vm8, v36, v2;
	vm8 =	vnez.u8 v3;
	v3 =	vld [tilespmem:$0x1F590];
	_ =	sdelay $0x3  }
0x15a: {  	s20 =	sadd.s32 $0xFFFFFFF5, s13  }
0x15b: {  	v1 =	vsel vm8, s20, v1;
	v2 =	vsel vm8, v27, v2;
	vm8 =	vnez.u8 v3;
	v3 =	vld [tilespmem:$0x1F5A0];
	_ =	sdelay $0x3  }
0x15c: {  	s21 =	sadd.s32 $0xFFFFFFF6, s13  }
0x15d: {  	v1 =	vsel vm15, s21, v1;
	v2 =	vsel vm15, v35, v2;
	vm15 =	vnez.u8 v3;
	v3 =	vld [tilespmem:$0x1F5B0];
	_ =	sdelay $0x3  }
0x15e: {  	s22 =	sadd.s32 $0xFFFFFFF7, s13  }
0x15f: {  	v1 =	vsel vm12, s22, v1;
	v2 =	vsel vm12, v34, v2;
	vm12 =	vnez.u8 v3;
	v3 =	vld [tilespmem:$0x1F5C0];
	_ =	sdelay $0x3  }
0x160: {  	s23 =	sadd.s32 $0xFFFFFFF8, s13  }
0x161: {  	v1 =	vsel vm9, s23, v1;
	v2 =	vsel vm9, v33, v2;
	vm9 =	vnez.u8 v3;
	v3 =	vld [tilespmem:$0x1F5D0];
	_ =	sdelay $0x3  }
0x162: {  	s24 =	sadd.s32 $0xFFFFFFF9, s13  }
0x163: {  	v1 =	vsel vm7, s24, v1;
	v2 =	vsel vm7, v32, v2;
	vm7 =	vnez.u8 v3;
	v3 =	vld [tilespmem:$0x1F5E0];
	_ =	sdelay $0x3  }
0x164: {  	s25 =	sadd.s32 $0xFFFFFFFA, s13  }
0x165: {  	v1 =	vsel vm6, s25, v1;
	v2 =	vsel vm6, v31, v2;
	vm6 =	vnez.u8 v3;
	v3 =	vld [tilespmem:$0x1F5F0];
	_ =	sdelay $0x3  }
0x166: {  	s28 =	sadd.s32 $0xFFFFFFFB, s13  }
0x167: {  	v1 =	vsel vm5, s28, v1;
	v2 =	vsel vm5, v30, v2;
	vm5 =	vnez.u8 v3;
	v3 =	vld [tilespmem:$0x1F600];
	_ =	sdelay $0x3  }
0x168: {  	s26 =	sadd.s32 $0xFFFFFFFC, s13  }
0x169: {  	v1 =	vsel vm4, s26, v1;
	v2 =	vsel vm4, v29, v2;
	vm4 =	vnez.u8 v3;
	v3 =	vld [tilespmem:$0x1F610]  }
0x16a: {  	v0 =	vsel vm14, v38, v0  }
0x16b: {  	v0 =	vsel vm13, v37, v0  }
0x16c: {  	v0 =	vsel vm11, v36, v0  }
0x16d: {  	s29 =	sadd.s32 $0xFFFFFFFD, s13;
	v0 =	vsel vm10, v27, v0  }
0x16e: {  	v1 =	vsel vm3, s29, v1;
	v2 =	vsel vm3, v28, v2;
	vm3 =	vnez.u8 v3;
	v3 =	vld [tilespmem:$0x1F620]  }
0x16f: {  	v0 =	vsel vm8, v35, v0  }
0x170: {  	v0 =	vsel vm15, v34, v0  }
0x171: {  	s30 =	sadd.s32 $0xFFFFFFFE, s13;
	v0 =	vsel vm12, v33, v0  }
0x172: {  	[tilespmem:$0x1F630] =	vst v4;
	v1 =	vsel vm2, s30, v1;
	v0 =	vsel vm9, v32, v0  }
0x173: {  	v2 =	vsel vm2, v17, v2;
	v0 =	vsel vm7, v31, v0;
	vm2 =	vnez.u8 v3;
	v3 =	vld [tilespmem:$0x1F630]  }
0x174: {  	v4 =	vld [tilespmem:$0x1FB80];
	v0 =	vsel vm6, v30, v0  }
0x175: {  	v0 =	vsel vm5, v29, v0  }
0x176: {  	s31 =	sadd.s32 $0xFFFFFFFF, s13;
	v0 =	vsel vm4, v28, v0  }
0x177: {  	v1 =	vsel vm1, s31, v1;
	v0 =	vsel vm3, v17, v0  }
0x178: {  	v2 =	vsel vm1, v16, v2;
	v0 =	vsel vm2, v16, v0;
	vm1 =	vnez.u8 v3  }
0x179: {  	v0 =	vsel vm1, v4, v0  }
0x17a: {  	[tilespmem:$0x1FB00] =	vst v0;
	v0 =	vsel vm0, s13, v1  }
0x17b: {  	[tilespmem:$0x1F950] =	vst v0;
	v0 =	vsel vm0, v4, v2  }
0x17c: {  	[tilespmem:$0x1FAD0] =	vst v0;
	v0 =	vld [tilespmem:$0x1F640]  }
0x17d: {  	[tilespmem:$0x1F660] =	vst v10;
	v2 =	vld [tilespmem:$0x1F650]  }
0x17e: {  	v3 =	vld [tilespmem:$0x1F660];
	_ =	sdelay $0x2  }
0x17f: {  	vm0 =	vnez.u8 v0  }
0x180: {  	v0 =	vsel vm0, s16, v39;
	v1 =	vsel vm0, v14, v9;
	vm0 =	vnez.u8 v2  }
0x181: {  	v2 =	vsel vm0, s16, v7;
	vm0 =	vnez.u8 v3;
	v3 =	vld [tilespmem:$0x1F670];
	_ =	sdelay $0x4  }
0x182: {  	v0 =	vsel vm0, s17, v0;
	v1 =	vsel vm0, v38, v1;
	vm0 =	vnez.u8 v3;
	v3 =	vld [tilespmem:$0x1F680];
	_ =	sdelay $0x4  }
0x183: {  	v0 =	vsel vm0, s18, v0;
	v1 =	vsel vm0, v37, v1;
	vm0 =	vnez.u8 v3;
	v3 =	vld [tilespmem:$0x1F690];
	_ =	sdelay $0x4  }
0x184: {  	v0 =	vsel vm0, s19, v0;
	v1 =	vsel vm0, v36, v1;
	vm0 =	vnez.u8 v3;
	v3 =	vld [tilespmem:$0x1F6A0];
	_ =	sdelay $0x4  }
0x185: {  	v0 =	vsel vm0, s20, v0;
	v1 =	vsel vm0, v27, v1;
	vm0 =	vnez.u8 v3;
	v3 =	vld [tilespmem:$0x1F6B0];
	_ =	sdelay $0x4  }
0x186: {  	v0 =	vsel vm0, s21, v0;
	v1 =	vsel vm0, v35, v1;
	vm0 =	vnez.u8 v3;
	v3 =	vld [tilespmem:$0x1F6C0];
	_ =	sdelay $0x4  }
0x187: {  	v0 =	vsel vm0, s22, v0;
	v1 =	vsel vm0, v34, v1;
	vm0 =	vnez.u8 v3;
	v3 =	vld [tilespmem:$0x1F6D0];
	_ =	sdelay $0x4  }
0x188: {  	v0 =	vsel vm0, s23, v0;
	v1 =	vsel vm0, v33, v1;
	vm0 =	vnez.u8 v3;
	v3 =	vld [tilespmem:$0x1F6E0];
	_ =	sdelay $0x4  }
0x189: {  	v0 =	vsel vm0, s24, v0;
	v1 =	vsel vm0, v32, v1;
	vm0 =	vnez.u8 v3;
	v3 =	vld [tilespmem:$0x1F6F0];
	_ =	sdelay $0x2  }
0x18a: {  	v2 =	vsel vm14, s17, v2  }
0x18b: {  	v2 =	vsel vm13, s18, v2  }
0x18c: {  	v0 =	vsel vm0, s25, v0;
	v1 =	vsel vm0, v31, v1;
	vm0 =	vnez.u8 v3;
	v3 =	vld [tilespmem:$0x1F700]  }
0x18d: {  	v2 =	vsel vm11, s19, v2  }
0x18e: {  	v2 =	vsel vm10, s20, v2  }
0x18f: {  	v2 =	vsel vm8, s21, v2  }
0x190: {  	v2 =	vsel vm15, s22, v2  }
0x191: {  	v0 =	vsel vm0, s28, v0;
	v1 =	vsel vm0, v30, v1;
	vm0 =	vnez.u8 v3;
	v3 =	vld [tilespmem:$0x1F710]  }
0x192: {  	v2 =	vsel vm12, s23, v2  }
0x193: {  	v2 =	vsel vm9, s24, v2  }
0x194: {  	v2 =	vsel vm7, s25, v2  }
0x195: {  	v2 =	vsel vm6, s28, v2  }
0x196: {  	v2 =	vsel vm5, s26, v2;
	vm5 =	vnez.u8 v3;
	v3 =	vld [tilespmem:$0x1F720];
	_ =	sdelay $0x4  }
0x197: {  	v2 =	vsel vm4, s29, v2;
	vm4 =	vnez.u8 v3;
	v3 =	vld [tilespmem:$0x1F730];
	_ =	sdelay $0x3  }
0x198: {  	v0 =	vsel vm0, s26, v0;
	v1 =	vsel vm0, v29, v1  }
0x199: {  	v0 =	vsel vm5, s29, v0;
	v1 =	vsel vm5, v28, v1;
	vm5 =	vnez.u8 v3;
	v3 =	vld [tilespmem:$0x1F740];
	_ =	sdelay $0x3  }
0x19a: {  	v0 =	vsel vm4, s30, v0  }
0x19b: {  	v1 =	vsel vm4, v17, v1;
	v0 =	vsel vm5, s31, v0;
	vm4 =	vnez.u8 v3;
	v3 =	vld [tilespmem:$0x1F750]  }
0x19c: {  	v2 =	vsel vm3, s30, v2;
	v1 =	vsel vm5, v16, v1;
	v0 =	vsel vm4, s13, v0  }
0x19d: {  	v2 =	vsel vm2, s31, v2;
	[tilespmem:$0x1FAA0] =	vst v0;
	v0 =	vsel vm4, v4, v1  }
0x19e: {  	[tilespmem:$0x1FAF0] =	vst v0;
	v0 =	vsel vm1, s13, v2  }
0x19f: {  	[tilespmem:$0x1F960] =	vst v0;
	v0 =	vld [tilespmem:$0x1F830]  }
0x1a0: {  	vm15 =	vnez.u8 v3;
	v3 =	vld [tilespmem:$0x1FBA0];
	_ =	sdelay $0x3  }
0x1a1: {  	vm5 =	vnez.u8 v0  }
0x1a2: {  	v0 =	vsel vm5, v14, v15;
	vm5 =	vnez.u8 v3;
	v3 =	vld [tilespmem:$0x1F760];
	_ =	sdelay $0x3  }
0x1a3: {  	v1 =	vld [tilespmem:$0x1FB90]  }
0x1a4: {  	vm14 =	vnez.u8 v3;
	v3 =	vld [tilespmem:$0x1FBB0];
	_ =	sdelay $0x3  }
0x1a5: {  	vm4 =	vnez.u8 v1  }
0x1a6: {  	v1 =	vsel vm4, s16, v23;
	v2 =	vsel vm4, v14, v26;
	vm4 =	vnez.u8 v3;
	v3 =	vld [tilespmem:$0x1F770];
	_ =	sdelay $0x4  }
0x1a7: {  	vm13 =	vnez.u8 v3;
	v3 =	vld [tilespmem:$0x1FBC0];
	_ =	sdelay $0x4  }
0x1a8: {  	v1 =	vsel vm5, s17, v1;
	v2 =	vsel vm5, v38, v2;
	vm5 =	vnez.u8 v3;
	v3 =	vld [tilespmem:$0x1FBE0];
	_ =	sdelay $0x4  }
0x1a9: {  	vm0 =	vnez.u8 v3;
	v3 =	vld [tilespmem:$0x1FBF0];
	_ =	sdelay $0x4  }
0x1aa: {  	v1 =	vsel vm4, s18, v1;
	v2 =	vsel vm4, v37, v2;
	vm4 =	vnez.u8 v3;
	v3 =	vld [tilespmem:$0x1FC10];
	_ =	sdelay $0x4  }
0x1ab: {  	vm2 =	vnez.u8 v3;
	v3 =	vld [tilespmem:$0x1FC20];
	_ =	sdelay $0x4  }
0x1ac: {  	v1 =	vsel vm5, s19, v1;
	v2 =	vsel vm5, v36, v2;
	vm5 =	vnez.u8 v3;
	v3 =	vld [tilespmem:$0x1FC40];
	_ =	sdelay $0x4  }
0x1ad: {  	vm3 =	vnez.u8 v3;
	v3 =	vld [tilespmem:$0x1FC50];
	_ =	sdelay $0x4  }
0x1ae: {  	v1 =	vsel vm4, s20, v1;
	v2 =	vsel vm4, v27, v2;
	vm4 =	vnez.u8 v3;
	v3 =	vld [tilespmem:$0x1FC70];
	_ =	sdelay $0x3  }
0x1af: {  	v1 =	vsel vm5, s21, v1;
	v2 =	vsel vm5, v35, v2  }
0x1b0: {  	v1 =	vsel vm4, s22, v1;
	v2 =	vsel vm4, v34, v2;
	vm4 =	vnez.u8 v3;
	v3 =	vld [tilespmem:$0x1FC80];
	_ =	sdelay $0x4  }
0x1b1: {  	vm5 =	vnez.u8 v3;
	v3 =	vld [tilespmem:$0x1FCB0];
	_ =	sdelay $0x4  }
0x1b2: {  	v1 =	vsel vm5, s23, v1;
	v2 =	vsel vm5, v33, v2;
	vm5 =	vnez.u8 v3;
	v3 =	vld [tilespmem:$0x1FD00];
	_ =	sdelay $0x4  }
0x1b3: {  	vm1 =	vnez.u8 v3;
	v3 =	vld [tilespmem:$0x1FD90];
	_ =	sdelay $0x4  }
0x1b4: {  	vm6 =	vnez.u8 v3;
	v3 =	vld [tilespmem:$0x1FDE0];
	_ =	sdelay $0x4  }
0x1b5: {  	v1 =	vsel vm1, s24, v1;
	v2 =	vsel vm1, v32, v2;
	vm1 =	vnez.u8 v3;
	v3 =	vld [tilespmem:$0x1FEA0];
	_ =	sdelay $0x4  }
0x1b6: {  	vm7 =	vnez.u8 v3;
	v3 =	vld [tilespmem:$0x1FFF0];
	_ =	sdelay $0x4  }
0x1b7: {  	v1 =	vsel vm1, s25, v1;
	v2 =	vsel vm1, v31, v2;
	vm1 =	vnez.u8 v3;
	v3 =	vld [tilespmem:$0x1F780];
	_ =	sdelay $0x4  }
0x1b8: {  	vm8 =	vnez.u8 v3;
	v3 =	vld [tilespmem:$0x1F790];
	_ =	sdelay $0x4  }
0x1b9: {  	v1 =	vsel vm1, s28, v1;
	v2 =	vsel vm1, v30, v2;
	vm1 =	vnez.u8 v3;
	v3 =	vld [tilespmem:$0x1F7A0];
	_ =	sdelay $0x4  }
0x1ba: {  	vm9 =	vnez.u8 v3;
	v3 =	vld [tilespmem:$0x1F7B0];
	_ =	sdelay $0x4  }
0x1bb: {  	v1 =	vsel vm1, s26, v1;
	v2 =	vsel vm1, v29, v2;
	vm1 =	vnez.u8 v3;
	v3 =	vld [tilespmem:$0x1F7C0];
	_ =	sdelay $0x4  }
0x1bc: {  	vm10 =	vnez.u8 v3;
	v3 =	vld [tilespmem:$0x1F7D0];
	_ =	sdelay $0x4  }
0x1bd: {  	v1 =	vsel vm1, s29, v1;
	v2 =	vsel vm1, v28, v2;
	vm1 =	vnez.u8 v3;
	v3 =	vld [tilespmem:$0x1F7E0]  }
0x1be: {  	v0 =	vsel vm15, v38, v0  }
0x1bf: {  	v0 =	vsel vm14, v37, v0  }
0x1c0: {  	v0 =	vsel vm13, v36, v0  }
0x1c1: {  	v0 =	vsel vm0, v27, v0  }
0x1c2: {  	v0 =	vsel vm2, v35, v0;
	vm11 =	vnez.u8 v3;
	v3 =	vld [tilespmem:$0x1F7F0]  }
0x1c3: {  	v0 =	vsel vm3, v34, v0  }
0x1c4: {  	v0 =	vsel vm4, v33, v0  }
0x1c5: {  	v0 =	vsel vm5, v32, v0  }
0x1c6: {  	v0 =	vsel vm6, v31, v0  }
0x1c7: {  	v1 =	vsel vm1, s30, v1;
	v2 =	vsel vm1, v17, v2;
	vm1 =	vnez.u8 v3;
	v3 =	vld [tilespmem:$0x1F800]  }
0x1c8: {  	v0 =	vsel vm7, v30, v0  }
0x1c9: {  	v0 =	vsel vm8, v29, v0  }
0x1ca: {  	v0 =	vsel vm9, v28, v0  }
0x1cb: {  	v0 =	vsel vm10, v17, v0  }
0x1cc: {  	v0 =	vsel vm11, v16, v0;
	vm12 =	vnez.u8 v3  }
0x1cd: {  	[tilespmem:$0x1F810] =	vst v56;
	v0 =	vsel vm12, v4, v0  }
0x1ce: {  	[tilespmem:$0x1FAC0] =	vst v0;
	v0 =	vld [tilespmem:$0x1F810];
	_ =	sdelay $0x4  }
0x1cf: {  	v1 =	vsel vm1, s31, v1;
	v2 =	vsel vm1, v16, v2;
	vm1 =	vnez.u8 v0  }
0x1d0: {  	v0 =	vsel vm1, s13, v1  }
0x1d1: {  	[tilespmem:$0x1FA60] =	vst v0;
	v0 =	vsel vm1, v4, v2  }
0x1d2: {  	[tilespmem:$0x1F9B0] =	vst v0;
	v0 =	vld [tilespmem:$0x1F820]  }
0x1d3: {  	v2 =	vld [tilespmem:$0x1F830]  }
0x1d4: {  	v3 =	vld [tilespmem:$0x1F840];
	_ =	sdelay $0x2  }
0x1d5: {  	vm1 =	vnez.u8 v0  }
0x1d6: {  	v0 =	vsel vm1, s16, v20;
	v1 =	vsel vm1, v14, v21;
	vm1 =	vnez.u8 v2  }
0x1d7: {  	v2 =	vsel vm1, s16, v18;
	vm1 =	vnez.u8 v3;
	v3 =	vld [tilespmem:$0x1F850];
	_ =	sdelay $0x4  }
0x1d8: {  	v0 =	vsel vm1, s17, v0;
	v1 =	vsel vm1, v38, v1;
	vm1 =	vnez.u8 v3;
	v3 =	vld [tilespmem:$0x1F860];
	_ =	sdelay $0x4  }
0x1d9: {  	v0 =	vsel vm1, s18, v0;
	v1 =	vsel vm1, v37, v1;
	vm1 =	vnez.u8 v3;
	v3 =	vld [tilespmem:$0x1FBD0];
	_ =	sdelay $0x4  }
0x1da: {  	v0 =	vsel vm1, s19, v0;
	v1 =	vsel vm1, v36, v1;
	vm1 =	vnez.u8 v3;
	v3 =	vld [tilespmem:$0x1FC00];
	_ =	sdelay $0x1  }
0x1db: {  	v2 =	vsel vm15, s17, v2  }
0x1dc: {  	v2 =	vsel vm14, s18, v2  }
0x1dd: {  	v2 =	vsel vm13, s19, v2  }
0x1de: {  	v2 =	vsel vm0, s20, v2;
	vm0 =	vnez.u8 v3;
	v3 =	vld [tilespmem:$0x1FC30];
	_ =	sdelay $0x3  }
0x1df: {  	v0 =	vsel vm1, s20, v0;
	v1 =	vsel vm1, v27, v1  }
0x1e0: {  	v0 =	vsel vm0, s21, v0;
	v1 =	vsel vm0, v35, v1;
	vm0 =	vnez.u8 v3;
	v3 =	vld [tilespmem:$0x1FC60];
	_ =	sdelay $0x4  }
0x1e1: {  	v0 =	vsel vm0, s22, v0;
	v1 =	vsel vm0, v34, v1;
	vm0 =	vnez.u8 v3;
	v3 =	vld [tilespmem:$0x1FC90];
	_ =	sdelay $0x2  }
0x1e2: {  	v2 =	vsel vm2, s21, v2  }
0x1e3: {  	v2 =	vsel vm3, s22, v2  }
0x1e4: {  	v2 =	vsel vm4, s23, v2;
	vm4 =	vnez.u8 v3;
	v3 =	vld [tilespmem:$0x1FD30]  }
0x1e5: {  	v5 =	vld [tilespmem:$0x1F870];
	_ =	sdelay $0x2  }
0x1e6: {  	v0 =	vsel vm0, s23, v0;
	v1 =	vsel vm0, v33, v1  }
0x1e7: {  	v0 =	vsel vm4, s24, v0;
	v1 =	vsel vm4, v32, v1;
	vm4 =	vnez.u8 v3;
	v3 =	vld [tilespmem:$0x1FE20]  }
0x1e8: {  	v0 =	vsel vm4, s25, v0;
	v1 =	vsel vm4, v31, v1;
	vm4 =	vnez.u8 v5;
	v5 =	vld [tilespmem:$0x1F880];
	_ =	sdelay $0x3  }
0x1e9: {  	v2 =	vsel vm5, s24, v2;
	vm5 =	vnez.u8 v3  }
0x1ea: {  	v0 =	vsel vm5, s28, v0;
	v1 =	vsel vm5, v30, v1;
	vm5 =	vnez.u8 v5;
	v5 =	vld [tilespmem:$0x1F890];
	_ =	sdelay $0x4  }
0x1eb: {  	v0 =	vsel vm4, s26, v0;
	v1 =	vsel vm4, v29, v1;
	vm4 =	vnez.u8 v5;
	v5 =	vld [tilespmem:$0x1F8A0];
	_ =	sdelay $0x4  }
0x1ec: {  	v0 =	vsel vm5, s29, v0;
	v1 =	vsel vm5, v28, v1;
	vm5 =	vnez.u8 v5;
	v5 =	vld [tilespmem:$0x1F8B0]  }
0x1ed: {  	v2 =	vsel vm6, s25, v2  }
0x1ee: {  	v2 =	vsel vm7, s28, v2  }
0x1ef: {  	v2 =	vsel vm8, s26, v2  }
0x1f0: {  	s15 =	sadd.s32 $0x10, s15;
	v2 =	vsel vm9, s29, v2;
	v0 =	vsel vm4, s30, v0  }
0x1f1: {  	v3 =	vld [tilespmem:s15+$0x0];
	v1 =	vsel vm4, v17, v1;
	v0 =	vsel vm5, s31, v0;
	vm4 =	vnez.u8 v5  }
0x1f2: {  	v2 =	vsel vm10, s30, v2;
	v1 =	vsel vm5, v16, v1;
	v0 =	vsel vm4, s13, v0  }
0x1f3: {  	v2 =	vsel vm11, s31, v2;
	[tilespmem:$0x1FA10] =	vst v0;
	v0 =	vsel vm4, v4, v1;
	v4 =	vld [tilespmem:$0x1FFC0]  }
0x1f4: {  	[tilespmem:$0x1FA30] =	vst v0;
	v0 =	vsel vm12, s13, v2  }
0x1f5: {  	v5 =	vld [tilespmem:$0x1FFD0];
	[tilespmem:$0x1FAB0] =	vst v0;
	v0 =	vimm.s32 $0xF  }
0x1f6: {  	v6 =	vperm.xlane v3, v0  }
0x1f7: {  	v7 =	vld [tilespmem:$0x1FFE0]  }
0x1f8: {  	v8 =	vsub.f32 v4, v6  }
0x1f9: {  	v0 =	vld [tilespmem:$0x1FCC0]  }
0x1fa: {  	v11 =	vsub.f32 v5, v6;
	v8 =	vmul.f32 v8, v8  }
0x1fb: {  	v1 =	vld [tilespmem:$0x1FD10];
	v2 =	vimm.s32 $0xE  }
0x1fc: {  	v9 =	vperm.xlane v3, v2;
	v23 =	vsub.f32 v7, v6;
	[tilespmem:$0x1FCF0] =	vst v8;
	v8 =	vmul.f32 v11, v11  }
0x1fd: {  	v2 =	vld [tilespmem:$0x1FD40]  }
0x1fe: {  	v16 =	vsub.f32 v0, v9;
	[tilespmem:$0x1FA80] =	vst v8;
	v8 =	vmul.f32 v23, v23;
	_ =	sdelay $0x1  }
0x1ff: {  	v12 =	vsub.f32 v1, v9;
	[tilespmem:$0x1FA70] =	vst v8;
	v8 =	vmul.f32 v16, v16  }
0x200: {  	v14 =	vimm.s32 $0xC  }
0x201: {  	v28 =	vperm.xlane v3, v14;
	v13 =	vsub.f32 v2, v9;
	[tilespmem:$0x1FAE0] =	vst v8;
	v8 =	vmul.f32 v12, v12;
	_ =	sdelay $0x1  }
0x202: {  	v15 =	vsub.f32 v4, v9;
	v43 =	vsub.f32 v2, v28;
	[tilespmem:$0x1FA40] =	vst v8;
	v8 =	vmul.f32 v13, v13;
	_ =	sdelay $0x1  }
0x203: {  	v44 =	vsub.f32 v4, v28;
	[tilespmem:$0x1FD20] =	vst v8;
	v8 =	vmul.f32 v15, v15;
	v15 =	vmul.f32 v43, v43;
	_ =	sdelay $0x1  }
0x204: {  	v45 =	vsub.f32 v5, v28;
	[tilespmem:$0x1FDD0] =	vst v15;
	v15 =	vmul.f32 v44, v44  }
0x205: {  	v14 =	vimm.s32 $0xB  }
0x206: {  	v29 =	vperm.xlane v3, v14;
	v46 =	vsub.f32 v7, v28;
	[tilespmem:$0x1FA50] =	vst v15;
	v15 =	vmul.f32 v45, v45;
	_ =	sdelay $0x1  }
0x207: {  	v47 =	vsub.f32 v0, v29;
	[tilespmem:$0x1F9A0] =	vst v15;
	v15 =	vmul.f32 v46, v46;
	_ =	sdelay $0x1  }
0x208: {  	v48 =	vsub.f32 v1, v29;
	[tilespmem:$0x1FDF0] =	vst v15;
	v15 =	vmul.f32 v47, v47;
	_ =	sdelay $0x1  }
0x209: {  	v49 =	vsub.f32 v2, v29;
	[tilespmem:$0x1FE00] =	vst v15;
	v15 =	vmul.f32 v48, v48;
	_ =	sdelay $0x1  }
0x20a: {  	v50 =	vsub.f32 v4, v29;
	[tilespmem:$0x1FE10] =	vst v15;
	v15 =	vmul.f32 v49, v49;
	_ =	sdelay $0x1  }
0x20b: {  	v51 =	vsub.f32 v5, v29;
	[tilespmem:$0x1FE30] =	vst v15;
	v15 =	vmul.f32 v50, v50  }
0x20c: {  	v14 =	vimm.s32 $0xA  }
0x20d: {  	v30 =	vperm.xlane v3, v14;
	v52 =	vsub.f32 v7, v29;
	[tilespmem:$0x1FE50] =	vst v15;
	v15 =	vmul.f32 v51, v51;
	_ =	sdelay $0x1  }
0x20e: {  	v53 =	vsub.f32 v0, v30;
	[tilespmem:$0x1FE70] =	vst v15;
	v15 =	vmul.f32 v52, v52;
	_ =	sdelay $0x1  }
0x20f: {  	v54 =	vsub.f32 v1, v30;
	[tilespmem:$0x1FE80] =	vst v15;
	v15 =	vmul.f32 v53, v53;
	_ =	sdelay $0x1  }
0x210: {  	v55 =	vsub.f32 v2, v30;
	[tilespmem:$0x1FB50] =	vst v15;
	v15 =	vmul.f32 v54, v54;
	_ =	sdelay $0x1  }
0x211: {  	v56 =	vsub.f32 v4, v30;
	[tilespmem:$0x1FB60] =	vst v15;
	v15 =	vmul.f32 v55, v55;
	_ =	sdelay $0x1  }
0x212: {  	v57 =	vsub.f32 v5, v30;
	[tilespmem:$0x1FB70] =	vst v15;
	v15 =	vmul.f32 v56, v56  }
0x213: {  	v14 =	vimm.s32 $0x9  }
0x214: {  	v31 =	vperm.xlane v3, v14;
	v58 =	vsub.f32 v7, v30;
	[tilespmem:$0x1FE90] =	vst v15;
	v15 =	vmul.f32 v57, v57;
	_ =	sdelay $0x1  }
0x215: {  	v14 =	vimm.s32 $0x8;
	v60 =	vsub.f32 v0, v31;
	[tilespmem:$0x1FEB0] =	vst v15;
	v15 =	vmul.f32 v58, v58  }
0x216: {  	v32 =	vperm.xlane v3, v14  }
0x217: {  	v14 =	vimm.s32 $0x6;
	v61 =	vsub.f32 v1, v31;
	[tilespmem:$0x1FEC0] =	vst v15;
	v15 =	vmul.f32 v60, v60  }
0x218: {  	v34 =	vperm.xlane v3, v14  }
0x219: {  	v14 =	vimm.s32 $0x5;
	v62 =	vsub.f32 v2, v31;
	[tilespmem:$0x1FB20] =	vst v15;
	v15 =	vmul.f32 v61, v61  }
0x21a: {  	v35 =	vperm.xlane v3, v14  }
0x21b: {  	v14 =	vimm.s32 $0x4;
	v63 =	vsub.f32 v4, v31;
	[tilespmem:$0x1FB30] =	vst v15;
	v15 =	vmul.f32 v62, v62  }
0x21c: {  	v33 =	vperm.xlane v3, v25;
	v27 =	vperm.xlane v3, v14;
	v14 =	vsub.f32 v7, v31  }
0x21d: {  	v25 =	vsub.f32 v5, v31;
	[tilespmem:$0x1FB40] =	vst v15;
	v15 =	vmul.f32 v63, v63  }
0x21e: {  	v36 =	vperm.xlane v3, v24;
	[tilespmem:$0x1F8C0] =	vst v14;
	v24 =	vsub.f32 v1, v33  }
0x21f: {  	[tilespmem:$0x1FED0] =	vst v15;
	v15 =	vmul.f32 v25, v25  }
0x220: {  	[tilespmem:$0x1F930] =	vst v24  }
0x221: {  	v10 =	vsub.f32 v1, v6;
	v24 =	vsub.f32 v2, v33;
	[tilespmem:$0x1F9E0] =	vst v15;
	v15 =	vld [tilespmem:$0x1F8C0]  }
0x222: {  	[tilespmem:$0x1FB80] =	vst v6;
	v14 =	vsub.f32 v0, v32  }
0x223: {  	v10 =	vmul.f32 v10, v10;
	v26 =	vsub.f32 v0, v6;
	[tilespmem:$0x1F940] =	vst v24  }
0x224: {  	v59 =	vsub.f32 v2, v6;
	v6 =	vimm.s32 $0xD;
	[tilespmem:$0x1F8D0] =	vst v14;
	v14 =	vsub.f32 v1, v32  }
0x225: {  	v6 =	vperm.xlane v3, v6;
	[tilespmem:$0x1FCD0] =	vst v10;
	v24 =	vmul.f32 v26, v26  }
0x226: {  	[tilespmem:$0x1F8E0] =	vst v14;
	v15 =	vmul.f32 v15, v15  }
0x227: {  	v10 =	vmul.f32 v59, v59;
	v20 =	vsub.f32 v0, v6;
	v14 =	vimm.s32 $0x2;
	[tilespmem:$0x1FCA0] =	vst v24  }
0x228: {  	v24 =	vsub.f32 v7, v33;
	v37 =	vperm.xlane v3, v14;
	v14 =	vsub.f32 v2, v32;
	[tilespmem:$0x1FEE0] =	vst v15;
	v15 =	vld [tilespmem:$0x1F8D0]  }
0x229: {  	v18 =	vsub.f32 v5, v9;
	[tilespmem:$0x1FCE0] =	vst v10;
	v10 =	vmul.f32 v20, v20  }
0x22a: {  	v22 =	vsub.f32 v1, v6;
	v39 =	vsub.f32 v5, v6;
	v24 =	vmul.f32 v24, v24;
	[tilespmem:$0x1F8F0] =	vst v14  }
0x22b: {  	v41 =	vsub.f32 v0, v28;
	v14 =	vsub.f32 v4, v32;
	[tilespmem:$0x1FD50] =	vst v10  }
0x22c: {  	v19 =	vsub.f32 v2, v6;
	v10 =	vmul.f32 v22, v22;
	v12 =	vmul.f32 v39, v39;
	[tilespmem:$0x1FF40] =	vst v24  }
0x22d: {  	v40 =	vsub.f32 v7, v6;
	[tilespmem:$0x1F900] =	vst v14;
	v13 =	vmul.f32 v41, v41;
	v41 =	vmul.f32 v15, v15;
	v15 =	vld [tilespmem:$0x1F8E0]  }
0x22e: {  	v17 =	vsub.f32 v7, v9;
	v42 =	vsub.f32 v1, v28;
	[tilespmem:$0x1FD60] =	vst v10;
	v10 =	vmul.f32 v19, v19  }
0x22f: {  	v59 =	vsub.f32 v5, v33;
	v11 =	vsub.f32 v1, v34;
	[tilespmem:$0x1F9C0] =	vst v12;
	v12 =	vmul.f32 v40, v40  }
0x230: {  	v26 =	vsub.f32 v4, v33;
	v21 =	vsub.f32 v4, v6;
	v14 =	vimm.s32 $0x1;
	[tilespmem:$0x1FD70] =	vst v10  }
0x231: {  	v23 =	vsub.f32 v0, v34;
	v38 =	vperm.xlane v3, v14;
	v14 =	vsub.f32 v5, v32;
	[tilespmem:$0x1FDA0] =	vst v12  }
0x232: {  	v20 =	vsub.f32 v1, v36;
	[tilespmem:$0x1FDB0] =	vst v13;
	v13 =	vmul.f32 v42, v42;
	v42 =	vmul.f32 v15, v15;
	v15 =	vld [tilespmem:$0x1F8F0]  }
0x233: {  	v16 =	vsub.f32 v7, v27;
	v40 =	vsub.f32 v1, v35;
	v10 =	vmul.f32 v21, v21;
	[tilespmem:$0x1F910] =	vst v14  }
0x234: {  	v20 =	vmul.f32 v20, v20;
	v19 =	vsub.f32 v0, v36;
	v12 =	vsub.f32 v7, v34;
	[tilespmem:$0x1FA90] =	vst v8  }
0x235: {  	v21 =	vsub.f32 v2, v36;
	v24 =	vmul.f32 v40, v40;
	v14 =	vsub.f32 v7, v32;
	[tilespmem:$0x1FD80] =	vst v10  }
0x236: {  	v19 =	vmul.f32 v19, v19;
	v8 =	vmul.f32 v18, v18;
	v18 =	vsub.f32 v4, v34;
	[tilespmem:$0x1FDC0] =	vst v13  }
0x237: {  	v10 =	vsub.f32 v5, v34;
	v13 =	vsub.f32 v0, v35;
	[tilespmem:$0x1F920] =	vst v14;
	v43 =	vmul.f32 v15, v15;
	v15 =	vld [tilespmem:$0x1F900]  }
0x238: {  	v44 =	vsub.f32 v2, v35;
	v14 =	vimm.s32 $0x0;
	[tilespmem:$0x1FA00] =	vst v8;
	v8 =	vmul.f32 v17, v17  }
0x239: {  	v14 =	vperm.xlane v3, v14;
	v3 =	vsub.f32 v0, v33;
	v10 =	vmul.f32 v10, v10  }
0x23a: {  	v21 =	vmul.f32 v21, v21;
	v17 =	vsub.f32 v0, v27;
	v45 =	vsub.f32 v7, v36;
	[tilespmem:$0x1F9D0] =	vst v8  }
0x23b: {  	v8 =	vsub.f32 v2, v34;
	v39 =	vmul.f32 v3, v3;
	[tilespmem:$0x1FF60] =	vst v10;
	v10 =	vsub.f32 v2, v37  }
0x23c: {  	v46 =	vsub.f32 v0, v14;
	v47 =	vsub.f32 v4, v35;
	v15 =	vmul.f32 v15, v15  }
0x23d: {  	v22 =	vld [tilespmem:$0x1F940];
	v48 =	vsub.f32 v5, v35;
	v51 =	vmul.f32 v23, v23;
	v23 =	vmul.f32 v13, v13  }
0x23e: {  	v49 =	vsub.f32 v1, v38;
	v13 =	vmul.f32 v47, v47;
	v47 =	vmul.f32 v10, v10;
	[tilespmem:$0x1FEF0] =	vst v15;
	v15 =	vld [tilespmem:$0x1F910]  }
0x23f: {  	v10 =	vsub.f32 v1, v14;
	v52 =	vmul.f32 v11, v11;
	v11 =	vsub.f32 v0, v37  }
0x240: {  	[tilespmem:$0x1FF70] =	vst v13;
	v13 =	vsub.f32 v5, v37;
	v53 =	vmul.f32 v8, v8;
	v8 =	vmul.f32 v18, v18  }
0x241: {  	v18 =	vmul.f32 v48, v48;
	v48 =	vsub.f32 v0, v38;
	v54 =	vsub.f32 v2, v27  }
0x242: {  	[tilespmem:$0x1FF50] =	vst v8;
	v60 =	vmul.f32 v22, v22;
	v22 =	vmul.f32 v26, v26;
	v61 =	vsub.f32 v4, v27  }
0x243: {  	v8 =	vsub.f32 v1, v37;
	[tilespmem:$0x1FF80] =	vst v18;
	v55 =	vsub.f32 v1, v27;
	v15 =	vmul.f32 v15, v15  }
0x244: {  	v57 =	vmul.f32 v11, v11;
	[tilespmem:$0x1FF20] =	vst v22;
	v62 =	vsub.f32 v5, v27;
	v18 =	vmul.f32 v61, v61  }
0x245: {  	v22 =	vsub.f32 v5, v36;
	v61 =	vmul.f32 v16, v16;
	v16 =	vsub.f32 v2, v38;
	[tilespmem:$0x1FF00] =	vst v15;
	v15 =	vld [tilespmem:$0x1F920]  }
0x246: {  	v56 =	vsub.f32 v5, v38;
	v63 =	vmul.f32 v12, v12;
	[tilespmem:$0x1FF90] =	vst v18;
	v18 =	vmul.f32 v62, v62  }
0x247: {  	v3 =	vld [tilespmem:$0x1F930];
	v26 =	vsub.f32 v7, v37;
	v62 =	vmul.f32 v22, v22;
	v16 =	vmul.f32 v16, v16  }
0x248: {  	v12 =	vsub.f32 v4, v37;
	v25 =	vmul.f32 v59, v59;
	v59 =	vmul.f32 v17, v17  }
0x249: {  	v22 =	vsub.f32 v7, v38;
	v17 =	vmul.f32 v55, v55;
	v55 =	vmul.f32 v45, v45  }
0x24a: {  	v0 =	vld [tilespmem:$0x1F970];
	[tilespmem:$0x1FFA0] =	vst v18;
	v18 =	vsub.f32 v4, v38;
	v45 =	vmul.f32 v8, v8;
	v15 =	vmul.f32 v15, v15  }
0x24b: {  	v1 =	vld [tilespmem:$0x1F980];
	v58 =	vmul.f32 v12, v12;
	v12 =	vsub.f32 v2, v14;
	v40 =	vmul.f32 v22, v22  }
0x24c: {  	v22 =	vmul.f32 v46, v46;
	[tilespmem:$0x1FF10] =	vst v15;
	v15 =	vmul.f32 v3, v3;
	v3 =	vsub.f32 v4, v36  }
0x24d: {  	v46 =	vmul.f32 v10, v10;
	[tilespmem:$0x1FF30] =	vst v25;
	v25 =	vmul.f32 v44, v44;
	v44 =	vsub.f32 v4, v14  }
0x24e: {  	v4 =	vmul.f32 v18, v18;
	v18 =	vsub.f32 v5, v14;
	v3 =	vmul.f32 v3, v3  }
0x24f: {  	v8 =	vmul.f32 v56, v56;
	v56 =	vsub.f32 v7, v14;
	v2 =	vld [tilespmem:$0x1F990];
	vm8 =	vlt.f32 v22, v0  }
0x250: {  	vm9 =	vlt.f32 v46, v1;
	v10 =	vmul.f32 v18, v18;
	[tilespmem:$0x1FFB0] =	vst v3;
	v3 =	vmul.f32 v13, v13  }
0x251: {  	v18 =	vsel vm8, v22, v0;
	v13 =	vmul.f32 v26, v26;
	v26 =	vmul.f32 v48, v48  }
0x252: {  	v22 =	vsel vm9, v46, v1;
	v48 =	vmul.f32 v49, v49;
	v49 =	vmul.f32 v12, v12  }
0x253: {  	v0 =	vimm.s32 $0x0;
	v12 =	vmul.f32 v44, v44;
	v44 =	vmul.f32 v56, v56  }
0x254: {  	vm5 =	vlt.f32 v49, v2;
	vm10 =	vlt.f32 v26, v18;
	vm11 =	vlt.f32 v48, v22  }
0x255: {  	v0 =	vsel vm5, $0xFFFFFFFF, v0;
	v56 =	vsel vm5, v49, v2;
	v18 =	vsel vm10, v26, v18  }
0x256: {  	v22 =	vsel vm11, v48, v22;
	[tilespmem:$0x1FB90] =	vst v0;
	vm0 =	vlt.f32 v16, v56;
	v0 =	vimm.s32 $0x0  }
0x257: {  	vm13 =	vlt.f32 v57, v18;
	v0 =	vsel vm0, $0xFFFFFFFF, v0;
	v16 =	vsel vm0, v16, v56  }
0x258: {  	vm12 =	vlt.f32 v45, v22;
	[tilespmem:$0x1FBA0] =	vst v0;
	vm0 =	vlt.f32 v47, v16;
	v0 =	vimm.s32 $0x0  }
0x259: {  	v18 =	vsel vm13, v57, v18;
	v0 =	vsel vm0, $0xFFFFFFFF, v0;
	v16 =	vsel vm0, v47, v16  }
0x25a: {  	vm15 =	vlt.f32 v19, v18;
	[tilespmem:$0x1FBB0] =	vst v0;
	vm0 =	vlt.f32 v21, v16;
	v0 =	vimm.s32 $0x0  }
0x25b: {  	v22 =	vsel vm12, v45, v22;
	v18 =	vsel vm15, v19, v18;
	v0 =	vsel vm0, $0xFFFFFFFF, v0  }
0x25c: {  	vm14 =	vlt.f32 v20, v22;
	vm1 =	vlt.f32 v59, v18;
	[tilespmem:$0x1FBC0] =	vst v0;
	v0 =	vimm.s32 $0x0  }
0x25d: {  	v19 =	vsel vm14, v20, v22;
	v0 =	vsel vm1, $0xFFFFFFFF, v0  }
0x25e: {  	v54 =	vmul.f32 v54, v54;
	vm4 =	vlt.f32 v17, v19;
	[tilespmem:$0x1FBD0] =	vst v0;
	v0 =	vimm.s32 $0x0  }
0x25f: {  	v16 =	vsel vm0, v21, v16;
	v0 =	vsel vm4, $0xFFFFFFFF, v0  }
0x260: {  	vm5 =	vlt.f32 v54, v16;
	[tilespmem:$0x1FBE0] =	vst v0;
	v0 =	vimm.s32 $0x0  }
0x261: {  	v18 =	vsel vm1, v59, v18;
	v0 =	vsel vm5, $0xFFFFFFFF, v0  }
0x262: {  	v17 =	vsel vm4, v17, v19;
	vm4 =	vlt.f32 v23, v18;
	[tilespmem:$0x1FBF0] =	vst v0;
	v0 =	vimm.s32 $0x0  }
0x263: {  	v0 =	vsel vm4, $0xFFFFFFFF, v0  }
0x264: {  	v16 =	vsel vm5, v54, v16;
	vm5 =	vlt.f32 v24, v17;
	[tilespmem:$0x1FC00] =	vst v0;
	v0 =	vimm.s32 $0x0  }
0x265: {  	v0 =	vsel vm5, $0xFFFFFFFF, v0  }
0x266: {  	vm2 =	vlt.f32 v25, v16;
	[tilespmem:$0x1FC10] =	vst v0;
	v0 =	vimm.s32 $0x0  }
0x267: {  	v18 =	vsel vm4, v23, v18;
	v0 =	vsel vm2, $0xFFFFFFFF, v0  }
0x268: {  	v50 =	vsub.f32 v7, v35;
	vm0 =	vlt.f32 v51, v18;
	[tilespmem:$0x1FC20] =	vst v0;
	v0 =	vimm.s32 $0x0  }
0x269: {  	v1 =	vimm.s32 $0x0;
	v17 =	vsel vm5, v24, v17;
	v0 =	vsel vm0, $0xFFFFFFFF, v0  }
0x26a: {  	v16 =	vsel vm2, v25, v16;
	vm1 =	vlt.f32 v52, v17;
	[tilespmem:$0x1FC30] =	vst v0;
	v0 =	vimm.s32 $0x0  }
0x26b: {  	v18 =	vsel vm0, v51, v18;
	vm2 =	vlt.f32 v53, v16;
	v0 =	vsel vm1, $0xFFFFFFFF, v0  }
0x26c: {  	v2 =	vsel vm1, v52, v17;
	v11 =	vsel vm2, v53, v16;
	[tilespmem:$0x1FC40] =	vst v0;
	v0 =	vimm.s32 $0x0  }
0x26d: {  	v7 =	vld [tilespmem:$0x1F960];
	vm0 =	vlt.f32 v39, v18;
	vm1 =	vlt.f32 v15, v2;
	v0 =	vsel vm2, $0xFFFFFFFF, v0  }
0x26e: {  	v5 =	vld [tilespmem:$0x1F950];
	v1 =	vsel vm1, $0xFFFFFFFF, v1;
	vm2 =	vlt.f32 v60, v11;
	[tilespmem:$0x1FC50] =	vst v0;
	v0 =	vimm.s32 $0x0  }
0x26f: {  	v46 =	vld [tilespmem:$0x1F9D0];
	[tilespmem:$0x1FC70] =	vst v1;
	v1 =	vsel vm1, v15, v2;
	v2 =	vimm.s32 $0x0;
	v0 =	vsel vm0, $0xFFFFFFFF, v0  }
0x270: {  	v49 =	vld [tilespmem:$0x1F9A0];
	v2 =	vsel vm2, $0xFFFFFFFF, v2;
	[tilespmem:$0x1FC60] =	vst v0;
	v0 =	vsel vm0, v39, v18  }
0x271: {  	v26 =	vld [tilespmem:$0x1F9B0];
	[tilespmem:$0x1FC80] =	vst v2;
	v2 =	vsel vm2, v60, v11;
	v11 =	vimm.s32 $0x0;
	vm0 =	vlt.f32 v41, v0  }
0x272: {  	v48 =	vld [tilespmem:$0x1F9C0];
	v11 =	vsel vm0, $0xFFFFFFFF, v11  }
0x273: {  	v57 =	vld [tilespmem:$0x1F9E0];
	vm1 =	vlt.f32 v42, v1;
	[tilespmem:$0x1FC90] =	vst v11;
	v11 =	vimm.s32 $0x0  }
0x274: {  	v45 =	vld [tilespmem:$0x1F9F0];
	v11 =	vsel vm1, $0xFFFFFFFF, v11  }
0x275: {  	v47 =	vld [tilespmem:$0x1FA00];
	vm2 =	vlt.f32 v43, v2;
	[tilespmem:$0x1FCB0] =	vst v11;
	v11 =	vimm.s32 $0x0  }
0x276: {  	v20 =	vld [tilespmem:$0x1FA10];
	v11 =	vsel vm2, $0xFFFFFFFF, v11  }
0x277: {  	[tilespmem:$0x1FD00] =	vst v11;
	v11 =	vld [tilespmem:$0x1FB20]  }
0x278: {  	v19 =	vld [tilespmem:$0x1FB30]  }
0x279: {  	v22 =	vld [tilespmem:$0x1FA20]  }
0x27a: {  	v0 =	vsel vm0, v41, v0;
	v41 =	vld [tilespmem:$0x1FB40]  }
0x27b: {  	v21 =	vld [tilespmem:$0x1FA30]  }
0x27c: {  	v59 =	vld [tilespmem:$0x1FA40];
	v1 =	vsel vm1, v42, v1;
	vm0 =	vlt.f32 v11, v0  }
0x27d: {  	v54 =	vld [tilespmem:$0x1FA50];
	vm1 =	vlt.f32 v19, v1;
	v0 =	vsel vm0, v11, v0;
	v11 =	vimm.s32 $0x0  }
0x27e: {  	v23 =	vld [tilespmem:$0x1FA60];
	v2 =	vsel vm2, v43, v2;
	v11 =	vsel vm1, $0xFFFFFFFF, v11  }
0x27f: {  	v51 =	vld [tilespmem:$0x1FA70];
	vm2 =	vlt.f32 v41, v2;
	[tilespmem:$0x1FD90] =	vst v11;
	v11 =	vimm.s32 $0x0  }
0x280: {  	v52 =	vld [tilespmem:$0x1FA80];
	v11 =	vsel vm2, $0xFFFFFFFF, v11  }
0x281: {  	[tilespmem:$0x1FDE0] =	vst v11;
	v11 =	vld [tilespmem:$0x1FB50]  }
0x282: {  	v17 =	vmov v6;
	v6 =	vld [tilespmem:$0x1FAD0]  }
0x283: {  	v56 =	vimm.s32 $0x0;
	v2 =	vsel vm2, v41, v2;
	v41 =	vld [tilespmem:$0x1FB60]  }
0x284: {  	v53 =	vld [tilespmem:$0x1FA90];
	v56 =	vsel vm0, $0xFFFFFFFF, v56  }
0x285: {  	[tilespmem:$0x1FD30] =	vst v56;
	v56 =	vld [tilespmem:$0x1FB70]  }
0x286: {  	v16 =	vmovc v9;
	v9 =	vld [tilespmem:$0x1FAF0];
	v1 =	vsel vm1, v19, v1;
	v19 =	vimm.s32 $0x0;
	vm0 =	vlt.f32 v11, v0  }
0x287: {  	p0 =	sne.s32 s14, $0x1FFF;
	v15 =	vld [tilespmem:$0x1FAC0];
	v19 =	vsel vm0, $0xFFFFFFFF, v19  }
.Ltmp0:
0x288: {  	v60 =	vld [tilespmem:$0x1FAE0];
	vm1 =	vlt.f32 v41, v1;
	[tilespmem:$0x1FE20] =	vst v19;
	v19 =	vsel vm0, v11, v0;
	v0 =	vimm.s32 $0x0;
	(pc) =	sbr.rel @p0 .LBB2_2-.Ltmp0, $4  }
0x289: {  	v42 =	vld [tilespmem:$0x1FB00];
	v0 =	vsel vm1, $0xFFFFFFFF, v0  }
0x28a: {  	v39 =	vld [tilespmem:$0x1FAA0];
	vm2 =	vlt.f32 v56, v2;
	[tilespmem:$0x1FEA0] =	vst v0;
	v0 =	vimm.s32 $0x0  }
0x28b: {  	v50 =	vmul.f32 v50, v50;
	v25 =	vimm.s32 $0x7;
	v18 =	vld [tilespmem:$0x1FAB0];
	v0 =	vsel vm2, $0xFFFFFFFF, v0  }
0x28c: {  	s13 =	smov.u32 s14;
	s14 =	sadd.s32 $0x10, s14;
	v24 =	vimm.s32 $0x3;
	v43 =	vld [tilespmem:$0x1FB10];
	v41 =	vsel vm1, v41, v1;
	v11 =	vsel vm2, v56, v2;
	[tilespmem:$0x1FFF0] =	vst v0  }
0x28d: {  	vm0 =	vlt.f32 v44, v45  }
0x28e: {  	v0 =	vsel vm0, v44, v45  }
0x28f: {  	vm1 =	vlt.f32 v40, v0  }
0x290: {  	v0 =	vsel vm1, v40, v0  }
0x291: {  	vm2 =	vlt.f32 v13, v0  }
0x292: {  	v0 =	vsel vm2, v13, v0  }
0x293: {  	vm3 =	vlt.f32 v55, v0  }
0x294: {  	v0 =	vsel vm3, v55, v0  }
0x295: {  	vm4 =	vlt.f32 v61, v0  }
0x296: {  	v13 =	vld [tilespmem:$0x1FF40];
	v0 =	vsel vm4, v61, v0  }
0x297: {  	s19 =	sadd.s32 $0xFFFFFFF1, s13;
	vm5 =	vlt.f32 v50, v0  }
0x298: {  	v1 =	vsel vm0, s19, v5;
	v5 =	vld [tilespmem:$0x1FF10];
	v0 =	vsel vm5, v50, v0  }
0x299: {  	vm6 =	vlt.f32 v63, v0  }
0x29a: {  	v0 =	vsel vm6, v63, v0  }
0x29b: {  	vm7 =	vlt.f32 v13, v0  }
0x29c: {  	v0 =	vsel vm7, v13, v0  }
0x29d: {  	v2 =	vsel vm0, v14, v6;
	vm0 =	vlt.f32 v5, v0  }
0x29e: {  	v0 =	vsel vm0, v5, v0;
	v5 =	vld [tilespmem:$0x1FEE0];
	_ =	sdelay $0x3  }
0x29f: {  	s24 =	sadd.s32 $0xFFFFFFF2, s13  }
0x2a0: {  	v1 =	vsel vm1, s24, v1;
	v2 =	vsel vm1, v38, v2;
	vm1 =	vlt.f32 v5, v0  }
0x2a1: {  	v0 =	vsel vm1, v5, v0;
	v5 =	vld [tilespmem:$0x1FEC0];
	_ =	sdelay $0x3  }
0x2a2: {  	s20 =	sadd.s32 $0xFFFFFFF3, s13  }
0x2a3: {  	v1 =	vsel vm2, s20, v1;
	v2 =	vsel vm2, v37, v2;
	vm2 =	vlt.f32 v5, v0  }
0x2a4: {  	s25 =	sadd.s32 $0xFFFFFFF4, s13;
	v0 =	vsel vm2, v5, v0;
	v5 =	vld [tilespmem:$0x1FE80]  }
0x2a5: {  	s21 =	sadd.s32 $0xFFFFFFF5, s13;
	v1 =	vsel vm3, s25, v1;
	v2 =	vsel vm3, v36, v2  }
0x2a6: {  	s26 =	sadd.s32 $0xFFFFFFF6, s13;
	v1 =	vsel vm4, s21, v1;
	v2 =	vsel vm4, v27, v2  }
0x2a7: {  	s22 =	sadd.s32 $0xFFFFFFF7, s13;
	v1 =	vsel vm5, s26, v1;
	v2 =	vsel vm5, v35, v2  }
0x2a8: {  	s28 =	sadd.s32 $0xFFFFFFF8, s13;
	v1 =	vsel vm6, s22, v1;
	v2 =	vsel vm6, v34, v2  }
0x2a9: {  	v1 =	vsel vm7, s28, v1;
	v2 =	vsel vm7, v33, v2;
	vm7 =	vlt.f32 v5, v0  }
0x2aa: {  	v0 =	vsel vm7, v5, v0;
	v5 =	vld [tilespmem:$0x1FDF0];
	_ =	sdelay $0x4  }
0x2ab: {  	s23 =	sadd.s32 $0xFFFFFFF9, s13;
	vm4 =	vlt.f32 v5, v0  }
0x2ac: {  	s18 =	sadd.s32 $0xFFFFFFFA, s13;
	v1 =	vsel vm0, s23, v1;
	v2 =	vsel vm0, v32, v2;
	v0 =	vsel vm4, v5, v0;
	v5 =	vld [tilespmem:$0x1FDA0]  }
0x2ad: {  	s16 =	sadd.s32 $0xFFFFFFFB, s13;
	v1 =	vsel vm1, s18, v1;
	v2 =	vsel vm1, v31, v2  }
0x2ae: {  	s17 =	sadd.s32 $0xFFFFFFFC, s13;
	vm6 =	vlt.f32 v12, v22;
	v1 =	vsel vm2, s16, v1;
	v2 =	vsel vm2, v30, v2  }
0x2af: {  	v1 =	vsel vm7, s17, v1;
	v2 =	vsel vm7, v29, v2;
	vm7 =	vlt.f32 v10, v43  }
0x2b0: {  	s15 =	sadd.s32 $0xFFFFFFFD, s13;
	v9 =	vsel vm6, v14, v9;
	v10 =	vsel vm7, v10, v43  }
0x2b1: {  	s14 =	sadd.s32 $0xFFFFFFFE, s13;
	v13 =	vsel vm7, s19, v7;
	v1 =	vsel vm4, s15, v1;
	vm5 =	vlt.f32 v5, v0  }
0x2b2: {  	v2 =	vsel vm4, v28, v2;
	v6 =	vsel vm5, v5, v0;
	v1 =	vsel vm5, s14, v1  }
0x2b3: {  	v5 =	vsel vm5, v17, v2;
	v0 =	vsel vm6, v12, v22;
	v2 =	vsel vm6, s19, v39  }
0x2b4: {  	v12 =	vsel vm7, v14, v42;
	vm5 =	vlt.f32 v8, v10;
	vm4 =	vlt.f32 v4, v0  }
0x2b5: {  	v61 =	vld [tilespmem:$0x1FFB0];
	v8 =	vsel vm5, v8, v10;
	v55 =	vsel vm5, v38, v12;
	v56 =	vsel vm5, s24, v13  }
0x2b6: {  	v63 =	vld [tilespmem:$0x1FF90];
	v0 =	vsel vm4, v4, v0;
	v2 =	vsel vm4, s24, v2;
	vm7 =	vlt.f32 v3, v8  }
0x2b7: {  	v22 =	vld [tilespmem:$0x1FFA0];
	v7 =	vsel vm4, v38, v9;
	vm6 =	vlt.f32 v58, v0;
	v3 =	vsel vm7, v3, v8  }
0x2b8: {  	v0 =	vsel vm6, v58, v0;
	v2 =	vsel vm6, s20, v2;
	v4 =	vsel vm6, v37, v7  }
0x2b9: {  	v40 =	vld [tilespmem:$0x1FF80];
	v7 =	vsel vm7, v37, v55;
	v58 =	vsel vm7, s20, v56;
	vm5 =	vlt.f32 v62, v3  }
0x2ba: {  	v39 =	vld [tilespmem:$0x1FF70];
	vm4 =	vlt.f32 v61, v0;
	v3 =	vsel vm5, v62, v3;
	v7 =	vsel vm5, v36, v7  }
0x2bb: {  	v8 =	vsel vm5, s25, v58;
	v0 =	vsel vm4, v61, v0;
	v2 =	vsel vm4, s25, v2  }
0x2bc: {  	v43 =	vld [tilespmem:$0x1FF60];
	v4 =	vsel vm4, v36, v4;
	vm7 =	vlt.f32 v22, v3;
	vm6 =	vlt.f32 v63, v0  }
0x2bd: {  	v42 =	vld [tilespmem:$0x1FF50];
	v3 =	vsel vm7, v22, v3;
	v7 =	vsel vm7, v27, v7;
	v8 =	vsel vm7, s21, v8  }
0x2be: {  	v44 =	vld [tilespmem:$0x1FF20];
	v0 =	vsel vm6, v63, v0;
	v2 =	vsel vm6, s21, v2;
	vm5 =	vlt.f32 v40, v3  }
0x2bf: {  	v45 =	vld [tilespmem:$0x1FF30];
	v4 =	vsel vm6, v27, v4;
	vm4 =	vlt.f32 v39, v0;
	v3 =	vsel vm5, v40, v3  }
0x2c0: {  	v7 =	vsel vm5, v35, v7;
	v8 =	vsel vm5, s26, v8;
	v0 =	vsel vm4, v39, v0  }
0x2c1: {  	v55 =	vld [tilespmem:$0x1FF00];
	v2 =	vsel vm4, s26, v2;
	v4 =	vsel vm4, v35, v4;
	vm7 =	vlt.f32 v43, v3  }
0x2c2: {  	v50 =	vld [tilespmem:$0x1FEF0];
	vm6 =	vlt.f32 v42, v0;
	v3 =	vsel vm7, v43, v3;
	v7 =	vsel vm7, v34, v7  }
0x2c3: {  	v8 =	vsel vm7, s22, v8;
	v0 =	vsel vm6, v42, v0;
	v2 =	vsel vm6, s22, v2  }
0x2c4: {  	v4 =	vsel vm6, v34, v4;
	vm5 =	vlt.f32 v45, v3;
	vm4 =	vlt.f32 v44, v0  }
0x2c5: {  	v56 =	vld [tilespmem:$0x1FED0];
	v3 =	vsel vm5, v45, v3;
	v7 =	vsel vm5, v33, v7;
	v8 =	vsel vm5, s28, v8  }
0x2c6: {  	v61 =	vld [tilespmem:$0x1FEB0];
	v0 =	vsel vm4, v44, v0;
	v2 =	vsel vm4, s28, v2;
	vm7 =	vlt.f32 v55, v3  }
0x2c7: {  	v58 =	vld [tilespmem:$0x1FE90];
	v4 =	vsel vm4, v33, v4;
	vm6 =	vlt.f32 v50, v0;
	v3 =	vsel vm7, v55, v3  }
0x2c8: {  	v63 =	vld [tilespmem:$0x1FE70];
	v7 =	vsel vm7, v32, v7;
	v8 =	vsel vm7, s23, v8;
	v0 =	vsel vm6, v50, v0  }
0x2c9: {  	v2 =	vsel vm6, s23, v2;
	v4 =	vsel vm6, v32, v4;
	vm5 =	vlt.f32 v57, v3  }
0x2ca: {  	v12 =	vld [tilespmem:$0x1FBA0];
	vm4 =	vlt.f32 v56, v0;
	v3 =	vsel vm5, v57, v3;
	v7 =	vsel vm5, v31, v7  }
0x2cb: {  	v62 =	vld [tilespmem:$0x1FE50];
	v8 =	vsel vm5, s18, v8;
	v0 =	vsel vm4, v56, v0;
	vm7 =	vlt.f32 v61, v3  }
0x2cc: {  	v2 =	vsel vm4, s18, v2;
	vm6 =	vlt.f32 v58, v0;
	v3 =	vsel vm7, v61, v3  }
0x2cd: {  	v7 =	vsel vm7, v30, v7;
	v8 =	vsel vm7, s16, v8;
	vm5 =	vlt.f32 v63, v3  }
0x2ce: {  	v0 =	vsel vm6, v58, v0;
	v3 =	vsel vm5, v63, v3;
	v7 =	vsel vm5, v29, v7  }
0x2cf: {  	v8 =	vsel vm5, s17, v8;
	vm5 =	vnez.u8 v12;
	v12 =	vld [tilespmem:$0x1FD80];
	vm7 =	vlt.f32 v49, v3  }
0x2d0: {  	v4 =	vsel vm4, v31, v4;
	vm4 =	vlt.f32 v62, v0;
	v9 =	vsel vm7, v49, v3;
	v3 =	vld [tilespmem:$0x1FB90]  }
0x2d1: {  	v0 =	vsel vm4, v62, v0  }
0x2d2: {  	v2 =	vsel vm6, s16, v2;
	v4 =	vsel vm6, v30, v4;
	vm6 =	vlt.f32 v54, v0  }
0x2d3: {  	v2 =	vsel vm4, s17, v2;
	v4 =	vsel vm4, v29, v4;
	v0 =	vsel vm6, v54, v0  }
0x2d4: {  	v39 =	vld [tilespmem:$0x1FBF0];
	v2 =	vsel vm6, s15, v2;
	v4 =	vsel vm6, v28, v4;
	vm6 =	vlt.f32 v12, v0  }
0x2d5: {  	v12 =	vsel vm6, v12, v0;
	v0 =	vsel vm6, s14, v2;
	v2 =	vld [tilespmem:$0x1FBB0];
	vm4 =	vnez.u8 v3  }
0x2d6: {  	v3 =	vsel vm4, s19, v23;
	v23 =	vld [tilespmem:$0x1FBC0];
	_ =	sdelay $0x2  }
0x2d7: {  	v7 =	vsel vm7, v28, v7;
	v8 =	vsel vm7, s15, v8;
	v22 =	vsel vm4, v14, v26  }
0x2d8: {  	v3 =	vsel vm5, s24, v3;
	v10 =	vsel vm5, v38, v22;
	vm7 =	vnez.u8 v2  }
0x2d9: {  	vm5 =	vnez.u8 v39;
	v2 =	vsel vm7, s20, v3;
	vm4 =	vnez.u8 v23  }
0x2da: {  	v3 =	vsel vm6, v17, v4;
	vm6 =	vlt.f32 v48, v9;
	v2 =	vsel vm4, s25, v2  }
0x2db: {  	v4 =	vsel vm7, v37, v10;
	v10 =	vsel vm5, s21, v2;
	v2 =	vsel vm6, v17, v7;
	v7 =	vld [tilespmem:$0x1FC20];
	_ =	sdelay $0x3  }
0x2dc: {  	v4 =	vsel vm4, v36, v4  }
0x2dd: {  	v13 =	vsel vm5, v27, v4;
	vm7 =	vnez.u8 v7  }
0x2de: {  	v40 =	vsel vm7, v35, v13;
	v13 =	vld [tilespmem:$0x1FC80];
	_ =	sdelay $0x3  }
0x2df: {  	v42 =	vld [tilespmem:$0x1FC50]  }
0x2e0: {  	vm5 =	vnez.u8 v13;
	v13 =	vld [tilespmem:$0x1FDE0];
	_ =	sdelay $0x3  }
0x2e1: {  	vm4 =	vnez.u8 v42;
	v4 =	vsel vm6, s14, v8;
	v7 =	vsel vm7, s26, v10  }
0x2e2: {  	v7 =	vsel vm4, s22, v7;
	v8 =	vsel vm4, v34, v40;
	vm4 =	vnez.u8 v13  }
0x2e3: {  	v13 =	vsel vm8, v14, v21;
	v14 =	vsel vm9, v14, v15;
	v15 =	vsel vm9, s19, v18;
	v18 =	vld [tilespmem:$0x1FBD0];
	_ =	sdelay $0x2  }
0x2e4: {  	v43 =	vld [tilespmem:$0x1FE30];
	_ =	sdelay $0x1  }
0x2e5: {  	vm9 =	vnez.u8 v18;
	v18 =	vld [tilespmem:$0x1FBE0];
	_ =	sdelay $0x2  }
0x2e6: {  	vm0 =	vlt.f32 v43, v11  }
0x2e7: {  	v54 =	vsel vm8, s19, v20;
	v10 =	vsel vm0, v43, v11  }
0x2e8: {  	v11 =	vsel vm10, s24, v54;
	v13 =	vsel vm10, v38, v13;
	vm10 =	vnez.u8 v18;
	v18 =	vld [tilespmem:$0x1FC00];
	_ =	sdelay $0x4  }
0x2e9: {  	v14 =	vsel vm11, v38, v14;
	v15 =	vsel vm11, s24, v15;
	vm11 =	vnez.u8 v18;
	v18 =	vld [tilespmem:$0x1FC10];
	_ =	sdelay $0x4  }
0x2ea: {  	v14 =	vsel vm12, v37, v14;
	v15 =	vsel vm12, s20, v15;
	vm12 =	vnez.u8 v18;
	v18 =	vld [tilespmem:$0x1FC30];
	_ =	sdelay $0x4  }
0x2eb: {  	v11 =	vsel vm13, s20, v11;
	v13 =	vsel vm13, v37, v13;
	vm13 =	vnez.u8 v18;
	v18 =	vld [tilespmem:$0x1FC40];
	_ =	sdelay $0x4  }
0x2ec: {  	v14 =	vsel vm14, v36, v14;
	v15 =	vsel vm14, s25, v15;
	vm14 =	vnez.u8 v18;
	v18 =	vld [tilespmem:$0x1FC60];
	_ =	sdelay $0x2  }
0x2ed: {  	v44 =	vld [tilespmem:$0x1FD00];
	_ =	sdelay $0x1  }
0x2ee: {  	v11 =	vsel vm15, s25, v11;
	v13 =	vsel vm15, v36, v13;
	vm15 =	vnez.u8 v18;
	v18 =	vld [tilespmem:$0x1FC70];
	_ =	sdelay $0x1  }
0x2ef: {  	v9 =	vsel vm6, v48, v9  }
0x2f0: {  	vm6 =	vnez.u8 v44;
	v7 =	vsel vm5, s28, v7;
	v8 =	vsel vm5, v33, v8  }
0x2f1: {  	v48 =	vld [tilespmem:$0x1FFF0];
	v7 =	vsel vm6, s23, v7;
	v8 =	vsel vm6, v32, v8  }
0x2f2: {  	v7 =	vsel vm4, s18, v7;
	v8 =	vsel vm4, v31, v8;
	vm4 =	vnez.u8 v18;
	v18 =	vld [tilespmem:$0x1FC90]  }
0x2f3: {  	v45 =	vld [tilespmem:$0x1FDD0];
	_ =	sdelay $0x1  }
0x2f4: {  	v49 =	vld [tilespmem:$0x1FD70]  }
0x2f5: {  	vm5 =	vnez.u8 v48  }
0x2f6: {  	v7 =	vsel vm5, s16, v7;
	v8 =	vsel vm5, v30, v8;
	vm5 =	vnez.u8 v18;
	v18 =	vld [tilespmem:$0x1FCB0]  }
0x2f7: {  	vm7 =	vlt.f32 v45, v10  }
0x2f8: {  	v10 =	vsel vm7, v45, v10  }
0x2f9: {  	v50 =	vld [tilespmem:$0x1FD20];
	vm6 =	vlt.f32 v49, v10;
	v7 =	vsel vm0, s17, v7;
	v8 =	vsel vm0, v29, v8  }
0x2fa: {  	v10 =	vsel vm6, v49, v10;
	v7 =	vsel vm7, s15, v7;
	v8 =	vsel vm7, v28, v8  }
0x2fb: {  	v7 =	vsel vm6, s14, v7;
	v8 =	vsel vm6, v17, v8;
	vm6 =	vnez.u8 v18;
	v18 =	vld [tilespmem:$0x1FE00];
	_ =	sdelay $0x2  }
0x2fc: {  	vm7 =	vlt.f32 v50, v10  }
0x2fd: {  	s29 =	sadd.s32 $0xFFFFFFFF, s13;
	v10 =	vsel vm7, v50, v10  }
0x2fe: {  	v7 =	vsel vm7, s29, v7;
	v8 =	vsel vm7, v16, v8;
	vm7 =	vlt.f32 v18, v19  }
0x2ff: {  	v13 =	vsel vm9, v27, v13;
	v14 =	vsel vm10, v27, v14;
	v27 =	vmovc v16;
	v16 =	vsel vm7, v18, v19;
	v18 =	vld [tilespmem:$0x1FD90];
	_ =	sdelay $0x4  }
0x300: {  	v11 =	vsel vm9, s21, v11;
	vm9 =	vnez.u8 v18;
	v18 =	vld [tilespmem:$0x1FE20];
	_ =	sdelay $0x4  }
0x301: {  	v11 =	vsel vm11, s26, v11;
	v13 =	vsel vm11, v35, v13;
	vm11 =	vnez.u8 v18;
	v18 =	vld [tilespmem:$0x1FDB0];
	_ =	sdelay $0x2  }
0x302: {  	v20 =	vld [tilespmem:$0x1FD30]  }
0x303: {  	v15 =	vsel vm10, s21, v15;
	v19 =	vld [tilespmem:$0x1FE10]  }
0x304: {  	v14 =	vsel vm12, v35, v14;
	v15 =	vsel vm12, s26, v15;
	vm12 =	vlt.f32 v18, v16  }
0x305: {  	v16 =	vsel vm12, v18, v16;
	v18 =	vld [tilespmem:$0x1FEA0];
	_ =	sdelay $0x1  }
0x306: {  	vm8 =	vnez.u8 v20;
	v11 =	vsel vm13, s22, v11;
	v13 =	vsel vm13, v34, v13  }
0x307: {  	v14 =	vsel vm14, v34, v14;
	v15 =	vsel vm14, s22, v15;
	vm10 =	vlt.f32 v19, v41  }
0x308: {  	v58 =	vmovc v17;
	v11 =	vsel vm15, s28, v11;
	v13 =	vsel vm15, v33, v13;
	v17 =	vsel vm10, v19, v41;
	v19 =	vld [tilespmem:$0x1FDC0]  }
0x309: {  	v14 =	vsel vm4, v33, v14;
	v11 =	vsel vm5, s23, v11;
	vm13 =	vnez.u8 v18;
	v18 =	vld [tilespmem:$0x1FD50]  }
0x30a: {  	v15 =	vsel vm4, s28, v15;
	v13 =	vsel vm5, v32, v13;
	v11 =	vsel vm8, s18, v11  }
0x30b: {  	v13 =	vsel vm8, v31, v13;
	v14 =	vsel vm6, v32, v14;
	v15 =	vsel vm6, s23, v15  }
0x30c: {  	v14 =	vsel vm9, v31, v14;
	v15 =	vsel vm9, s18, v15;
	vm9 =	vlt.f32 v53, v12  }
0x30d: {  	v63 =	vld [tilespmem:$0x1FCF0];
	v62 =	vsel vm9, v53, v12;
	v3 =	vsel vm9, v27, v3;
	vm14 =	vlt.f32 v19, v17  }
0x30e: {  	v0 =	vsel vm9, s29, v0;
	v17 =	vsel vm14, v19, v17;
	v19 =	vld [tilespmem:$0x1FD60];
	vm15 =	vlt.f32 v18, v16  }
0x30f: {  	v56 =	vmovc v29;
	v11 =	vsel vm11, s16, v11;
	v13 =	vsel vm11, v30, v13;
	v16 =	vsel vm15, v18, v16;
	v18 =	vld [tilespmem:$0x1FCA0]  }
0x310: {  	vm11 =	vlt.f32 v47, v9;
	v13 =	vsel vm7, v56, v13;
	v11 =	vsel vm7, s17, v11  }
0x311: {  	v57 =	vmovc v28;
	v9 =	vsel vm11, v47, v9;
	v2 =	vsel vm11, v27, v2;
	v11 =	vsel vm12, s15, v11  }
0x312: {  	v13 =	vsel vm12, v57, v13;
	vm12 =	vlt.f32 v63, v62;
	vm4 =	vlt.f32 v60, v16  }
0x313: {  	v55 =	vmovc v30;
	vm5 =	vlt.f32 v19, v17;
	v0 =	vsel vm12, s13, v0;
	v16 =	vsel vm4, v60, v16  }
0x314: {  	v14 =	vsel vm13, v55, v14;
	vm6 =	vlt.f32 v18, v16;
	v16 =	vsel vm5, v19, v17;
	v17 =	vld [tilespmem:$0x1FB80]  }
0x315: {  	v15 =	vsel vm13, s16, v15;
	vm13 =	vlt.f32 v52, v9;
	v14 =	vsel vm10, v56, v14  }
0x316: {  	v15 =	vsel vm10, s17, v15;
	v14 =	vsel vm14, v57, v14;
	v11 =	vsel vm15, s14, v11;
	v18 =	vld [tilespmem:$0x1FCD0]  }
0x317: {  	v15 =	vsel vm14, s15, v15;
	v13 =	vsel vm15, v58, v13;
	v11 =	vsel vm4, s29, v11  }
0x318: {  	[tilespmem:$0x2130] =	vst v0;
	v14 =	vsel vm5, v58, v14;
	v13 =	vsel vm4, v27, v13;
	v11 =	vsel vm6, s13, v11  }
0x319: {  	v15 =	vsel vm5, s14, v15;
	vm7 =	vlt.f32 v59, v16;
	[tilespmem:$0x2100] =	vst v11;
	v13 =	vsel vm6, v17, v13  }
0x31a: {  	v16 =	vsel vm7, v59, v16;
	v61 =	vsel vm7, s29, v15;
	v3 =	vsel vm12, v17, v3;
	[tilespmem:$0x2080] =	vst v13  }
0x31b: {  	vm8 =	vlt.f32 v18, v16;
	v0 =	vsel vm13, v17, v2;
	v13 =	vsel vm7, v27, v14;
	v14 =	vld [tilespmem:$0x1FCE0];
	[tilespmem:$0x20B0] =	vst v3  }
0x31c: {  	vm14 =	vlt.f32 v46, v6;
	v11 =	vsel vm8, s13, v61;
	[tilespmem:$0x20C0] =	vst v0  }
0x31d: {  	v3 =	vsel vm11, s29, v4;
	v4 =	vsel vm14, v46, v6;
	v13 =	vsel vm8, v17, v13;
	[tilespmem:$0x2110] =	vst v11  }
0x31e: {  	v2 =	vsel vm13, s13, v3;
	vm15 =	vlt.f32 v51, v4;
	v3 =	vsel vm14, v27, v5;
	[tilespmem:$0x2090] =	vst v13  }
0x31f: {  	v0 =	vsel vm14, s29, v1;
	v1 =	vsel vm15, v17, v3;
	[tilespmem:$0x2140] =	vst v2  }
0x320: {  	v0 =	vsel vm15, s13, v0;
	[tilespmem:$0x20D0] =	vst v1;
	vm10 =	vlt.f32 v14, v10  }
0x321: {  	[tilespmem:$0x2150] =	vst v0;
	v8 =	vsel vm10, v17, v8  }
0x322: {  	v7 =	vsel vm10, s13, v7;
	[tilespmem:$0x20A0] =	vst v8  }
0x323: {  	[tilespmem:$0x2120] =	vst v7  }
0x324: {  	[hbm4b:s5+s3] =	stream.linear.scatter [tilespmem:s10], [sflag:$0x1], $0x60, $0x38;
	[tilespmem:$0x2180] =	vst v63  }
0x325: {  	s12 =	sadd.s32 $0x1, s12;
	_ =	swait.ge [sflag:s9], $0x60  }
0x326: {  	p0 =	sne.s32 s12, s7;
	[sflag:s9] =	ssyncset.done $0x0  }
.Ltmp1:
0x327: {  	[sflag:s9] =	ssyncadd.s32 $0xFFFFFFA0;
	(pc) =	sbr.rel @p0 .LBB2_1-.Ltmp1, $4  }
0x328: {  	[hbm4b:s6+s3] =	stream.linear.scatter [tilespmem:s11], [sflag:$0x1], $0x60, $0x38;
	[tilespmem:$0x2180] =	vst v63  }
0x329: {  	v18 =	vimm.s32 $0xA;
	_ =	swait.ge [sflag:s9], $0x60  }
0x32a: {  	v4 =	vimm.s32 $0xE;
	v5 =	vimm.s32 $0xF;
	v2 =	vimm.s32 $0xC;
	[sflag:s9] =	ssyncset.done $0x0  }
0x32b: {  	v3 =	vimm.s32 $0xD;
	v1 =	vimm.s32 $0xB;
	v14 =	vimm.s32 $0x9;
	[sflag:s9] =	ssyncadd.s32 $0xFFFFFFA0  }
0x32c: {  	_ =	sfence.sel $0x180000  }
0x32d: {  	[bflag:$0x0] =	sbarrier.arrive $0xFFFF  }
0x32e: {  	p0 =	sne.s32 s0, $0x0;
	_ =	strace $0x90000047  }
0x32f: {  	s0 =	sadd.s32 @!p0 $0x100000, s2;
	[bflag:$0x2] =	sbarrier.arrive $0xFFFF  }
0x330: {  	[sflag:s0] =	ssyncadd.tile.s32 @!p0 $0x1;
	_ =	shalt  }
.Lfunc_end2:
_tile_overlayer_lowered:
.L_overlay_start_2:
0x331: {  	(tag) =	ssettag $0x2  }
0x332: {  	s0 =	rddreg [dreg:$0x0];
	s2 =	stileid.u32  }
0x333: {  	s1 =	rddreg [dreg:$0x1];
	p0 =	sne.s32 s2, $0x0  }
0x334: {  	s3 =	rddreg [dreg:$0x2];
	[bflag:$0x3] =	sbarrier.arrive $0xFFFF;
	s2 =	simm.s32 @!p0 $0x1C01  }
0x335: {  	[timem:s3], [sflag:s2] =	dma.local @!p0 [hbm:s0], s1  }
0x336: {  	s0 =	simm.s32 @!p0 $0x1  }
0x337: {  	_ =	swait.ge @!p0 [sflag:s0], s1  }
0x338: {  	s1 =	ssub.s32 @!p0 $0x0, s1;
	[sflag:s0] =	ssyncset.done @!p0 $0x0  }
0x339: {  	[sflag:s0] =	ssyncadd.s32 @!p0 s1  }
0x33a: {  	[bflag:$0x3] =	sbarrier.arrive $0xFFFF  }
0x33b: {  	_ =	shalt  }

</sc_bundles>
